<compile_context>
chip_gen: v7x
topology: tpu7x:2x2x1
jax: 0.10.2.dev20260603
libtpu: 0.0.44.dev20260713+nightly
codegen_flags: <defaults>
</compile_context>

<pallas_src>
import functools

import jax
import jax.numpy as jnp
from jax import lax
from jax.experimental import pallas as pl
from jax.experimental.pallas import tpu as pltpu
from jax.experimental.pallas import tpu_sc as plsc

N = 10000
E = 160000
D_IN = 512
D_H = 256
D_OUT = 128

NT = 16

W = 128
EPT = E // NT
NWIN = 80
EPTP = NWIN * W
NPAD = 10112
RPT = NPAD // NT
RPT_FULL = (RPT // W) * W
RPT_REM = RPT - RPT_FULL

EPT2 = E // (2 * NT)
NWIN2 = 40
EPTP2 = NWIN2 * W

DW = 128
DNWIN = 80
DEPTP = DNWIN * DW
DNPAD = 10240
DRPT = DNPAD // NT

_MESH = plsc.VectorSubcoreMesh(core_axis_name="c", subcore_axis_name="s")



def _zero_fill(buf, rows, cols):
    zeros16 = jnp.zeros((16,), jnp.float32)

    @pl.loop(0, rows)
    def _(i):
        @pl.loop(0, cols, step=16)
        def _(j):
            buf[i, pl.ds(j, 16)] = zeros16


@functools.partial(
    pl.kernel,
    out_type=jax.ShapeDtypeStruct((2, DNPAD), jnp.float32),
    mesh=_MESH,
    scratch_types=[
        pltpu.VMEM((DNWIN, DW), jnp.int32),
        pltpu.VMEM((DW,), jnp.float32),
        pltpu.VMEM((DRPT,), jnp.float32),
        pltpu.VMEM_SHARED((DNPAD,), jnp.float32),
    ],
)
def _deg_kernel(idx_hbm, out_hbm, idx_v, ones_v, zer_v, acc):
    c = lax.axis_index("c")
    s = lax.axis_index("s")
    pltpu.sync_copy(idx_hbm.at[c, s], idx_v)

    ones16 = jnp.ones((16,), jnp.float32)
    zeros16 = jnp.zeros((16,), jnp.float32)

    @pl.loop(0, DW, step=16)
    def _(j):
        ones_v[pl.ds(j, 16)] = ones16

    @pl.loop(0, DRPT, step=16)
    def _(j):
        zer_v[pl.ds(j, 16)] = zeros16

    pltpu.sync_copy(zer_v, acc.at[pl.ds(s * DRPT, DRPT)])
    plsc.subcore_barrier()

    @pl.loop(0, DNWIN)
    def _(w):
        pltpu.sync_copy(ones_v, acc.at[idx_v.at[w]], add=True)

    plsc.subcore_barrier()
    pltpu.sync_copy(acc.at[pl.ds(s * DRPT, DRPT)],
                    out_hbm.at[c, pl.ds(s * DRPT, DRPT)])


def _make_agg_kernel(nwin: int, dst_per_core: bool):

    @functools.partial(
        pl.kernel,
        out_type=jax.ShapeDtypeStruct((2, NPAD, 128), jnp.float32),
        mesh=_MESH,
        scratch_types=[
            pltpu.VMEM((nwin, W), jnp.int32),
            pltpu.VMEM((2, 2, W), jnp.int32),
            pltpu.VMEM((2, W, 128), jnp.float32),
            pltpu.VMEM_SHARED((NPAD, 128), jnp.float32),
            pltpu.SemaphoreType.DMA,
            pltpu.SemaphoreType.DMA,
            pltpu.SemaphoreType.DMA,
            pltpu.SemaphoreType.DMA,
        ],
    )
    def _agg(h_hbm, src_hbm, dst_hbm, out_hbm, src_v, dst_v, buf, acc,
             sem0, sem1, dsem0, dsem1):
        c = lax.axis_index("c")
        s = lax.axis_index("s")
        pltpu.sync_copy(src_hbm.at[c, s], src_v)
        dst_base = dst_hbm.at[c, s] if dst_per_core else dst_hbm.at[s]

        _zero_fill(buf.at[0], W, 128)

        @pl.loop(0, RPT_FULL, step=W)
        def _(r):
            pltpu.sync_copy(buf.at[0], acc.at[pl.ds(s * RPT + r, W)])

        pltpu.sync_copy(buf.at[0].at[pl.ds(0, RPT_REM)],
                        acc.at[pl.ds(s * RPT + RPT_FULL, RPT_REM)])

        plsc.subcore_barrier()

        dsems = (dsem0, dsem1)

        def _wait_g(k, sem):
            pltpu.make_async_copy(h_hbm.at[pl.ds(0, W)], buf.at[k], sem).wait()

        def _gather(w, k, sem):
            pltpu.async_copy(h_hbm.at[src_v.at[w]], buf.at[k], sem)

        def _dst_fetch(pair, k):
            pltpu.async_copy(dst_base.at[pair], dst_v.at[k], dsems[k])

        def _wait_dst(k):
            pltpu.make_async_copy(dst_base.at[0], dst_v.at[k],
                                  dsems[k]).wait()

        def _scatter(bufk, dstk, row):
            pltpu.sync_copy(buf.at[bufk], acc.at[dst_v.at[dstk].at[row]],
                            add=True)

        _dst_fetch(0, 0)
        _dst_fetch(1, 1)
        _gather(0, 0, sem0)

        @pl.loop(0, nwin, step=4)
        def _(w):
            _gather(w + 1, 1, sem1)
            _wait_dst(0)
            _wait_g(0, sem0)
            _scatter(0, 0, 0)

            @pl.when(w + 2 < nwin)
            def _():
                _gather(w + 2, 0, sem0)

            _wait_g(1, sem1)
            _scatter(1, 0, 1)

            @pl.when(w + 4 < nwin)
            def _():
                _dst_fetch(w // 2 + 2, 0)
                _gather(w + 3, 1, sem1)

            @pl.when(w + 4 >= nwin)
            def _():
                _gather(w + 3, 1, sem1)

            _wait_dst(1)
            _wait_g(0, sem0)
            _scatter(0, 1, 0)

            @pl.when(w + 4 < nwin)
            def _():
                _gather(w + 4, 0, sem0)

            _wait_g(1, sem1)
            _scatter(1, 1, 1)

            @pl.when(w + 6 < nwin)
            def _():
                _dst_fetch(w // 2 + 3, 1)

        plsc.subcore_barrier()
        pltpu.sync_copy(acc.at[pl.ds(s * RPT, RPT)],
                        out_hbm.at[c, pl.ds(s * RPT, RPT)])

    return _agg


_agg_l1 = _make_agg_kernel(NWIN, False)
_agg_l2 = _make_agg_kernel(NWIN2, True)



BR = 2000
NB = N // BR


def _norm(deg_row):
    return lax.rsqrt(jnp.where(deg_row > 0.0, deg_row, 1.0))


def _mm1_body(x_ref, w_ref, deg_ref, o_ref):
    h = lax.dot_general(
        x_ref[...], w_ref[...], (((1,), (0,)), ((), ())),
        preferred_element_type=jnp.float32,
        precision=lax.Precision.DEFAULT)
    ns = _norm(deg_ref[0][:, 0:1])
    o_ref[0] = h[:, : D_H // 2] * ns
    o_ref[1] = h[:, D_H // 2:] * ns


def _mm1(x, w1, degc):
    return pl.pallas_call(
        _mm1_body,
        grid=(NB,),
        in_specs=[pl.BlockSpec((BR, D_IN), lambda i: (i, 0)),
                  pl.BlockSpec((D_IN, D_H), lambda i: (0, 0)),
                  pl.BlockSpec((1, BR, 2), lambda i: (i, 0, 0))],
        out_specs=pl.BlockSpec((2, BR, D_H // 2), lambda i: (0, i, 0)),
        out_shape=jax.ShapeDtypeStruct((2, N, D_H // 2), jnp.float32),
    )(x, w1, degc)


def _mid_body(agg_ref, deg_ref, b1_ref, w2_ref, o_ref):
    a = jnp.concatenate([agg_ref[0], agg_ref[1]], axis=-1)
    ns = _norm(deg_ref[0][:, 0:1])
    nd = _norm(deg_ref[0][:, 1:2])
    z = jnp.maximum(a * nd + b1_ref[...], 0.0) * ns
    y = lax.dot_general(z, w2_ref[...], (((1,), (0,)), ((), ())),
                        preferred_element_type=jnp.float32,
                        precision=lax.Precision.DEFAULT)
    o_ref[...] = y


def _mid(agg1, degc, b1, w2):
    return pl.pallas_call(
        _mid_body,
        grid=(NB,),
        in_specs=[pl.BlockSpec((2, BR, D_H // 2), lambda i: (0, i, 0)),
                  pl.BlockSpec((1, BR, 2), lambda i: (i, 0, 0)),
                  pl.BlockSpec((1, D_H), lambda i: (0, 0)),
                  pl.BlockSpec((D_H, D_OUT), lambda i: (0, 0))],
        out_specs=pl.BlockSpec((BR, D_OUT), lambda i: (i, 0)),
        out_shape=jax.ShapeDtypeStruct((N, D_OUT), jnp.float32),
    )(agg1, degc, b1.reshape(1, D_H), w2)


def _fin_body(agg_ref, deg_ref, b2_ref, o_ref):
    a = agg_ref[0] + agg_ref[1]
    nd = _norm(deg_ref[0][:, 1:2])
    o_ref[...] = a * nd + b2_ref[...]


def _fin(agg2, degc, b2):
    return pl.pallas_call(
        _fin_body,
        grid=(NB,),
        in_specs=[pl.BlockSpec((2, BR, D_OUT), lambda i: (0, i, 0)),
                  pl.BlockSpec((1, BR, 2), lambda i: (i, 0, 0)),
                  pl.BlockSpec((1, D_OUT), lambda i: (0, 0))],
        out_specs=pl.BlockSpec((BR, D_OUT), lambda i: (i, 0)),
        out_shape=jax.ShapeDtypeStruct((N, D_OUT), jnp.float32),
    )(agg2, degc, b2.reshape(1, D_OUT))



def kernel(x, edge_index, W1, b1, W2, b2):
    src = edge_index[0].astype(jnp.int32).reshape(NT, EPT)
    dst = edge_index[1].astype(jnp.int32).reshape(NT, EPT)

    npad1 = EPTP - EPT
    pad_read = (jnp.arange(npad1, dtype=jnp.int32) * 41) % N
    pad_hi = N + (jnp.arange(npad1, dtype=jnp.int32) % (NPAD - N))
    pad_deg = N + (jnp.arange(DEPTP - EPT, dtype=jnp.int32) % (DNPAD - N))

    def _slab(idx, pad, nwin, w):
        npd = nwin * w - idx.shape[1]
        return jnp.concatenate(
            [idx, jnp.broadcast_to(pad[:npd], (NT, npd))], axis=1
        ).reshape(NT, nwin, w)

    src_gather = _slab(src, pad_read, NWIN, W)
    src_slab = jnp.stack([src_gather, src_gather + N])
    dst_slab = _slab(dst, pad_hi, NWIN, W).reshape(NT, NWIN // 2, 2, W)
    deg_slab = jnp.stack([_slab(src, pad_deg, DNWIN, DW),
                          _slab(dst, pad_deg, DNWIN, DW)])

    npad2 = EPTP2 - EPT2
    pad_read2 = (jnp.arange(npad2, dtype=jnp.int32) * 41) % N
    pad_hi2 = N + (jnp.arange(npad2, dtype=jnp.int32) % (NPAD - N))

    def _slab2(idx, pad):
        return jnp.concatenate(
            [idx.reshape(2, NT, EPT2),
             jnp.broadcast_to(pad, (2, NT, npad2))], axis=2
        ).reshape(2, NT, NWIN2, W)

    src2_slab = _slab2(src, pad_read2)
    dst2_slab = _slab2(dst, pad_hi2).reshape(2, NT, NWIN2 // 2, 2, W)

    deg = _deg_kernel(deg_slab)
    degc = deg[:, :N].T.reshape(NB, BR, 2)
    hcat1 = _mm1(x, W1, degc).reshape(2 * N, D_H // 2)
    agg1 = _agg_l1(hcat1, src_slab, dst_slab)
    h2 = _mid(agg1, degc, b1, W2)
    agg2 = _agg_l2(h2, src2_slab, dst2_slab)
    return _fin(agg2, degc, b2)

# --- scband reference (transcript-rebuilt; emitter-appended) ---
"""Pipeline reference for scband-gcn-24764781428751 (READ-ONLY COPY).

The authoritative reference and input builder live on the scoring server;
editing this copy changes nothing except your own understanding.
"""

import jax, jax.numpy as jnp
import numpy as np

N = 10000
E = 160000
D_IN = 512
D_H = 256
D_OUT = 128


def setup_inputs(seed: int = 0) -> dict:
    key = jax.random.key(seed)
    ks = jax.random.split(key, 6)
    x = jax.random.normal(ks[0], (N, D_IN), dtype=jnp.float32)
    edge_index = jax.random.randint(ks[1], (2, E), 0, N)
    W1 = jax.random.normal(ks[2], (D_IN, D_H), dtype=jnp.float32) * (1.0 / np.sqrt(D_IN))
    b1 = jnp.zeros((D_H,), dtype=jnp.float32)
    W2 = jax.random.normal(ks[3], (D_H, D_OUT), dtype=jnp.float32) * (1.0 / np.sqrt(D_H))
    b2 = jnp.zeros((D_OUT,), dtype=jnp.float32)
    return {"x": x, "edge_index": edge_index, "W1": W1, "b1": b1, "W2": W2, "b2": b2}


def gcn_layer(x, edge_index, W, b):
    # DGL GraphConv with norm='both': D_out^{-1/2} on src, sum-aggregate, D_in^{-1/2} on dst.
    # in_feats > out_feats for both layers, so project (matmul) before aggregation,
    # matching DGL's order of operations.
    src = edge_index[0]
    dst = edge_index[1]
    n = x.shape[0]
    ones = jnp.ones((src.shape[0],), dtype=jnp.float32)
    out_deg = jax.ops.segment_sum(ones, src, num_segments=n)
    in_deg = jax.ops.segment_sum(ones, dst, num_segments=n)
    norm_src = jnp.where(out_deg > 0.0, out_deg, 1.0) ** -0.5
    norm_dst = jnp.where(in_deg > 0.0, in_deg, 1.0) ** -0.5
    h = (x * norm_src[:, None]) @ W
    msg = jnp.take(h, src, axis=0)
    agg = jax.ops.segment_sum(msg, dst, num_segments=n)
    return agg * norm_dst[:, None] + b


def reference(x, edge_index, W1, b1, W2, b2):
    h = gcn_layer(x, edge_index, W1, b1)
    h = jax.nn.relu(h)
    out = gcn_layer(h, edge_index, W2, b2)
    return out

if __name__ == "__main__":
    import jax
    _d = setup_inputs()
    print(jax.jit(kernel)(*tuple(_d.values())))

</pallas_src>

<mosaic_0001>
#map = affine_map<(d0, d1) -> (0, 0, 0, 0)>
#map1 = affine_map<(d0, d1) -> (0, 0)>
module attributes {stable_mosaic.version = 14 : i64} {
  func.func @_deg_kernel(%arg0: i32, %arg1: i32, %arg2: memref<2x16x80x128xi32, #tpu.memory_space<hbm>>, %arg3: memref<2x10240xf32, #tpu.memory_space<hbm>>, %arg4: memref<80x128xi32, #tpu.memory_space<vmem>>, %arg5: memref<128xf32, #tpu.memory_space<vmem>>, %arg6: memref<640xf32, #tpu.memory_space<vmem>>, %arg7: memref<10240xf32, #tpu.memory_space<vmem_shared>>) attributes {dimension_semantics = [#tpu.dimension_semantics<core_parallel>, #tpu.dimension_semantics<subcore_parallel>], iteration_bounds = array<i64: 2, 16>, scalar_prefetch = 0 : i64, scratch_operands = 4 : i64, tpu.core_type = #tpu.core_type<sc_vector_subcore>, window_params = [{transform_indices = #map}, {transform_indices = #map1}]} {
    "tpu.region"() ({
      %run_scoped3A = tpu.sem_alloc : memref<!tpu.dma_semaphore, #tpu.memory_space<semaphore_mem>>
      %dma_start3A = arith.constant 0 : i32
      %dma_start3A_23 = arith.constant 0 : i32
      %dma_start3A_24 = tpu.memref_slice %arg2[%arg0, %arg1, %dma_start3A, %dma_start3A_23] : memref<2x16x80x128xi32, #tpu.memory_space<hbm>> -> memref<1x1x80x128xi32, #tpu.memory_space<hbm>>
      %dma_start3A_25 = tpu.memref_squeeze %dma_start3A_24 : memref<1x1x80x128xi32, #tpu.memory_space<hbm>> -> memref<80x128xi32, #tpu.memory_space<hbm>>
      %dma_start3A_26 = arith.constant 0 : i32
      %dma_start3A_27 = arith.constant 0 : i32
      %dma_start3A_28 = tpu.memref_slice %arg2[%arg0, %arg1, %dma_start3A_26, %dma_start3A_27] : memref<2x16x80x128xi32, #tpu.memory_space<hbm>> -> memref<1x1x80x128xi32, #tpu.memory_space<hbm>>
      %dma_start3A_29 = tpu.memref_squeeze %dma_start3A_28 : memref<1x1x80x128xi32, #tpu.memory_space<hbm>> -> memref<80x128xi32, #tpu.memory_space<hbm>>
      tpu.enqueue_dma source(%dma_start3A_29 : memref<80x128xi32, #tpu.memory_space<hbm>>) target(%arg4 : memref<80x128xi32, #tpu.memory_space<vmem>>) target_semaphore(%run_scoped3A : memref<!tpu.dma_semaphore, #tpu.memory_space<semaphore_mem>>)
      %dma_wait3A = arith.constant 0 : i32
      %dma_wait3A_30 = arith.constant 0 : i32
      %dma_wait3A_31 = tpu.memref_slice %arg2[%arg0, %arg1, %dma_wait3A, %dma_wait3A_30] : memref<2x16x80x128xi32, #tpu.memory_space<hbm>> -> memref<1x1x80x128xi32, #tpu.memory_space<hbm>>
      %dma_wait3A_32 = tpu.memref_squeeze %dma_wait3A_31 : memref<1x1x80x128xi32, #tpu.memory_space<hbm>> -> memref<80x128xi32, #tpu.memory_space<hbm>>
      %dma_wait3A_33 = arith.constant 0 : i32
      %dma_wait3A_34 = arith.constant 0 : i32
      %dma_wait3A_35 = tpu.memref_slice %arg2[%arg0, %arg1, %dma_wait3A_33, %dma_wait3A_34] : memref<2x16x80x128xi32, #tpu.memory_space<hbm>> -> memref<1x1x80x128xi32, #tpu.memory_space<hbm>>
      %dma_wait3A_36 = tpu.memref_squeeze %dma_wait3A_35 : memref<1x1x80x128xi32, #tpu.memory_space<hbm>> -> memref<80x128xi32, #tpu.memory_space<hbm>>
      tpu.wait_dma2 semaphore(%run_scoped3A : memref<!tpu.dma_semaphore, #tpu.memory_space<semaphore_mem>>) src(%dma_wait3A_36 : memref<80x128xi32, #tpu.memory_space<hbm>>) dst(%arg4 : memref<80x128xi32, #tpu.memory_space<vmem>>)
      tpu.yield
    }) : () -> ()
    %broadcast_in_dim3A = arith.constant 1.000000e+00 : f32
    %broadcast_in_dim3A_0 = vector.broadcast %broadcast_in_dim3A : f32 to vector<16xf32>
    %broadcast_in_dim3A_1 = arith.constant 0.000000e+00 : f32
    %broadcast_in_dim3A_2 = vector.broadcast %broadcast_in_dim3A_1 : f32 to vector<16xf32>
    %scan3A = arith.constant 0 : i32
    %scan3A_3 = arith.constant 8 : i32
    %scan3A_4 = arith.addi %scan3A, %scan3A_3 : i32
    %scan3A_5 = arith.constant 1 : i32
    scf.for %scan3A_23 = %scan3A to %scan3A_4 step %scan3A_5  : i32 {
      %mul3A_24 = arith.constant 16 : i32
      %mul3A_25 = arith.muli %scan3A_23, %mul3A_24 : i32
      %add3A = arith.constant 0 : i32
      %add3A_26 = arith.addi %add3A, %mul3A_25 : i32
      %swap3A = arith.index_cast %add3A_26 : i32 to index
      %swap3A_27 = tpu.vector_load %arg5[%swap3A] {strides = array<i32>} : memref<128xf32, #tpu.memory_space<vmem>>, vector<16xf32>,
      %swap3A_28 = vector.shape_cast %swap3A_27 : vector<16xf32> to vector<16xf32>
      %swap3A_29 = vector.shape_cast %broadcast_in_dim3A_0 : vector<16xf32> to vector<16xf32>
      tpu.vector_store %arg5[%swap3A], %swap3A_29 {strides = array<i32>} : memref<128xf32, #tpu.memory_space<vmem>>, vector<16xf32>,
    }
    %scan3A_6 = arith.constant 8 : i32
    %scan3A_7 = arith.constant 0 : i32
    %scan3A_8 = arith.constant 40 : i32
    %scan3A_9 = arith.addi %scan3A_7, %scan3A_8 : i32
    %scan3A_10 = arith.constant 1 : i32
    scf.for %scan3A_23 = %scan3A_7 to %scan3A_9 step %scan3A_10  : i32 {
      %mul3A_24 = arith.constant 16 : i32
      %mul3A_25 = arith.muli %scan3A_23, %mul3A_24 : i32
      %add3A = arith.constant 0 : i32
      %add3A_26 = arith.addi %add3A, %mul3A_25 : i32
      %swap3A = arith.index_cast %add3A_26 : i32 to index
      %swap3A_27 = tpu.vector_load %arg6[%swap3A] {strides = array<i32>} : memref<640xf32, #tpu.memory_space<vmem>>, vector<16xf32>,
      %swap3A_28 = vector.shape_cast %swap3A_27 : vector<16xf32> to vector<16xf32>
      %swap3A_29 = vector.shape_cast %broadcast_in_dim3A_2 : vector<16xf32> to vector<16xf32>
      tpu.vector_store %arg6[%swap3A], %swap3A_29 {strides = array<i32>} : memref<640xf32, #tpu.memory_space<vmem>>, vector<16xf32>,
    }
    %scan3A_11 = arith.constant 40 : i32
    %mul3A = arith.constant 640 : i32
    %mul3A_12 = arith.muli %arg1, %mul3A : i32
    "tpu.region"() ({
      %run_scoped3A = tpu.sem_alloc : memref<!tpu.dma_semaphore, #tpu.memory_space<semaphore_mem>>
      %dma_start3A = tpu.memref_slice %arg7[%mul3A_12] : memref<10240xf32, #tpu.memory_space<vmem_shared>> -> memref<640xf32, #tpu.memory_space<vmem_shared>>
      %dma_start3A_23 = tpu.memref_slice %arg7[%mul3A_12] : memref<10240xf32, #tpu.memory_space<vmem_shared>> -> memref<640xf32, #tpu.memory_space<vmem_shared>>
      tpu.enqueue_dma source(%arg6 : memref<640xf32, #tpu.memory_space<vmem>>) target(%dma_start3A_23 : memref<640xf32, #tpu.memory_space<vmem_shared>>) target_semaphore(%run_scoped3A : memref<!tpu.dma_semaphore, #tpu.memory_space<semaphore_mem>>)
      %dma_wait3A = tpu.memref_slice %arg7[%mul3A_12] : memref<10240xf32, #tpu.memory_space<vmem_shared>> -> memref<640xf32, #tpu.memory_space<vmem_shared>>
      %dma_wait3A_24 = tpu.memref_slice %arg7[%mul3A_12] : memref<10240xf32, #tpu.memory_space<vmem_shared>> -> memref<640xf32, #tpu.memory_space<vmem_shared>>
      tpu.wait_dma2 semaphore(%run_scoped3A : memref<!tpu.dma_semaphore, #tpu.memory_space<semaphore_mem>>) src(%arg6 : memref<640xf32, #tpu.memory_space<vmem>>) dst(%dma_wait3A_24 : memref<640xf32, #tpu.memory_space<vmem_shared>>)
      tpu.yield
    }) : () -> ()
    %barrier3A = arith.constant 0 : index
    tpu.barrier barrier_id(%barrier3A)
    %scan3A_13 = arith.constant 0 : i32
    %scan3A_14 = arith.constant 80 : i32
    %scan3A_15 = arith.addi %scan3A_13, %scan3A_14 : i32
    %scan3A_16 = arith.constant 1 : i32
    scf.for %scan3A_23 = %scan3A_13 to %scan3A_15 step %scan3A_16  : i32 {
      %mul3A_24 = arith.constant 1 : i32
      %mul3A_25 = arith.muli %scan3A_23, %mul3A_24 : i32
      %add3A = arith.constant 0 : i32
      %add3A_26 = arith.addi %add3A, %mul3A_25 : i32
      "tpu.region"() ({
        %run_scoped3A = tpu.sem_alloc : memref<!tpu.dma_semaphore, #tpu.memory_space<semaphore_mem>>
        %dma_start3A = arith.constant 0 : i32
        %dma_start3A_27 = tpu.memref_slice %arg4[%add3A_26, %dma_start3A] : memref<80x128xi32, #tpu.memory_space<vmem>> -> memref<1x128xi32, #tpu.memory_space<vmem>>
        %dma_start3A_28 = tpu.memref_squeeze %dma_start3A_27 : memref<1x128xi32, #tpu.memory_space<vmem>> -> memref<128xi32, #tpu.memory_space<vmem>>
        %dma_start3A_29 = arith.constant 0 : i32
        %dma_start3A_30 = tpu.memref_slice %arg7[%dma_start3A_29] : memref<10240xf32, #tpu.memory_space<vmem_shared>> -> memref<10240xf32, #tpu.memory_space<vmem_shared>>
        tpu.enqueue_indirect_dma source(%arg5 : memref<128xf32, #tpu.memory_space<vmem>>) target(%dma_start3A_30 : memref<10240xf32, #tpu.memory_space<vmem_shared>>) offsets(%dma_start3A_28 : memref<128xi32, #tpu.memory_space<vmem>>) semaphore(%run_scoped3A : memref<!tpu.dma_semaphore, #tpu.memory_space<semaphore_mem>>) {add = true}
        %dma_wait3A = arith.constant 0 : i32
        %dma_wait3A_31 = tpu.memref_slice %arg4[%add3A_26, %dma_wait3A] : memref<80x128xi32, #tpu.memory_space<vmem>> -> memref<1x128xi32, #tpu.memory_space<vmem>>
        %dma_wait3A_32 = tpu.memref_squeeze %dma_wait3A_31 : memref<1x128xi32, #tpu.memory_space<vmem>> -> memref<128xi32, #tpu.memory_space<vmem>>
        %dma_wait3A_33 = arith.constant 0 : i32
        %dma_wait3A_34 = tpu.memref_slice %arg7[%dma_wait3A_33] : memref<10240xf32, #tpu.memory_space<vmem_shared>> -> memref<10240xf32, #tpu.memory_space<vmem_shared>>
        tpu.wait_indirect_dma semaphore(%run_scoped3A : memref<!tpu.dma_semaphore, #tpu.memory_space<semaphore_mem>>) src(%arg5 : memref<128xf32, #tpu.memory_space<vmem>>) dst(%dma_wait3A_34 : memref<10240xf32, #tpu.memory_space<vmem_shared>>)
        tpu.yield
      }) : () -> ()
    }
    %scan3A_17 = arith.constant 80 : i32
    %barrier3A_18 = arith.constant 0 : index
    tpu.barrier barrier_id(%barrier3A_18)
    %mul3A_19 = arith.constant 640 : i32
    %mul3A_20 = arith.muli %arg1, %mul3A_19 : i32
    %mul3A_21 = arith.constant 640 : i32
    %mul3A_22 = arith.muli %arg1, %mul3A_21 : i32
    "tpu.region"() ({
      %run_scoped3A = tpu.sem_alloc : memref<!tpu.dma_semaphore, #tpu.memory_space<semaphore_mem>>
      %dma_start3A = tpu.memref_slice %arg3[%arg0, %mul3A_22] : memref<2x10240xf32, #tpu.memory_space<hbm>> -> memref<1x640xf32, #tpu.memory_space<hbm>>
      %dma_start3A_23 = tpu.memref_squeeze %dma_start3A : memref<1x640xf32, #tpu.memory_space<hbm>> -> memref<640xf32, #tpu.memory_space<hbm>>
      %dma_start3A_24 = tpu.memref_slice %arg7[%mul3A_20] : memref<10240xf32, #tpu.memory_space<vmem_shared>> -> memref<640xf32, #tpu.memory_space<vmem_shared>>
      tpu.enqueue_dma source(%dma_start3A_24 : memref<640xf32, #tpu.memory_space<vmem_shared>>) target(%dma_start3A_23 : memref<640xf32, #tpu.memory_space<hbm>>) target_semaphore(%run_scoped3A : memref<!tpu.dma_semaphore, #tpu.memory_space<semaphore_mem>>)
      %dma_wait3A = tpu.memref_slice %arg3[%arg0, %mul3A_22] : memref<2x10240xf32, #tpu.memory_space<hbm>> -> memref<1x640xf32, #tpu.memory_space<hbm>>
      %dma_wait3A_25 = tpu.memref_squeeze %dma_wait3A : memref<1x640xf32, #tpu.memory_space<hbm>> -> memref<640xf32, #tpu.memory_space<hbm>>
      %dma_wait3A_26 = tpu.memref_slice %arg7[%mul3A_20] : memref<10240xf32, #tpu.memory_space<vmem_shared>> -> memref<640xf32, #tpu.memory_space<vmem_shared>>
      tpu.wait_dma2 semaphore(%run_scoped3A : memref<!tpu.dma_semaphore, #tpu.memory_space<semaphore_mem>>) src(%dma_wait3A_26 : memref<640xf32, #tpu.memory_space<vmem_shared>>) dst(%dma_wait3A_25 : memref<640xf32, #tpu.memory_space<hbm>>)
      tpu.yield
    }) : () -> ()
    return
  }
}

#map = affine_map<(d0, d1) -> (0, 0)>
#map1 = affine_map<(d0, d1) -> (0, 0, 0, 0)>
#map2 = affine_map<(d0, d1) -> (0, 0, 0, 0, 0)>
#map3 = affine_map<(d0, d1) -> (0, 0, 0)>
module attributes {stable_mosaic.version = 14 : i64} {
  func.func @_agg(%arg0: i32, %arg1: i32, %arg2: memref<10000x128xf32, #tpu.memory_space<hbm>>, %arg3: memref<2x16x40x128xi32, #tpu.memory_space<hbm>>, %arg4: memref<2x16x20x2x128xi32, #tpu.memory_space<hbm>>, %arg5: memref<2x10112x128xf32, #tpu.memory_space<hbm>>, %arg6: memref<40x128xi32, #tpu.memory_space<vmem>>, %arg7: memref<2x2x128xi32, #tpu.memory_space<vmem>>, %arg8: memref<2x128x128xf32, #tpu.memory_space<vmem>>, %arg9: memref<10112x128xf32, #tpu.memory_space<vmem_shared>>, %arg10: memref<!tpu.dma_semaphore, #tpu.memory_space<semaphore_mem>>, %arg11: memref<!tpu.dma_semaphore, #tpu.memory_space<semaphore_mem>>, %arg12: memref<!tpu.dma_semaphore, #tpu.memory_space<semaphore_mem>>, %arg13: memref<!tpu.dma_semaphore, #tpu.memory_space<semaphore_mem>>) attributes {dimension_semantics = [#tpu.dimension_semantics<core_parallel>, #tpu.dimension_semantics<subcore_parallel>], iteration_bounds = array<i64: 2, 16>, scalar_prefetch = 0 : i64, scratch_operands = 8 : i64, tpu.core_type = #tpu.core_type<sc_vector_subcore>, window_params = [{transform_indices = #map}, {transform_indices = #map1}, {transform_indices = #map2}, {transform_indices = #map3}]} {
    "tpu.region"() ({
      %run_scoped3A_90 = tpu.sem_alloc : memref<!tpu.dma_semaphore, #tpu.memory_space<semaphore_mem>>
      %dma_start3A_91 = arith.constant 0 : i32
      %dma_start3A_92 = arith.constant 0 : i32
      %dma_start3A_93 = tpu.memref_slice %arg3[%arg0, %arg1, %dma_start3A_91, %dma_start3A_92] : memref<2x16x40x128xi32, #tpu.memory_space<hbm>> -> memref<1x1x40x128xi32, #tpu.memory_space<hbm>>
      %dma_start3A_94 = tpu.memref_squeeze %dma_start3A_93 : memref<1x1x40x128xi32, #tpu.memory_space<hbm>> -> memref<40x128xi32, #tpu.memory_space<hbm>>
      %dma_start3A_95 = arith.constant 0 : i32
      %dma_start3A_96 = arith.constant 0 : i32
      %dma_start3A_97 = tpu.memref_slice %arg3[%arg0, %arg1, %dma_start3A_95, %dma_start3A_96] : memref<2x16x40x128xi32, #tpu.memory_space<hbm>> -> memref<1x1x40x128xi32, #tpu.memory_space<hbm>>
      %dma_start3A_98 = tpu.memref_squeeze %dma_start3A_97 : memref<1x1x40x128xi32, #tpu.memory_space<hbm>> -> memref<40x128xi32, #tpu.memory_space<hbm>>
      tpu.enqueue_dma source(%dma_start3A_98 : memref<40x128xi32, #tpu.memory_space<hbm>>) target(%arg6 : memref<40x128xi32, #tpu.memory_space<vmem>>) target_semaphore(%run_scoped3A_90 : memref<!tpu.dma_semaphore, #tpu.memory_space<semaphore_mem>>)
      %dma_wait3A = arith.constant 0 : i32
      %dma_wait3A_99 = arith.constant 0 : i32
      %dma_wait3A_100 = tpu.memref_slice %arg3[%arg0, %arg1, %dma_wait3A, %dma_wait3A_99] : memref<2x16x40x128xi32, #tpu.memory_space<hbm>> -> memref<1x1x40x128xi32, #tpu.memory_space<hbm>>
      %dma_wait3A_101 = tpu.memref_squeeze %dma_wait3A_100 : memref<1x1x40x128xi32, #tpu.memory_space<hbm>> -> memref<40x128xi32, #tpu.memory_space<hbm>>
      %dma_wait3A_102 = arith.constant 0 : i32
      %dma_wait3A_103 = arith.constant 0 : i32
      %dma_wait3A_104 = tpu.memref_slice %arg3[%arg0, %arg1, %dma_wait3A_102, %dma_wait3A_103] : memref<2x16x40x128xi32, #tpu.memory_space<hbm>> -> memref<1x1x40x128xi32, #tpu.memory_space<hbm>>
      %dma_wait3A_105 = tpu.memref_squeeze %dma_wait3A_104 : memref<1x1x40x128xi32, #tpu.memory_space<hbm>> -> memref<40x128xi32, #tpu.memory_space<hbm>>
      tpu.wait_dma2 semaphore(%run_scoped3A_90 : memref<!tpu.dma_semaphore, #tpu.memory_space<semaphore_mem>>) src(%dma_wait3A_105 : memref<40x128xi32, #tpu.memory_space<hbm>>) dst(%arg6 : memref<40x128xi32, #tpu.memory_space<vmem>>)
      tpu.yield
    }) : () -> ()
    %broadcast_in_dim3A = arith.constant 0.000000e+00 : f32
    %broadcast_in_dim3A_0 = vector.broadcast %broadcast_in_dim3A : f32 to vector<16xf32>
    %scan3A = arith.constant 0 : i32
    %scan3A_1 = arith.constant 0 : i32
    %scan3A_2 = arith.constant 128 : i32
    %scan3A_3 = arith.addi %scan3A_1, %scan3A_2 : i32
    %scan3A_4 = arith.constant 1 : i32
    scf.for %scan3A_90 = %scan3A_1 to %scan3A_3 step %scan3A_4  : i32 {
      %mul3A_91 = arith.constant 1 : i32
      %mul3A_92 = arith.muli %scan3A_90, %mul3A_91 : i32
      %add3A_93 = arith.constant 0 : i32
      %add3A_94 = arith.addi %add3A_93, %mul3A_92 : i32
      %scan3A_95 = arith.constant 0 : i32
      %scan3A_96 = arith.constant 8 : i32
      %scan3A_97 = arith.addi %scan3A_95, %scan3A_96 : i32
      %scan3A_98 = arith.constant 1 : i32
      scf.for %scan3A_100 = %scan3A_95 to %scan3A_97 step %scan3A_98  : i32 {
        %mul3A_101 = arith.constant 16 : i32
        %mul3A_102 = arith.muli %scan3A_100, %mul3A_101 : i32
        %add3A_103 = arith.constant 0 : i32
        %add3A_104 = arith.addi %add3A_103, %mul3A_102 : i32
        %swap3A = arith.constant 0 : i32
        %swap3A_105 = arith.constant 0 : i32
        %swap3A_106 = tpu.memref_slice %arg8[%scan3A, %swap3A, %swap3A_105] : memref<2x128x128xf32, #tpu.memory_space<vmem>> -> memref<1x128x128xf32, #tpu.memory_space<vmem>>
        %swap3A_107 = tpu.memref_squeeze %swap3A_106 : memref<1x128x128xf32, #tpu.memory_space<vmem>> -> memref<128x128xf32, #tpu.memory_space<vmem>>
        %swap3A_108 = arith.index_cast %add3A_94 : i32 to index
        %swap3A_109 = arith.index_cast %add3A_104 : i32 to index
        %swap3A_110 = tpu.vector_load %swap3A_107[%swap3A_108, %swap3A_109] {strides = array<i32>} : memref<128x128xf32, #tpu.memory_space<vmem>>, vector<1x16xf32>,
        %swap3A_111 = vector.shape_cast %swap3A_110 : vector<1x16xf32> to vector<16xf32>
        %swap3A_112 = vector.shape_cast %broadcast_in_dim3A_0 : vector<16xf32> to vector<1x16xf32>
        tpu.vector_store %swap3A_107[%swap3A_108, %swap3A_109], %swap3A_112 {strides = array<i32>} : memref<128x128xf32, #tpu.memory_space<vmem>>, vector<1x16xf32>,
      }
      %scan3A_99 = arith.constant 8 : i32
    }
    %scan3A_5 = arith.constant 128 : i32
    %scan3A_6 = arith.constant 0 : i32
    %scan3A_7 = arith.constant 4 : i32
    %scan3A_8 = arith.addi %scan3A_6, %scan3A_7 : i32
    %scan3A_9 = arith.constant 1 : i32
    scf.for %scan3A_90 = %scan3A_6 to %scan3A_8 step %scan3A_9  : i32 {
      %mul3A_91 = arith.constant 128 : i32
      %mul3A_92 = arith.muli %scan3A_90, %mul3A_91 : i32
      %add3A_93 = arith.constant 0 : i32
      %add3A_94 = arith.addi %add3A_93, %mul3A_92 : i32
      %mul3A_95 = arith.constant 632 : i32
      %mul3A_96 = arith.muli %arg1, %mul3A_95 : i32
      %add3A_97 = arith.addi %mul3A_96, %add3A_94 : i32
      %run_scoped3A_98 = arith.constant 0 : i32
      "tpu.region"() ({
        %run_scoped3A_99 = tpu.sem_alloc : memref<!tpu.dma_semaphore, #tpu.memory_space<semaphore_mem>>
        %dma_start3A_100 = arith.constant 0 : i32
        %dma_start3A_101 = arith.constant 0 : i32
        %dma_start3A_102 = tpu.memref_slice %arg8[%run_scoped3A_98, %dma_start3A_100, %dma_start3A_101] : memref<2x128x128xf32, #tpu.memory_space<vmem>> -> memref<1x128x128xf32, #tpu.memory_space<vmem>>
        %dma_start3A_103 = tpu.memref_squeeze %dma_start3A_102 : memref<1x128x128xf32, #tpu.memory_space<vmem>> -> memref<128x128xf32, #tpu.memory_space<vmem>>
        %dma_start3A_104 = arith.constant 0 : i32
        %dma_start3A_105 = tpu.memref_slice %arg9[%add3A_97, %dma_start3A_104] : memref<10112x128xf32, #tpu.memory_space<vmem_shared>> -> memref<128x128xf32, #tpu.memory_space<vmem_shared>>
        %dma_start3A_106 = arith.constant 0 : i32
        %dma_start3A_107 = tpu.memref_slice %arg9[%add3A_97, %dma_start3A_106] : memref<10112x128xf32, #tpu.memory_space<vmem_shared>> -> memref<128x128xf32, #tpu.memory_space<vmem_shared>>
        %dma_start3A_108 = arith.constant 0 : i32
        %dma_start3A_109 = arith.constant 0 : i32
        %dma_start3A_110 = tpu.memref_slice %arg8[%run_scoped3A_98, %dma_start3A_108, %dma_start3A_109] : memref<2x128x128xf32, #tpu.memory_space<vmem>> -> memref<1x128x128xf32, #tpu.memory_space<vmem>>
        %dma_start3A_111 = tpu.memref_squeeze %dma_start3A_110 : memref<1x128x128xf32, #tpu.memory_space<vmem>> -> memref<128x128xf32, #tpu.memory_space<vmem>>
        tpu.enqueue_dma source(%dma_start3A_111 : memref<128x128xf32, #tpu.memory_space<vmem>>) target(%dma_start3A_107 : memref<128x128xf32, #tpu.memory_space<vmem_shared>>) target_semaphore(%run_scoped3A_99 : memref<!tpu.dma_semaphore, #tpu.memory_space<semaphore_mem>>)
        %dma_wait3A = arith.constant 0 : i32
        %dma_wait3A_112 = arith.constant 0 : i32
        %dma_wait3A_113 = tpu.memref_slice %arg8[%run_scoped3A_98, %dma_wait3A, %dma_wait3A_112] : memref<2x128x128xf32, #tpu.memory_space<vmem>> -> memref<1x128x128xf32, #tpu.memory_space<vmem>>
        %dma_wait3A_114 = tpu.memref_squeeze %dma_wait3A_113 : memref<1x128x128xf32, #tpu.memory_space<vmem>> -> memref<128x128xf32, #tpu.memory_space<vmem>>
        %dma_wait3A_115 = arith.constant 0 : i32
        %dma_wait3A_116 = tpu.memref_slice %arg9[%add3A_97, %dma_wait3A_115] : memref<10112x128xf32, #tpu.memory_space<vmem_shared>> -> memref<128x128xf32, #tpu.memory_space<vmem_shared>>
        %dma_wait3A_117 = arith.constant 0 : i32
        %dma_wait3A_118 = tpu.memref_slice %arg9[%add3A_97, %dma_wait3A_117] : memref<10112x128xf32, #tpu.memory_space<vmem_shared>> -> memref<128x128xf32, #tpu.memory_space<vmem_shared>>
        %dma_wait3A_119 = arith.constant 0 : i32
        %dma_wait3A_120 = arith.constant 0 : i32
        %dma_wait3A_121 = tpu.memref_slice %arg8[%run_scoped3A_98, %dma_wait3A_119, %dma_wait3A_120] : memref<2x128x128xf32, #tpu.memory_space<vmem>> -> memref<1x128x128xf32, #tpu.memory_space<vmem>>
        %dma_wait3A_122 = tpu.memref_squeeze %dma_wait3A_121 : memref<1x128x128xf32, #tpu.memory_space<vmem>> -> memref<128x128xf32, #tpu.memory_space<vmem>>
        tpu.wait_dma2 semaphore(%run_scoped3A_99 : memref<!tpu.dma_semaphore, #tpu.memory_space<semaphore_mem>>) src(%dma_wait3A_122 : memref<128x128xf32, #tpu.memory_space<vmem>>) dst(%dma_wait3A_118 : memref<128x128xf32, #tpu.memory_space<vmem_shared>>)
        tpu.yield
      }) : () -> ()
    }
    %scan3A_10 = arith.constant 4 : i32
    %mul3A = arith.constant 632 : i32
    %mul3A_11 = arith.muli %arg1, %mul3A : i32
    %add3A = arith.constant 512 : i32
    %add3A_12 = arith.addi %mul3A_11, %add3A : i32
    %run_scoped3A = arith.constant 0 : i32
    "tpu.region"() ({
      %run_scoped3A_90 = tpu.sem_alloc : memref<!tpu.dma_semaphore, #tpu.memory_space<semaphore_mem>>
      %dma_start3A_91 = arith.constant 0 : i32
      %dma_start3A_92 = arith.constant 0 : i32
      %dma_start3A_93 = tpu.memref_slice %arg8[%run_scoped3A, %dma_start3A_91, %dma_start3A_92] : memref<2x128x128xf32, #tpu.memory_space<vmem>> -> memref<1x128x128xf32, #tpu.memory_space<vmem>>
      %dma_start3A_94 = tpu.memref_squeeze %dma_start3A_93 : memref<1x128x128xf32, #tpu.memory_space<vmem>> -> memref<128x128xf32, #tpu.memory_space<vmem>>
      %dma_start3A_95 = arith.constant 0 : i32
      %dma_start3A_96 = arith.constant 0 : i32
      %dma_start3A_97 = tpu.memref_slice %dma_start3A_94[%dma_start3A_95, %dma_start3A_96] : memref<128x128xf32, #tpu.memory_space<vmem>> -> memref<120x128xf32, #tpu.memory_space<vmem>>
      %dma_start3A_98 = arith.constant 0 : i32
      %dma_start3A_99 = tpu.memref_slice %arg9[%add3A_12, %dma_start3A_98] : memref<10112x128xf32, #tpu.memory_space<vmem_shared>> -> memref<120x128xf32, #tpu.memory_space<vmem_shared>>
      %dma_start3A_100 = arith.constant 0 : i32
      %dma_start3A_101 = tpu.memref_slice %arg9[%add3A_12, %dma_start3A_100] : memref<10112x128xf32, #tpu.memory_space<vmem_shared>> -> memref<120x128xf32, #tpu.memory_space<vmem_shared>>
      %dma_start3A_102 = arith.constant 0 : i32
      %dma_start3A_103 = arith.constant 0 : i32
      %dma_start3A_104 = tpu.memref_slice %arg8[%run_scoped3A, %dma_start3A_102, %dma_start3A_103] : memref<2x128x128xf32, #tpu.memory_space<vmem>> -> memref<1x128x128xf32, #tpu.memory_space<vmem>>
      %dma_start3A_105 = tpu.memref_squeeze %dma_start3A_104 : memref<1x128x128xf32, #tpu.memory_space<vmem>> -> memref<128x128xf32, #tpu.memory_space<vmem>>
      %dma_start3A_106 = arith.constant 0 : i32
      %dma_start3A_107 = arith.constant 0 : i32
      %dma_start3A_108 = tpu.memref_slice %dma_start3A_105[%dma_start3A_106, %dma_start3A_107] : memref<128x128xf32, #tpu.memory_space<vmem>> -> memref<120x128xf32, #tpu.memory_space<vmem>>
      tpu.enqueue_dma source(%dma_start3A_108 : memref<120x128xf32, #tpu.memory_space<vmem>>) target(%dma_start3A_101 : memref<120x128xf32, #tpu.memory_space<vmem_shared>>) target_semaphore(%run_scoped3A_90 : memref<!tpu.dma_semaphore, #tpu.memory_space<semaphore_mem>>)
      %dma_wait3A = arith.constant 0 : i32
      %dma_wait3A_109 = arith.constant 0 : i32
      %dma_wait3A_110 = tpu.memref_slice %arg8[%run_scoped3A, %dma_wait3A, %dma_wait3A_109] : memref<2x128x128xf32, #tpu.memory_space<vmem>> -> memref<1x128x128xf32, #tpu.memory_space<vmem>>
      %dma_wait3A_111 = tpu.memref_squeeze %dma_wait3A_110 : memref<1x128x128xf32, #tpu.memory_space<vmem>> -> memref<128x128xf32, #tpu.memory_space<vmem>>
      %dma_wait3A_112 = arith.constant 0 : i32
      %dma_wait3A_113 = arith.constant 0 : i32
      %dma_wait3A_114 = tpu.memref_slice %dma_wait3A_111[%dma_wait3A_112, %dma_wait3A_113] : memref<128x128xf32, #tpu.memory_space<vmem>> -> memref<120x128xf32, #tpu.memory_space<vmem>>
      %dma_wait3A_115 = arith.constant 0 : i32
      %dma_wait3A_116 = tpu.memref_slice %arg9[%add3A_12, %dma_wait3A_115] : memref<10112x128xf32, #tpu.memory_space<vmem_shared>> -> memref<120x128xf32, #tpu.memory_space<vmem_shared>>
      %dma_wait3A_117 = arith.constant 0 : i32
      %dma_wait3A_118 = tpu.memref_slice %arg9[%add3A_12, %dma_wait3A_117] : memref<10112x128xf32, #tpu.memory_space<vmem_shared>> -> memref<120x128xf32, #tpu.memory_space<vmem_shared>>
      %dma_wait3A_119 = arith.constant 0 : i32
      %dma_wait3A_120 = arith.constant 0 : i32
      %dma_wait3A_121 = tpu.memref_slice %arg8[%run_scoped3A, %dma_wait3A_119, %dma_wait3A_120] : memref<2x128x128xf32, #tpu.memory_space<vmem>> -> memref<1x128x128xf32, #tpu.memory_space<vmem>>
      %dma_wait3A_122 = tpu.memref_squeeze %dma_wait3A_121 : memref<1x128x128xf32, #tpu.memory_space<vmem>> -> memref<128x128xf32, #tpu.memory_space<vmem>>
      %dma_wait3A_123 = arith.constant 0 : i32
      %dma_wait3A_124 = arith.constant 0 : i32
      %dma_wait3A_125 = tpu.memref_slice %dma_wait3A_122[%dma_wait3A_123, %dma_wait3A_124] : memref<128x128xf32, #tpu.memory_space<vmem>> -> memref<120x128xf32, #tpu.memory_space<vmem>>
      tpu.wait_dma2 semaphore(%run_scoped3A_90 : memref<!tpu.dma_semaphore, #tpu.memory_space<semaphore_mem>>) src(%dma_wait3A_125 : memref<120x128xf32, #tpu.memory_space<vmem>>) dst(%dma_wait3A_118 : memref<120x128xf32, #tpu.memory_space<vmem_shared>>)
      tpu.yield
    }) : () -> ()
    %barrier3A = arith.constant 0 : index
    tpu.barrier barrier_id(%barrier3A)
    %dma_start3A = arith.constant 0 : i32
    %dma_start3A_13 = arith.constant 0 : i32
    %dma_start3A_14 = arith.constant 0 : i32
    %dma_start3A_15 = arith.constant 0 : i32
    %dma_start3A_16 = tpu.memref_slice %arg7[%dma_start3A_13, %dma_start3A_14, %dma_start3A_15] : memref<2x2x128xi32, #tpu.memory_space<vmem>> -> memref<1x2x128xi32, #tpu.memory_space<vmem>>
    %dma_start3A_17 = tpu.memref_squeeze %dma_start3A_16 : memref<1x2x128xi32, #tpu.memory_space<vmem>> -> memref<2x128xi32, #tpu.memory_space<vmem>>
    %dma_start3A_18 = arith.constant 0 : i32
    %dma_start3A_19 = arith.constant 0 : i32
    %dma_start3A_20 = arith.constant 0 : i32
    %dma_start3A_21 = tpu.memref_slice %arg4[%arg0, %arg1, %dma_start3A_18, %dma_start3A_19, %dma_start3A_20] : memref<2x16x20x2x128xi32, #tpu.memory_space<hbm>> -> memref<1x1x20x2x128xi32, #tpu.memory_space<hbm>>
    %dma_start3A_22 = tpu.memref_squeeze %dma_start3A_21 : memref<1x1x20x2x128xi32, #tpu.memory_space<hbm>> -> memref<20x2x128xi32, #tpu.memory_space<hbm>>
    %dma_start3A_23 = arith.constant 0 : i32
    %dma_start3A_24 = arith.constant 0 : i32
    %dma_start3A_25 = tpu.memref_slice %dma_start3A_22[%dma_start3A, %dma_start3A_23, %dma_start3A_24] : memref<20x2x128xi32, #tpu.memory_space<hbm>> -> memref<1x2x128xi32, #tpu.memory_space<hbm>>
    %dma_start3A_26 = tpu.memref_squeeze %dma_start3A_25 : memref<1x2x128xi32, #tpu.memory_space<hbm>> -> memref<2x128xi32, #tpu.memory_space<hbm>>
    %dma_start3A_27 = arith.constant 0 : i32
    %dma_start3A_28 = arith.constant 0 : i32
    %dma_start3A_29 = tpu.memref_slice %arg7[%dma_start3A_13, %dma_start3A_27, %dma_start3A_28] : memref<2x2x128xi32, #tpu.memory_space<vmem>> -> memref<1x2x128xi32, #tpu.memory_space<vmem>>
    %dma_start3A_30 = tpu.memref_squeeze %dma_start3A_29 : memref<1x2x128xi32, #tpu.memory_space<vmem>> -> memref<2x128xi32, #tpu.memory_space<vmem>>
    %dma_start3A_31 = arith.constant 0 : i32
    %dma_start3A_32 = arith.constant 0 : i32
    %dma_start3A_33 = arith.constant 0 : i32
    %dma_start3A_34 = tpu.memref_slice %arg4[%arg0, %arg1, %dma_start3A_31, %dma_start3A_32, %dma_start3A_33] : memref<2x16x20x2x128xi32, #tpu.memory_space<hbm>> -> memref<1x1x20x2x128xi32, #tpu.memory_space<hbm>>
    %dma_start3A_35 = tpu.memref_squeeze %dma_start3A_34 : memref<1x1x20x2x128xi32, #tpu.memory_space<hbm>> -> memref<20x2x128xi32, #tpu.memory_space<hbm>>
    %dma_start3A_36 = arith.constant 0 : i32
    %dma_start3A_37 = arith.constant 0 : i32
    %dma_start3A_38 = tpu.memref_slice %dma_start3A_35[%dma_start3A, %dma_start3A_36, %dma_start3A_37] : memref<20x2x128xi32, #tpu.memory_space<hbm>> -> memref<1x2x128xi32, #tpu.memory_space<hbm>>
    %dma_start3A_39 = tpu.memref_squeeze %dma_start3A_38 : memref<1x2x128xi32, #tpu.memory_space<hbm>> -> memref<2x128xi32, #tpu.memory_space<hbm>>
    tpu.enqueue_dma source(%dma_start3A_39 : memref<2x128xi32, #tpu.memory_space<hbm>>) target(%dma_start3A_30 : memref<2x128xi32, #tpu.memory_space<vmem>>) target_semaphore(%arg12 : memref<!tpu.dma_semaphore, #tpu.memory_space<semaphore_mem>>)
    %dma_start3A_40 = arith.constant 1 : i32
    %dma_start3A_41 = arith.constant 1 : i32
    %dma_start3A_42 = arith.constant 0 : i32
    %dma_start3A_43 = arith.constant 0 : i32
    %dma_start3A_44 = tpu.memref_slice %arg7[%dma_start3A_41, %dma_start3A_42, %dma_start3A_43] : memref<2x2x128xi32, #tpu.memory_space<vmem>> -> memref<1x2x128xi32, #tpu.memory_space<vmem>>
    %dma_start3A_45 = tpu.memref_squeeze %dma_start3A_44 : memref<1x2x128xi32, #tpu.memory_space<vmem>> -> memref<2x128xi32, #tpu.memory_space<vmem>>
    %dma_start3A_46 = arith.constant 0 : i32
    %dma_start3A_47 = arith.constant 0 : i32
    %dma_start3A_48 = arith.constant 0 : i32
    %dma_start3A_49 = tpu.memref_slice %arg4[%arg0, %arg1, %dma_start3A_46, %dma_start3A_47, %dma_start3A_48] : memref<2x16x20x2x128xi32, #tpu.memory_space<hbm>> -> memref<1x1x20x2x128xi32, #tpu.memory_space<hbm>>
    %dma_start3A_50 = tpu.memref_squeeze %dma_start3A_49 : memref<1x1x20x2x128xi32, #tpu.memory_space<hbm>> -> memref<20x2x128xi32, #tpu.memory_space<hbm>>
    %dma_start3A_51 = arith.constant 0 : i32
    %dma_start3A_52 = arith.constant 0 : i32
    %dma_start3A_53 = tpu.memref_slice %dma_start3A_50[%dma_start3A_40, %dma_start3A_51, %dma_start3A_52] : memref<20x2x128xi32, #tpu.memory_space<hbm>> -> memref<1x2x128xi32, #tpu.memory_space<hbm>>
    %dma_start3A_54 = tpu.memref_squeeze %dma_start3A_53 : memref<1x2x128xi32, #tpu.memory_space<hbm>> -> memref<2x128xi32, #tpu.memory_space<hbm>>
    %dma_start3A_55 = arith.constant 0 : i32
    %dma_start3A_56 = arith.constant 0 : i32
    %dma_start3A_57 = tpu.memref_slice %arg7[%dma_start3A_41, %dma_start3A_55, %dma_start3A_56] : memref<2x2x128xi32, #tpu.memory_space<vmem>> -> memref<1x2x128xi32, #tpu.memory_space<vmem>>
    %dma_start3A_58 = tpu.memref_squeeze %dma_start3A_57 : memref<1x2x128xi32, #tpu.memory_space<vmem>> -> memref<2x128xi32, #tpu.memory_space<vmem>>
    %dma_start3A_59 = arith.constant 0 : i32
    %dma_start3A_60 = arith.constant 0 : i32
    %dma_start3A_61 = arith.constant 0 : i32
    %dma_start3A_62 = tpu.memref_slice %arg4[%arg0, %arg1, %dma_start3A_59, %dma_start3A_60, %dma_start3A_61] : memref<2x16x20x2x128xi32, #tpu.memory_space<hbm>> -> memref<1x1x20x2x128xi32, #tpu.memory_space<hbm>>
    %dma_start3A_63 = tpu.memref_squeeze %dma_start3A_62 : memref<1x1x20x2x128xi32, #tpu.memory_space<hbm>> -> memref<20x2x128xi32, #tpu.memory_space<hbm>>
    %dma_start3A_64 = arith.constant 0 : i32
    %dma_start3A_65 = arith.constant 0 : i32
    %dma_start3A_66 = tpu.memref_slice %dma_start3A_63[%dma_start3A_40, %dma_start3A_64, %dma_start3A_65] : memref<20x2x128xi32, #tpu.memory_space<hbm>> -> memref<1x2x128xi32, #tpu.memory_space<hbm>>
    %dma_start3A_67 = tpu.memref_squeeze %dma_start3A_66 : memref<1x2x128xi32, #tpu.memory_space<hbm>> -> memref<2x128xi32, #tpu.memory_space<hbm>>
    tpu.enqueue_dma source(%dma_start3A_67 : memref<2x128xi32, #tpu.memory_space<hbm>>) target(%dma_start3A_58 : memref<2x128xi32, #tpu.memory_space<vmem>>) target_semaphore(%arg13 : memref<!tpu.dma_semaphore, #tpu.memory_space<semaphore_mem>>)
    %dma_start3A_68 = arith.constant 0 : i32
    %dma_start3A_69 = arith.constant 0 : i32
    %dma_start3A_70 = arith.constant 0 : i32
    %dma_start3A_71 = arith.constant 0 : i32
    %dma_start3A_72 = tpu.memref_slice %arg8[%dma_start3A_69, %dma_start3A_70, %dma_start3A_71] : memref<2x128x128xf32, #tpu.memory_space<vmem>> -> memref<1x128x128xf32, #tpu.memory_space<vmem>>
    %dma_start3A_73 = tpu.memref_squeeze %dma_start3A_72 : memref<1x128x128xf32, #tpu.memory_space<vmem>> -> memref<128x128xf32, #tpu.memory_space<vmem>>
    %dma_start3A_74 = arith.constant 0 : i32
    %dma_start3A_75 = tpu.memref_slice %arg6[%dma_start3A_68, %dma_start3A_74] : memref<40x128xi32, #tpu.memory_space<vmem>> -> memref<1x128xi32, #tpu.memory_space<vmem>>
    %dma_start3A_76 = tpu.memref_squeeze %dma_start3A_75 : memref<1x128xi32, #tpu.memory_space<vmem>> -> memref<128xi32, #tpu.memory_space<vmem>>
    %dma_start3A_77 = arith.constant 0 : i32
    %dma_start3A_78 = arith.constant 0 : i32
    %dma_start3A_79 = tpu.memref_slice %arg2[%dma_start3A_77, %dma_start3A_78] : memref<10000x128xf32, #tpu.memory_space<hbm>> -> memref<10000x128xf32, #tpu.memory_space<hbm>>
    tpu.enqueue_indirect_dma source(%dma_start3A_79 : memref<10000x128xf32, #tpu.memory_space<hbm>>) target(%dma_start3A_73 : memref<128x128xf32, #tpu.memory_space<vmem>>) offsets(%dma_start3A_76 : memref<128xi32, #tpu.memory_space<vmem>>) semaphore(%arg10 : memref<!tpu.dma_semaphore, #tpu.memory_space<semaphore_mem>>)
    %scan3A_80 = arith.constant 0 : i32
    %scan3A_81 = arith.constant 10 : i32
    %scan3A_82 = arith.addi %scan3A_80, %scan3A_81 : i32
    %scan3A_83 = arith.constant 1 : i32
    scf.for %scan3A_90 = %scan3A_80 to %scan3A_82 step %scan3A_83  : i32 {
      %mul3A_91 = arith.constant 4 : i32
      %mul3A_92 = arith.muli %scan3A_90, %mul3A_91 : i32
      %add3A_93 = arith.constant 0 : i32
      %add3A_94 = arith.addi %add3A_93, %mul3A_92 : i32
      %add3A_95 = arith.constant 1 : i32
      %add3A_96 = arith.addi %add3A_94, %add3A_95 : i32
      %dma_start3A_97 = arith.constant 1 : i32
      %dma_start3A_98 = arith.constant 0 : i32
      %dma_start3A_99 = arith.constant 0 : i32
      %dma_start3A_100 = tpu.memref_slice %arg8[%dma_start3A_97, %dma_start3A_98, %dma_start3A_99] : memref<2x128x128xf32, #tpu.memory_space<vmem>> -> memref<1x128x128xf32, #tpu.memory_space<vmem>>
      %dma_start3A_101 = tpu.memref_squeeze %dma_start3A_100 : memref<1x128x128xf32, #tpu.memory_space<vmem>> -> memref<128x128xf32, #tpu.memory_space<vmem>>
      %dma_start3A_102 = arith.constant 0 : i32
      %dma_start3A_103 = tpu.memref_slice %arg6[%add3A_96, %dma_start3A_102] : memref<40x128xi32, #tpu.memory_space<vmem>> -> memref<1x128xi32, #tpu.memory_space<vmem>>
      %dma_start3A_104 = tpu.memref_squeeze %dma_start3A_103 : memref<1x128xi32, #tpu.memory_space<vmem>> -> memref<128xi32, #tpu.memory_space<vmem>>
      %dma_start3A_105 = arith.constant 0 : i32
      %dma_start3A_106 = arith.constant 0 : i32
      %dma_start3A_107 = tpu.memref_slice %arg2[%dma_start3A_105, %dma_start3A_106] : memref<10000x128xf32, #tpu.memory_space<hbm>> -> memref<10000x128xf32, #tpu.memory_space<hbm>>
      tpu.enqueue_indirect_dma source(%dma_start3A_107 : memref<10000x128xf32, #tpu.memory_space<hbm>>) target(%dma_start3A_101 : memref<128x128xf32, #tpu.memory_space<vmem>>) offsets(%dma_start3A_104 : memref<128xi32, #tpu.memory_space<vmem>>) semaphore(%arg11 : memref<!tpu.dma_semaphore, #tpu.memory_space<semaphore_mem>>)
      %dma_wait3A = arith.constant 0 : i32
      %dma_wait3A_108 = arith.constant 0 : i32
      %dma_wait3A_109 = arith.constant 0 : i32
      %dma_wait3A_110 = arith.constant 0 : i32
      %dma_wait3A_111 = tpu.memref_slice %arg7[%dma_wait3A_108, %dma_wait3A_109, %dma_wait3A_110] : memref<2x2x128xi32, #tpu.memory_space<vmem>> -> memref<1x2x128xi32, #tpu.memory_space<vmem>>
      %dma_wait3A_112 = tpu.memref_squeeze %dma_wait3A_111 : memref<1x2x128xi32, #tpu.memory_space<vmem>> -> memref<2x128xi32, #tpu.memory_space<vmem>>
      %dma_wait3A_113 = arith.constant 0 : i32
      %dma_wait3A_114 = arith.constant 0 : i32
      %dma_wait3A_115 = arith.constant 0 : i32
      %dma_wait3A_116 = tpu.memref_slice %arg4[%arg0, %arg1, %dma_wait3A_113, %dma_wait3A_114, %dma_wait3A_115] : memref<2x16x20x2x128xi32, #tpu.memory_space<hbm>> -> memref<1x1x20x2x128xi32, #tpu.memory_space<hbm>>
      %dma_wait3A_117 = tpu.memref_squeeze %dma_wait3A_116 : memref<1x1x20x2x128xi32, #tpu.memory_space<hbm>> -> memref<20x2x128xi32, #tpu.memory_space<hbm>>
      %dma_wait3A_118 = arith.constant 0 : i32
      %dma_wait3A_119 = arith.constant 0 : i32
      %dma_wait3A_120 = tpu.memref_slice %dma_wait3A_117[%dma_wait3A, %dma_wait3A_118, %dma_wait3A_119] : memref<20x2x128xi32, #tpu.memory_space<hbm>> -> memref<1x2x128xi32, #tpu.memory_space<hbm>>
      %dma_wait3A_121 = tpu.memref_squeeze %dma_wait3A_120 : memref<1x2x128xi32, #tpu.memory_space<hbm>> -> memref<2x128xi32, #tpu.memory_space<hbm>>
      %dma_wait3A_122 = arith.constant 0 : i32
      %dma_wait3A_123 = arith.constant 0 : i32
      %dma_wait3A_124 = tpu.memref_slice %arg7[%dma_wait3A_108, %dma_wait3A_122, %dma_wait3A_123] : memref<2x2x128xi32, #tpu.memory_space<vmem>> -> memref<1x2x128xi32, #tpu.memory_space<vmem>>
      %dma_wait3A_125 = tpu.memref_squeeze %dma_wait3A_124 : memref<1x2x128xi32, #tpu.memory_space<vmem>> -> memref<2x128xi32, #tpu.memory_space<vmem>>
      %dma_wait3A_126 = arith.constant 0 : i32
      %dma_wait3A_127 = arith.constant 0 : i32
      %dma_wait3A_128 = arith.constant 0 : i32
      %dma_wait3A_129 = tpu.memref_slice %arg4[%arg0, %arg1, %dma_wait3A_126, %dma_wait3A_127, %dma_wait3A_128] : memref<2x16x20x2x128xi32, #tpu.memory_space<hbm>> -> memref<1x1x20x2x128xi32, #tpu.memory_space<hbm>>
      %dma_wait3A_130 = tpu.memref_squeeze %dma_wait3A_129 : memref<1x1x20x2x128xi32, #tpu.memory_space<hbm>> -> memref<20x2x128xi32, #tpu.memory_space<hbm>>
      %dma_wait3A_131 = arith.constant 0 : i32
      %dma_wait3A_132 = arith.constant 0 : i32
      %dma_wait3A_133 = tpu.memref_slice %dma_wait3A_130[%dma_wait3A, %dma_wait3A_131, %dma_wait3A_132] : memref<20x2x128xi32, #tpu.memory_space<hbm>> -> memref<1x2x128xi32, #tpu.memory_space<hbm>>
      %dma_wait3A_134 = tpu.memref_squeeze %dma_wait3A_133 : memref<1x2x128xi32, #tpu.memory_space<hbm>> -> memref<2x128xi32, #tpu.memory_space<hbm>>
      tpu.wait_dma2 semaphore(%arg12 : memref<!tpu.dma_semaphore, #tpu.memory_space<semaphore_mem>>) src(%dma_wait3A_134 : memref<2x128xi32, #tpu.memory_space<hbm>>) dst(%dma_wait3A_125 : memref<2x128xi32, #tpu.memory_space<vmem>>)
      %dma_wait3A_135 = arith.constant 0 : i32
      %dma_wait3A_136 = arith.constant 0 : i32
      %dma_wait3A_137 = arith.constant 0 : i32
      %dma_wait3A_138 = tpu.memref_slice %arg8[%dma_wait3A_135, %dma_wait3A_136, %dma_wait3A_137] : memref<2x128x128xf32, #tpu.memory_space<vmem>> -> memref<1x128x128xf32, #tpu.memory_space<vmem>>
      %dma_wait3A_139 = tpu.memref_squeeze %dma_wait3A_138 : memref<1x128x128xf32, #tpu.memory_space<vmem>> -> memref<128x128xf32, #tpu.memory_space<vmem>>
      %dma_wait3A_140 = arith.constant 0 : i32
      %dma_wait3A_141 = arith.constant 0 : i32
      %dma_wait3A_142 = tpu.memref_slice %arg2[%dma_wait3A_140, %dma_wait3A_141] : memref<10000x128xf32, #tpu.memory_space<hbm>> -> memref<128x128xf32, #tpu.memory_space<hbm>>
      %dma_wait3A_143 = arith.constant 0 : i32
      %dma_wait3A_144 = arith.constant 0 : i32
      %dma_wait3A_145 = tpu.memref_slice %arg8[%dma_wait3A_135, %dma_wait3A_143, %dma_wait3A_144] : memref<2x128x128xf32, #tpu.memory_space<vmem>> -> memref<1x128x128xf32, #tpu.memory_space<vmem>>
      %dma_wait3A_146 = tpu.memref_squeeze %dma_wait3A_145 : memref<1x128x128xf32, #tpu.memory_space<vmem>> -> memref<128x128xf32, #tpu.memory_space<vmem>>
      %dma_wait3A_147 = arith.constant 0 : i32
      %dma_wait3A_148 = arith.constant 0 : i32
      %dma_wait3A_149 = tpu.memref_slice %arg2[%dma_wait3A_147, %dma_wait3A_148] : memref<10000x128xf32, #tpu.memory_space<hbm>> -> memref<128x128xf32, #tpu.memory_space<hbm>>
      tpu.wait_dma2 semaphore(%arg10 : memref<!tpu.dma_semaphore, #tpu.memory_space<semaphore_mem>>) src(%dma_wait3A_149 : memref<128x128xf32, #tpu.memory_space<hbm>>) dst(%dma_wait3A_146 : memref<128x128xf32, #tpu.memory_space<vmem>>)
      %run_scoped3A_150 = arith.constant 0 : i32
      %run_scoped3A_151 = arith.constant 0 : i32
      %run_scoped3A_152 = arith.constant 0 : i32
      "tpu.region"() ({
        %run_scoped3A_266 = tpu.sem_alloc : memref<!tpu.dma_semaphore, #tpu.memory_space<semaphore_mem>>
        %dma_start3A_267 = arith.constant 0 : i32
        %dma_start3A_268 = arith.constant 0 : i32
        %dma_start3A_269 = tpu.memref_slice %arg8[%run_scoped3A_150, %dma_start3A_267, %dma_start3A_268] : memref<2x128x128xf32, #tpu.memory_space<vmem>> -> memref<1x128x128xf32, #tpu.memory_space<vmem>>
        %dma_start3A_270 = tpu.memref_squeeze %dma_start3A_269 : memref<1x128x128xf32, #tpu.memory_space<vmem>> -> memref<128x128xf32, #tpu.memory_space<vmem>>
        %dma_start3A_271 = arith.constant 0 : i32
        %dma_start3A_272 = arith.constant 0 : i32
        %dma_start3A_273 = tpu.memref_slice %arg7[%run_scoped3A_151, %dma_start3A_271, %dma_start3A_272] : memref<2x2x128xi32, #tpu.memory_space<vmem>> -> memref<1x2x128xi32, #tpu.memory_space<vmem>>
        %dma_start3A_274 = tpu.memref_squeeze %dma_start3A_273 : memref<1x2x128xi32, #tpu.memory_space<vmem>> -> memref<2x128xi32, #tpu.memory_space<vmem>>
        %dma_start3A_275 = arith.constant 0 : i32
        %dma_start3A_276 = tpu.memref_slice %dma_start3A_274[%run_scoped3A_152, %dma_start3A_275] : memref<2x128xi32, #tpu.memory_space<vmem>> -> memref<1x128xi32, #tpu.memory_space<vmem>>
        %dma_start3A_277 = tpu.memref_squeeze %dma_start3A_276 : memref<1x128xi32, #tpu.memory_space<vmem>> -> memref<128xi32, #tpu.memory_space<vmem>>
        %dma_start3A_278 = arith.constant 0 : i32
        %dma_start3A_279 = arith.constant 0 : i32
        %dma_start3A_280 = tpu.memref_slice %arg9[%dma_start3A_278, %dma_start3A_279] : memref<10112x128xf32, #tpu.memory_space<vmem_shared>> -> memref<10112x128xf32, #tpu.memory_space<vmem_shared>>
        tpu.enqueue_indirect_dma source(%dma_start3A_270 : memref<128x128xf32, #tpu.memory_space<vmem>>) target(%dma_start3A_280 : memref<10112x128xf32, #tpu.memory_space<vmem_shared>>) offsets(%dma_start3A_277 : memref<128xi32, #tpu.memory_space<vmem>>) semaphore(%run_scoped3A_266 : memref<!tpu.dma_semaphore, #tpu.memory_space<semaphore_mem>>) {add = true}
        %dma_wait3A_281 = arith.constant 0 : i32
        %dma_wait3A_282 = arith.constant 0 : i32
        %dma_wait3A_283 = tpu.memref_slice %arg8[%run_scoped3A_150, %dma_wait3A_281, %dma_wait3A_282] : memref<2x128x128xf32, #tpu.memory_space<vmem>> -> memref<1x128x128xf32, #tpu.memory_space<vmem>>
        %dma_wait3A_284 = tpu.memref_squeeze %dma_wait3A_283 : memref<1x128x128xf32, #tpu.memory_space<vmem>> -> memref<128x128xf32, #tpu.memory_space<vmem>>
        %dma_wait3A_285 = arith.constant 0 : i32
        %dma_wait3A_286 = arith.constant 0 : i32
        %dma_wait3A_287 = tpu.memref_slice %arg7[%run_scoped3A_151, %dma_wait3A_285, %dma_wait3A_286] : memref<2x2x128xi32, #tpu.memory_space<vmem>> -> memref<1x2x128xi32, #tpu.memory_space<vmem>>
        %dma_wait3A_288 = tpu.memref_squeeze %dma_wait3A_287 : memref<1x2x128xi32, #tpu.memory_space<vmem>> -> memref<2x128xi32, #tpu.memory_space<vmem>>
        %dma_wait3A_289 = arith.constant 0 : i32
        %dma_wait3A_290 = tpu.memref_slice %dma_wait3A_288[%run_scoped3A_152, %dma_wait3A_289] : memref<2x128xi32, #tpu.memory_space<vmem>> -> memref<1x128xi32, #tpu.memory_space<vmem>>
        %dma_wait3A_291 = tpu.memref_squeeze %dma_wait3A_290 : memref<1x128xi32, #tpu.memory_space<vmem>> -> memref<128xi32, #tpu.memory_space<vmem>>
        %dma_wait3A_292 = arith.constant 0 : i32
        %dma_wait3A_293 = arith.constant 0 : i32
        %dma_wait3A_294 = tpu.memref_slice %arg9[%dma_wait3A_292, %dma_wait3A_293] : memref<10112x128xf32, #tpu.memory_space<vmem_shared>> -> memref<10112x128xf32, #tpu.memory_space<vmem_shared>>
        tpu.wait_indirect_dma semaphore(%run_scoped3A_266 : memref<!tpu.dma_semaphore, #tpu.memory_space<semaphore_mem>>) src(%dma_wait3A_284 : memref<128x128xf32, #tpu.memory_space<vmem>>) dst(%dma_wait3A_294 : memref<10112x128xf32, #tpu.memory_space<vmem_shared>>)
        tpu.yield
      }) : () -> ()
      %add3A_153 = arith.constant 2 : i32
      %add3A_154 = arith.addi %add3A_94, %add3A_153 : i32
      %lt3A = arith.constant 40 : i32
      %lt3A_155 = arith.cmpi slt, %add3A_154, %lt3A : i32
      %convert_element_type3A = arith.extui %lt3A_155 : i1 to i32
      %cond3A = arith.constant 0 : i32
      %cond3A_156 = arith.cmpi ne, %convert_element_type3A, %cond3A : i32
      scf.if %cond3A_156 {
        %add3A_266 = arith.constant 2 : i32
        %add3A_267 = arith.addi %add3A_94, %add3A_266 : i32
        %dma_start3A_268 = arith.constant 0 : i32
        %dma_start3A_269 = arith.constant 0 : i32
        %dma_start3A_270 = arith.constant 0 : i32
        %dma_start3A_271 = tpu.memref_slice %arg8[%dma_start3A_268, %dma_start3A_269, %dma_start3A_270] : memref<2x128x128xf32, #tpu.memory_space<vmem>> -> memref<1x128x128xf32, #tpu.memory_space<vmem>>
        %dma_start3A_272 = tpu.memref_squeeze %dma_start3A_271 : memref<1x128x128xf32, #tpu.memory_space<vmem>> -> memref<128x128xf32, #tpu.memory_space<vmem>>
        %dma_start3A_273 = arith.constant 0 : i32
        %dma_start3A_274 = tpu.memref_slice %arg6[%add3A_267, %dma_start3A_273] : memref<40x128xi32, #tpu.memory_space<vmem>> -> memref<1x128xi32, #tpu.memory_space<vmem>>
        %dma_start3A_275 = tpu.memref_squeeze %dma_start3A_274 : memref<1x128xi32, #tpu.memory_space<vmem>> -> memref<128xi32, #tpu.memory_space<vmem>>
        %dma_start3A_276 = arith.constant 0 : i32
        %dma_start3A_277 = arith.constant 0 : i32
        %dma_start3A_278 = tpu.memref_slice %arg2[%dma_start3A_276, %dma_start3A_277] : memref<10000x128xf32, #tpu.memory_space<hbm>> -> memref<10000x128xf32, #tpu.memory_space<hbm>>
        tpu.enqueue_indirect_dma source(%dma_start3A_278 : memref<10000x128xf32, #tpu.memory_space<hbm>>) target(%dma_start3A_272 : memref<128x128xf32, #tpu.memory_space<vmem>>) offsets(%dma_start3A_275 : memref<128xi32, #tpu.memory_space<vmem>>) semaphore(%arg10 : memref<!tpu.dma_semaphore, #tpu.memory_space<semaphore_mem>>)
      } else {
      }
      %dma_wait3A_157 = arith.constant 1 : i32
      %dma_wait3A_158 = arith.constant 0 : i32
      %dma_wait3A_159 = arith.constant 0 : i32
      %dma_wait3A_160 = tpu.memref_slice %arg8[%dma_wait3A_157, %dma_wait3A_158, %dma_wait3A_159] : memref<2x128x128xf32, #tpu.memory_space<vmem>> -> memref<1x128x128xf32, #tpu.memory_space<vmem>>
      %dma_wait3A_161 = tpu.memref_squeeze %dma_wait3A_160 : memref<1x128x128xf32, #tpu.memory_space<vmem>> -> memref<128x128xf32, #tpu.memory_space<vmem>>
      %dma_wait3A_162 = arith.constant 0 : i32
      %dma_wait3A_163 = arith.constant 0 : i32
      %dma_wait3A_164 = tpu.memref_slice %arg2[%dma_wait3A_162, %dma_wait3A_163] : memref<10000x128xf32, #tpu.memory_space<hbm>> -> memref<128x128xf32, #tpu.memory_space<hbm>>
      %dma_wait3A_165 = arith.constant 0 : i32
      %dma_wait3A_166 = arith.constant 0 : i32
      %dma_wait3A_167 = tpu.memref_slice %arg8[%dma_wait3A_157, %dma_wait3A_165, %dma_wait3A_166] : memref<2x128x128xf32, #tpu.memory_space<vmem>> -> memref<1x128x128xf32, #tpu.memory_space<vmem>>
      %dma_wait3A_168 = tpu.memref_squeeze %dma_wait3A_167 : memref<1x128x128xf32, #tpu.memory_space<vmem>> -> memref<128x128xf32, #tpu.memory_space<vmem>>
      %dma_wait3A_169 = arith.constant 0 : i32
      %dma_wait3A_170 = arith.constant 0 : i32
      %dma_wait3A_171 = tpu.memref_slice %arg2[%dma_wait3A_169, %dma_wait3A_170] : memref<10000x128xf32, #tpu.memory_space<hbm>> -> memref<128x128xf32, #tpu.memory_space<hbm>>
      tpu.wait_dma2 semaphore(%arg11 : memref<!tpu.dma_semaphore, #tpu.memory_space<semaphore_mem>>) src(%dma_wait3A_171 : memref<128x128xf32, #tpu.memory_space<hbm>>) dst(%dma_wait3A_168 : memref<128x128xf32, #tpu.memory_space<vmem>>)
      %run_scoped3A_172 = arith.constant 1 : i32
      %run_scoped3A_173 = arith.constant 0 : i32
      %run_scoped3A_174 = arith.constant 1 : i32
      "tpu.region"() ({
        %run_scoped3A_266 = tpu.sem_alloc : memref<!tpu.dma_semaphore, #tpu.memory_space<semaphore_mem>>
        %dma_start3A_267 = arith.constant 0 : i32
        %dma_start3A_268 = arith.constant 0 : i32
        %dma_start3A_269 = tpu.memref_slice %arg8[%run_scoped3A_172, %dma_start3A_267, %dma_start3A_268] : memref<2x128x128xf32, #tpu.memory_space<vmem>> -> memref<1x128x128xf32, #tpu.memory_space<vmem>>
        %dma_start3A_270 = tpu.memref_squeeze %dma_start3A_269 : memref<1x128x128xf32, #tpu.memory_space<vmem>> -> memref<128x128xf32, #tpu.memory_space<vmem>>
        %dma_start3A_271 = arith.constant 0 : i32
        %dma_start3A_272 = arith.constant 0 : i32
        %dma_start3A_273 = tpu.memref_slice %arg7[%run_scoped3A_173, %dma_start3A_271, %dma_start3A_272] : memref<2x2x128xi32, #tpu.memory_space<vmem>> -> memref<1x2x128xi32, #tpu.memory_space<vmem>>
        %dma_start3A_274 = tpu.memref_squeeze %dma_start3A_273 : memref<1x2x128xi32, #tpu.memory_space<vmem>> -> memref<2x128xi32, #tpu.memory_space<vmem>>
        %dma_start3A_275 = arith.constant 0 : i32
        %dma_start3A_276 = tpu.memref_slice %dma_start3A_274[%run_scoped3A_174, %dma_start3A_275] : memref<2x128xi32, #tpu.memory_space<vmem>> -> memref<1x128xi32, #tpu.memory_space<vmem>>
        %dma_start3A_277 = tpu.memref_squeeze %dma_start3A_276 : memref<1x128xi32, #tpu.memory_space<vmem>> -> memref<128xi32, #tpu.memory_space<vmem>>
        %dma_start3A_278 = arith.constant 0 : i32
        %dma_start3A_279 = arith.constant 0 : i32
        %dma_start3A_280 = tpu.memref_slice %arg9[%dma_start3A_278, %dma_start3A_279] : memref<10112x128xf32, #tpu.memory_space<vmem_shared>> -> memref<10112x128xf32, #tpu.memory_space<vmem_shared>>
        tpu.enqueue_indirect_dma source(%dma_start3A_270 : memref<128x128xf32, #tpu.memory_space<vmem>>) target(%dma_start3A_280 : memref<10112x128xf32, #tpu.memory_space<vmem_shared>>) offsets(%dma_start3A_277 : memref<128xi32, #tpu.memory_space<vmem>>) semaphore(%run_scoped3A_266 : memref<!tpu.dma_semaphore, #tpu.memory_space<semaphore_mem>>) {add = true}
        %dma_wait3A_281 = arith.constant 0 : i32
        %dma_wait3A_282 = arith.constant 0 : i32
        %dma_wait3A_283 = tpu.memref_slice %arg8[%run_scoped3A_172, %dma_wait3A_281, %dma_wait3A_282] : memref<2x128x128xf32, #tpu.memory_space<vmem>> -> memref<1x128x128xf32, #tpu.memory_space<vmem>>
        %dma_wait3A_284 = tpu.memref_squeeze %dma_wait3A_283 : memref<1x128x128xf32, #tpu.memory_space<vmem>> -> memref<128x128xf32, #tpu.memory_space<vmem>>
        %dma_wait3A_285 = arith.constant 0 : i32
        %dma_wait3A_286 = arith.constant 0 : i32
        %dma_wait3A_287 = tpu.memref_slice %arg7[%run_scoped3A_173, %dma_wait3A_285, %dma_wait3A_286] : memref<2x2x128xi32, #tpu.memory_space<vmem>> -> memref<1x2x128xi32, #tpu.memory_space<vmem>>
        %dma_wait3A_288 = tpu.memref_squeeze %dma_wait3A_287 : memref<1x2x128xi32, #tpu.memory_space<vmem>> -> memref<2x128xi32, #tpu.memory_space<vmem>>
        %dma_wait3A_289 = arith.constant 0 : i32
        %dma_wait3A_290 = tpu.memref_slice %dma_wait3A_288[%run_scoped3A_174, %dma_wait3A_289] : memref<2x128xi32, #tpu.memory_space<vmem>> -> memref<1x128xi32, #tpu.memory_space<vmem>>
        %dma_wait3A_291 = tpu.memref_squeeze %dma_wait3A_290 : memref<1x128xi32, #tpu.memory_space<vmem>> -> memref<128xi32, #tpu.memory_space<vmem>>
        %dma_wait3A_292 = arith.constant 0 : i32
        %dma_wait3A_293 = arith.constant 0 : i32
        %dma_wait3A_294 = tpu.memref_slice %arg9[%dma_wait3A_292, %dma_wait3A_293] : memref<10112x128xf32, #tpu.memory_space<vmem_shared>> -> memref<10112x128xf32, #tpu.memory_space<vmem_shared>>
        tpu.wait_indirect_dma semaphore(%run_scoped3A_266 : memref<!tpu.dma_semaphore, #tpu.memory_space<semaphore_mem>>) src(%dma_wait3A_284 : memref<128x128xf32, #tpu.memory_space<vmem>>) dst(%dma_wait3A_294 : memref<10112x128xf32, #tpu.memory_space<vmem_shared>>)
        tpu.yield
      }) : () -> ()
      %add3A_175 = arith.constant 4 : i32
      %add3A_176 = arith.addi %add3A_94, %add3A_175 : i32
      %lt3A_177 = arith.constant 40 : i32
      %lt3A_178 = arith.cmpi slt, %add3A_176, %lt3A_177 : i32
      %convert_element_type3A_179 = arith.extui %lt3A_178 : i1 to i32
      %cond3A_180 = arith.constant 0 : i32
      %cond3A_181 = arith.cmpi ne, %convert_element_type3A_179, %cond3A_180 : i32
      scf.if %cond3A_181 {
        %jit3A = arith.constant 2 : i32
        %div3A = arith.divsi %add3A_94, %jit3A : i32
        %sign3A = arith.constant 0 : i32
        %sign3A_266 = arith.cmpi sgt, %add3A_94, %sign3A : i32
        %sign3A_267 = arith.extui %sign3A_266 : i1 to i32
        %sign3A_268 = arith.constant 0 : i32
        %sign3A_269 = arith.cmpi slt, %add3A_94, %sign3A_268 : i32
        %sign3A_270 = arith.extui %sign3A_269 : i1 to i32
        %sign3A_271 = arith.subi %sign3A_267, %sign3A_270 : i32
        %sign3A_272 = arith.constant 0 : i32
        %sign3A_273 = arith.cmpi sgt, %jit3A, %sign3A_272 : i32
        %sign3A_274 = arith.extui %sign3A_273 : i1 to i32
        %sign3A_275 = arith.constant 0 : i32
        %sign3A_276 = arith.cmpi slt, %jit3A, %sign3A_275 : i32
        %sign3A_277 = arith.extui %sign3A_276 : i1 to i32
        %sign3A_278 = arith.subi %sign3A_274, %sign3A_277 : i32
        %ne3A = arith.cmpi ne, %sign3A_271, %sign3A_278 : i32
        %rem3A = arith.remsi %add3A_94, %jit3A : i32
        %ne3A_279 = arith.constant 0 : i32
        %ne3A_280 = arith.cmpi ne, %rem3A, %ne3A_279 : i32
        %and3A = arith.andi %ne3A, %ne3A_280 : i1
        %sub3A = arith.constant 1 : i32
        %sub3A_281 = arith.subi %div3A, %sub3A : i32
        %select_n3A = arith.select %and3A, %sub3A_281, %div3A : i32
        %add3A_282 = arith.constant 2 : i32
        %add3A_283 = arith.addi %select_n3A, %add3A_282 : i32
        %dma_start3A_284 = arith.constant 0 : i32
        %dma_start3A_285 = arith.constant 0 : i32
        %dma_start3A_286 = arith.constant 0 : i32
        %dma_start3A_287 = tpu.memref_slice %arg7[%dma_start3A_284, %dma_start3A_285, %dma_start3A_286] : memref<2x2x128xi32, #tpu.memory_space<vmem>> -> memref<1x2x128xi32, #tpu.memory_space<vmem>>
        %dma_start3A_288 = tpu.memref_squeeze %dma_start3A_287 : memref<1x2x128xi32, #tpu.memory_space<vmem>> -> memref<2x128xi32, #tpu.memory_space<vmem>>
        %dma_start3A_289 = arith.constant 0 : i32
        %dma_start3A_290 = arith.constant 0 : i32
        %dma_start3A_291 = arith.constant 0 : i32
        %dma_start3A_292 = tpu.memref_slice %arg4[%arg0, %arg1, %dma_start3A_289, %dma_start3A_290, %dma_start3A_291] : memref<2x16x20x2x128xi32, #tpu.memory_space<hbm>> -> memref<1x1x20x2x128xi32, #tpu.memory_space<hbm>>
        %dma_start3A_293 = tpu.memref_squeeze %dma_start3A_292 : memref<1x1x20x2x128xi32, #tpu.memory_space<hbm>> -> memref<20x2x128xi32, #tpu.memory_space<hbm>>
        %dma_start3A_294 = arith.constant 0 : i32
        %dma_start3A_295 = arith.constant 0 : i32
        %dma_start3A_296 = tpu.memref_slice %dma_start3A_293[%add3A_283, %dma_start3A_294, %dma_start3A_295] : memref<20x2x128xi32, #tpu.memory_space<hbm>> -> memref<1x2x128xi32, #tpu.memory_space<hbm>>
        %dma_start3A_297 = tpu.memref_squeeze %dma_start3A_296 : memref<1x2x128xi32, #tpu.memory_space<hbm>> -> memref<2x128xi32, #tpu.memory_space<hbm>>
        %dma_start3A_298 = arith.constant 0 : i32
        %dma_start3A_299 = arith.constant 0 : i32
        %dma_start3A_300 = tpu.memref_slice %arg7[%dma_start3A_284, %dma_start3A_298, %dma_start3A_299] : memref<2x2x128xi32, #tpu.memory_space<vmem>> -> memref<1x2x128xi32, #tpu.memory_space<vmem>>
        %dma_start3A_301 = tpu.memref_squeeze %dma_start3A_300 : memref<1x2x128xi32, #tpu.memory_space<vmem>> -> memref<2x128xi32, #tpu.memory_space<vmem>>
        %dma_start3A_302 = arith.constant 0 : i32
        %dma_start3A_303 = arith.constant 0 : i32
        %dma_start3A_304 = arith.constant 0 : i32
        %dma_start3A_305 = tpu.memref_slice %arg4[%arg0, %arg1, %dma_start3A_302, %dma_start3A_303, %dma_start3A_304] : memref<2x16x20x2x128xi32, #tpu.memory_space<hbm>> -> memref<1x1x20x2x128xi32, #tpu.memory_space<hbm>>
        %dma_start3A_306 = tpu.memref_squeeze %dma_start3A_305 : memref<1x1x20x2x128xi32, #tpu.memory_space<hbm>> -> memref<20x2x128xi32, #tpu.memory_space<hbm>>
        %dma_start3A_307 = arith.constant 0 : i32
        %dma_start3A_308 = arith.constant 0 : i32
        %dma_start3A_309 = tpu.memref_slice %dma_start3A_306[%add3A_283, %dma_start3A_307, %dma_start3A_308] : memref<20x2x128xi32, #tpu.memory_space<hbm>> -> memref<1x2x128xi32, #tpu.memory_space<hbm>>
        %dma_start3A_310 = tpu.memref_squeeze %dma_start3A_309 : memref<1x2x128xi32, #tpu.memory_space<hbm>> -> memref<2x128xi32, #tpu.memory_space<hbm>>
        tpu.enqueue_dma source(%dma_start3A_310 : memref<2x128xi32, #tpu.memory_space<hbm>>) target(%dma_start3A_301 : memref<2x128xi32, #tpu.memory_space<vmem>>) target_semaphore(%arg12 : memref<!tpu.dma_semaphore, #tpu.memory_space<semaphore_mem>>)
        %add3A_311 = arith.constant 3 : i32
        %add3A_312 = arith.addi %add3A_94, %add3A_311 : i32
        %dma_start3A_313 = arith.constant 1 : i32
        %dma_start3A_314 = arith.constant 0 : i32
        %dma_start3A_315 = arith.constant 0 : i32
        %dma_start3A_316 = tpu.memref_slice %arg8[%dma_start3A_313, %dma_start3A_314, %dma_start3A_315] : memref<2x128x128xf32, #tpu.memory_space<vmem>> -> memref<1x128x128xf32, #tpu.memory_space<vmem>>
        %dma_start3A_317 = tpu.memref_squeeze %dma_start3A_316 : memref<1x128x128xf32, #tpu.memory_space<vmem>> -> memref<128x128xf32, #tpu.memory_space<vmem>>
        %dma_start3A_318 = arith.constant 0 : i32
        %dma_start3A_319 = tpu.memref_slice %arg6[%add3A_312, %dma_start3A_318] : memref<40x128xi32, #tpu.memory_space<vmem>> -> memref<1x128xi32, #tpu.memory_space<vmem>>
        %dma_start3A_320 = tpu.memref_squeeze %dma_start3A_319 : memref<1x128xi32, #tpu.memory_space<vmem>> -> memref<128xi32, #tpu.memory_space<vmem>>
        %dma_start3A_321 = arith.constant 0 : i32
        %dma_start3A_322 = arith.constant 0 : i32
        %dma_start3A_323 = tpu.memref_slice %arg2[%dma_start3A_321, %dma_start3A_322] : memref<10000x128xf32, #tpu.memory_space<hbm>> -> memref<10000x128xf32, #tpu.memory_space<hbm>>
        tpu.enqueue_indirect_dma source(%dma_start3A_323 : memref<10000x128xf32, #tpu.memory_space<hbm>>) target(%dma_start3A_317 : memref<128x128xf32, #tpu.memory_space<vmem>>) offsets(%dma_start3A_320 : memref<128xi32, #tpu.memory_space<vmem>>) semaphore(%arg11 : memref<!tpu.dma_semaphore, #tpu.memory_space<semaphore_mem>>)
      } else {
      }
      %add3A_182 = arith.constant 4 : i32
      %add3A_183 = arith.addi %add3A_94, %add3A_182 : i32
      %ge3A = arith.constant 40 : i32
      %ge3A_184 = arith.cmpi sge, %add3A_183, %ge3A : i32
      %convert_element_type3A_185 = arith.extui %ge3A_184 : i1 to i32
      %cond3A_186 = arith.constant 0 : i32
      %cond3A_187 = arith.cmpi ne, %convert_element_type3A_185, %cond3A_186 : i32
      scf.if %cond3A_187 {
        %add3A_266 = arith.constant 3 : i32
        %add3A_267 = arith.addi %add3A_94, %add3A_266 : i32
        %dma_start3A_268 = arith.constant 1 : i32
        %dma_start3A_269 = arith.constant 0 : i32
        %dma_start3A_270 = arith.constant 0 : i32
        %dma_start3A_271 = tpu.memref_slice %arg8[%dma_start3A_268, %dma_start3A_269, %dma_start3A_270] : memref<2x128x128xf32, #tpu.memory_space<vmem>> -> memref<1x128x128xf32, #tpu.memory_space<vmem>>
        %dma_start3A_272 = tpu.memref_squeeze %dma_start3A_271 : memref<1x128x128xf32, #tpu.memory_space<vmem>> -> memref<128x128xf32, #tpu.memory_space<vmem>>
        %dma_start3A_273 = arith.constant 0 : i32
        %dma_start3A_274 = tpu.memref_slice %arg6[%add3A_267, %dma_start3A_273] : memref<40x128xi32, #tpu.memory_space<vmem>> -> memref<1x128xi32, #tpu.memory_space<vmem>>
        %dma_start3A_275 = tpu.memref_squeeze %dma_start3A_274 : memref<1x128xi32, #tpu.memory_space<vmem>> -> memref<128xi32, #tpu.memory_space<vmem>>
        %dma_start3A_276 = arith.constant 0 : i32
        %dma_start3A_277 = arith.constant 0 : i32
        %dma_start3A_278 = tpu.memref_slice %arg2[%dma_start3A_276, %dma_start3A_277] : memref<10000x128xf32, #tpu.memory_space<hbm>> -> memref<10000x128xf32, #tpu.memory_space<hbm>>
        tpu.enqueue_indirect_dma source(%dma_start3A_278 : memref<10000x128xf32, #tpu.memory_space<hbm>>) target(%dma_start3A_272 : memref<128x128xf32, #tpu.memory_space<vmem>>) offsets(%dma_start3A_275 : memref<128xi32, #tpu.memory_space<vmem>>) semaphore(%arg11 : memref<!tpu.dma_semaphore, #tpu.memory_space<semaphore_mem>>)
      } else {
      }
      %dma_wait3A_188 = arith.constant 0 : i32
      %dma_wait3A_189 = arith.constant 1 : i32
      %dma_wait3A_190 = arith.constant 0 : i32
      %dma_wait3A_191 = arith.constant 0 : i32
      %dma_wait3A_192 = tpu.memref_slice %arg7[%dma_wait3A_189, %dma_wait3A_190, %dma_wait3A_191] : memref<2x2x128xi32, #tpu.memory_space<vmem>> -> memref<1x2x128xi32, #tpu.memory_space<vmem>>
      %dma_wait3A_193 = tpu.memref_squeeze %dma_wait3A_192 : memref<1x2x128xi32, #tpu.memory_space<vmem>> -> memref<2x128xi32, #tpu.memory_space<vmem>>
      %dma_wait3A_194 = arith.constant 0 : i32
      %dma_wait3A_195 = arith.constant 0 : i32
      %dma_wait3A_196 = arith.constant 0 : i32
      %dma_wait3A_197 = tpu.memref_slice %arg4[%arg0, %arg1, %dma_wait3A_194, %dma_wait3A_195, %dma_wait3A_196] : memref<2x16x20x2x128xi32, #tpu.memory_space<hbm>> -> memref<1x1x20x2x128xi32, #tpu.memory_space<hbm>>
      %dma_wait3A_198 = tpu.memref_squeeze %dma_wait3A_197 : memref<1x1x20x2x128xi32, #tpu.memory_space<hbm>> -> memref<20x2x128xi32, #tpu.memory_space<hbm>>
      %dma_wait3A_199 = arith.constant 0 : i32
      %dma_wait3A_200 = arith.constant 0 : i32
      %dma_wait3A_201 = tpu.memref_slice %dma_wait3A_198[%dma_wait3A_188, %dma_wait3A_199, %dma_wait3A_200] : memref<20x2x128xi32, #tpu.memory_space<hbm>> -> memref<1x2x128xi32, #tpu.memory_space<hbm>>
      %dma_wait3A_202 = tpu.memref_squeeze %dma_wait3A_201 : memref<1x2x128xi32, #tpu.memory_space<hbm>> -> memref<2x128xi32, #tpu.memory_space<hbm>>
      %dma_wait3A_203 = arith.constant 0 : i32
      %dma_wait3A_204 = arith.constant 0 : i32
      %dma_wait3A_205 = tpu.memref_slice %arg7[%dma_wait3A_189, %dma_wait3A_203, %dma_wait3A_204] : memref<2x2x128xi32, #tpu.memory_space<vmem>> -> memref<1x2x128xi32, #tpu.memory_space<vmem>>
      %dma_wait3A_206 = tpu.memref_squeeze %dma_wait3A_205 : memref<1x2x128xi32, #tpu.memory_space<vmem>> -> memref<2x128xi32, #tpu.memory_space<vmem>>
      %dma_wait3A_207 = arith.constant 0 : i32
      %dma_wait3A_208 = arith.constant 0 : i32
      %dma_wait3A_209 = arith.constant 0 : i32
      %dma_wait3A_210 = tpu.memref_slice %arg4[%arg0, %arg1, %dma_wait3A_207, %dma_wait3A_208, %dma_wait3A_209] : memref<2x16x20x2x128xi32, #tpu.memory_space<hbm>> -> memref<1x1x20x2x128xi32, #tpu.memory_space<hbm>>
      %dma_wait3A_211 = tpu.memref_squeeze %dma_wait3A_210 : memref<1x1x20x2x128xi32, #tpu.memory_space<hbm>> -> memref<20x2x128xi32, #tpu.memory_space<hbm>>
      %dma_wait3A_212 = arith.constant 0 : i32
      %dma_wait3A_213 = arith.constant 0 : i32
      %dma_wait3A_214 = tpu.memref_slice %dma_wait3A_211[%dma_wait3A_188, %dma_wait3A_212, %dma_wait3A_213] : memref<20x2x128xi32, #tpu.memory_space<hbm>> -> memref<1x2x128xi32, #tpu.memory_space<hbm>>
      %dma_wait3A_215 = tpu.memref_squeeze %dma_wait3A_214 : memref<1x2x128xi32, #tpu.memory_space<hbm>> -> memref<2x128xi32, #tpu.memory_space<hbm>>
      tpu.wait_dma2 semaphore(%arg13 : memref<!tpu.dma_semaphore, #tpu.memory_space<semaphore_mem>>) src(%dma_wait3A_215 : memref<2x128xi32, #tpu.memory_space<hbm>>) dst(%dma_wait3A_206 : memref<2x128xi32, #tpu.memory_space<vmem>>)
      %dma_wait3A_216 = arith.constant 0 : i32
      %dma_wait3A_217 = arith.constant 0 : i32
      %dma_wait3A_218 = arith.constant 0 : i32
      %dma_wait3A_219 = tpu.memref_slice %arg8[%dma_wait3A_216, %dma_wait3A_217, %dma_wait3A_218] : memref<2x128x128xf32, #tpu.memory_space<vmem>> -> memref<1x128x128xf32, #tpu.memory_space<vmem>>
      %dma_wait3A_220 = tpu.memref_squeeze %dma_wait3A_219 : memref<1x128x128xf32, #tpu.memory_space<vmem>> -> memref<128x128xf32, #tpu.memory_space<vmem>>
      %dma_wait3A_221 = arith.constant 0 : i32
      %dma_wait3A_222 = arith.constant 0 : i32
      %dma_wait3A_223 = tpu.memref_slice %arg2[%dma_wait3A_221, %dma_wait3A_222] : memref<10000x128xf32, #tpu.memory_space<hbm>> -> memref<128x128xf32, #tpu.memory_space<hbm>>
      %dma_wait3A_224 = arith.constant 0 : i32
      %dma_wait3A_225 = arith.constant 0 : i32
      %dma_wait3A_226 = tpu.memref_slice %arg8[%dma_wait3A_216, %dma_wait3A_224, %dma_wait3A_225] : memref<2x128x128xf32, #tpu.memory_space<vmem>> -> memref<1x128x128xf32, #tpu.memory_space<vmem>>
      %dma_wait3A_227 = tpu.memref_squeeze %dma_wait3A_226 : memref<1x128x128xf32, #tpu.memory_space<vmem>> -> memref<128x128xf32, #tpu.memory_space<vmem>>
      %dma_wait3A_228 = arith.constant 0 : i32
      %dma_wait3A_229 = arith.constant 0 : i32
      %dma_wait3A_230 = tpu.memref_slice %arg2[%dma_wait3A_228, %dma_wait3A_229] : memref<10000x128xf32, #tpu.memory_space<hbm>> -> memref<128x128xf32, #tpu.memory_space<hbm>>
      tpu.wait_dma2 semaphore(%arg10 : memref<!tpu.dma_semaphore, #tpu.memory_space<semaphore_mem>>) src(%dma_wait3A_230 : memref<128x128xf32, #tpu.memory_space<hbm>>) dst(%dma_wait3A_227 : memref<128x128xf32, #tpu.memory_space<vmem>>)
      %run_scoped3A_231 = arith.constant 0 : i32
      %run_scoped3A_232 = arith.constant 1 : i32
      %run_scoped3A_233 = arith.constant 0 : i32
      "tpu.region"() ({
        %run_scoped3A_266 = tpu.sem_alloc : memref<!tpu.dma_semaphore, #tpu.memory_space<semaphore_mem>>
        %dma_start3A_267 = arith.constant 0 : i32
        %dma_start3A_268 = arith.constant 0 : i32
        %dma_start3A_269 = tpu.memref_slice %arg8[%run_scoped3A_231, %dma_start3A_267, %dma_start3A_268] : memref<2x128x128xf32, #tpu.memory_space<vmem>> -> memref<1x128x128xf32, #tpu.memory_space<vmem>>
        %dma_start3A_270 = tpu.memref_squeeze %dma_start3A_269 : memref<1x128x128xf32, #tpu.memory_space<vmem>> -> memref<128x128xf32, #tpu.memory_space<vmem>>
        %dma_start3A_271 = arith.constant 0 : i32
        %dma_start3A_272 = arith.constant 0 : i32
        %dma_start3A_273 = tpu.memref_slice %arg7[%run_scoped3A_232, %dma_start3A_271, %dma_start3A_272] : memref<2x2x128xi32, #tpu.memory_space<vmem>> -> memref<1x2x128xi32, #tpu.memory_space<vmem>>
        %dma_start3A_274 = tpu.memref_squeeze %dma_start3A_273 : memref<1x2x128xi32, #tpu.memory_space<vmem>> -> memref<2x128xi32, #tpu.memory_space<vmem>>
        %dma_start3A_275 = arith.constant 0 : i32
        %dma_start3A_276 = tpu.memref_slice %dma_start3A_274[%run_scoped3A_233, %dma_start3A_275] : memref<2x128xi32, #tpu.memory_space<vmem>> -> memref<1x128xi32, #tpu.memory_space<vmem>>
        %dma_start3A_277 = tpu.memref_squeeze %dma_start3A_276 : memref<1x128xi32, #tpu.memory_space<vmem>> -> memref<128xi32, #tpu.memory_space<vmem>>
        %dma_start3A_278 = arith.constant 0 : i32
        %dma_start3A_279 = arith.constant 0 : i32
        %dma_start3A_280 = tpu.memref_slice %arg9[%dma_start3A_278, %dma_start3A_279] : memref<10112x128xf32, #tpu.memory_space<vmem_shared>> -> memref<10112x128xf32, #tpu.memory_space<vmem_shared>>
        tpu.enqueue_indirect_dma source(%dma_start3A_270 : memref<128x128xf32, #tpu.memory_space<vmem>>) target(%dma_start3A_280 : memref<10112x128xf32, #tpu.memory_space<vmem_shared>>) offsets(%dma_start3A_277 : memref<128xi32, #tpu.memory_space<vmem>>) semaphore(%run_scoped3A_266 : memref<!tpu.dma_semaphore, #tpu.memory_space<semaphore_mem>>) {add = true}
        %dma_wait3A_281 = arith.constant 0 : i32
        %dma_wait3A_282 = arith.constant 0 : i32
        %dma_wait3A_283 = tpu.memref_slice %arg8[%run_scoped3A_231, %dma_wait3A_281, %dma_wait3A_282] : memref<2x128x128xf32, #tpu.memory_space<vmem>> -> memref<1x128x128xf32, #tpu.memory_space<vmem>>
        %dma_wait3A_284 = tpu.memref_squeeze %dma_wait3A_283 : memref<1x128x128xf32, #tpu.memory_space<vmem>> -> memref<128x128xf32, #tpu.memory_space<vmem>>
        %dma_wait3A_285 = arith.constant 0 : i32
        %dma_wait3A_286 = arith.constant 0 : i32
        %dma_wait3A_287 = tpu.memref_slice %arg7[%run_scoped3A_232, %dma_wait3A_285, %dma_wait3A_286] : memref<2x2x128xi32, #tpu.memory_space<vmem>> -> memref<1x2x128xi32, #tpu.memory_space<vmem>>
        %dma_wait3A_288 = tpu.memref_squeeze %dma_wait3A_287 : memref<1x2x128xi32, #tpu.memory_space<vmem>> -> memref<2x128xi32, #tpu.memory_space<vmem>>
        %dma_wait3A_289 = arith.constant 0 : i32
        %dma_wait3A_290 = tpu.memref_slice %dma_wait3A_288[%run_scoped3A_233, %dma_wait3A_289] : memref<2x128xi32, #tpu.memory_space<vmem>> -> memref<1x128xi32, #tpu.memory_space<vmem>>
        %dma_wait3A_291 = tpu.memref_squeeze %dma_wait3A_290 : memref<1x128xi32, #tpu.memory_space<vmem>> -> memref<128xi32, #tpu.memory_space<vmem>>
        %dma_wait3A_292 = arith.constant 0 : i32
        %dma_wait3A_293 = arith.constant 0 : i32
        %dma_wait3A_294 = tpu.memref_slice %arg9[%dma_wait3A_292, %dma_wait3A_293] : memref<10112x128xf32, #tpu.memory_space<vmem_shared>> -> memref<10112x128xf32, #tpu.memory_space<vmem_shared>>
        tpu.wait_indirect_dma semaphore(%run_scoped3A_266 : memref<!tpu.dma_semaphore, #tpu.memory_space<semaphore_mem>>) src(%dma_wait3A_284 : memref<128x128xf32, #tpu.memory_space<vmem>>) dst(%dma_wait3A_294 : memref<10112x128xf32, #tpu.memory_space<vmem_shared>>)
        tpu.yield
      }) : () -> ()
      %add3A_234 = arith.constant 4 : i32
      %add3A_235 = arith.addi %add3A_94, %add3A_234 : i32
      %lt3A_236 = arith.constant 40 : i32
      %lt3A_237 = arith.cmpi slt, %add3A_235, %lt3A_236 : i32
      %convert_element_type3A_238 = arith.extui %lt3A_237 : i1 to i32
      %cond3A_239 = arith.constant 0 : i32
      %cond3A_240 = arith.cmpi ne, %convert_element_type3A_238, %cond3A_239 : i32
      scf.if %cond3A_240 {
        %add3A_266 = arith.constant 4 : i32
        %add3A_267 = arith.addi %add3A_94, %add3A_266 : i32
        %dma_start3A_268 = arith.constant 0 : i32
        %dma_start3A_269 = arith.constant 0 : i32
        %dma_start3A_270 = arith.constant 0 : i32
        %dma_start3A_271 = tpu.memref_slice %arg8[%dma_start3A_268, %dma_start3A_269, %dma_start3A_270] : memref<2x128x128xf32, #tpu.memory_space<vmem>> -> memref<1x128x128xf32, #tpu.memory_space<vmem>>
        %dma_start3A_272 = tpu.memref_squeeze %dma_start3A_271 : memref<1x128x128xf32, #tpu.memory_space<vmem>> -> memref<128x128xf32, #tpu.memory_space<vmem>>
        %dma_start3A_273 = arith.constant 0 : i32
        %dma_start3A_274 = tpu.memref_slice %arg6[%add3A_267, %dma_start3A_273] : memref<40x128xi32, #tpu.memory_space<vmem>> -> memref<1x128xi32, #tpu.memory_space<vmem>>
        %dma_start3A_275 = tpu.memref_squeeze %dma_start3A_274 : memref<1x128xi32, #tpu.memory_space<vmem>> -> memref<128xi32, #tpu.memory_space<vmem>>
        %dma_start3A_276 = arith.constant 0 : i32
        %dma_start3A_277 = arith.constant 0 : i32
        %dma_start3A_278 = tpu.memref_slice %arg2[%dma_start3A_276, %dma_start3A_277] : memref<10000x128xf32, #tpu.memory_space<hbm>> -> memref<10000x128xf32, #tpu.memory_space<hbm>>
        tpu.enqueue_indirect_dma source(%dma_start3A_278 : memref<10000x128xf32, #tpu.memory_space<hbm>>) target(%dma_start3A_272 : memref<128x128xf32, #tpu.memory_space<vmem>>) offsets(%dma_start3A_275 : memref<128xi32, #tpu.memory_space<vmem>>) semaphore(%arg10 : memref<!tpu.dma_semaphore, #tpu.memory_space<semaphore_mem>>)
      } else {
      }
      %dma_wait3A_241 = arith.constant 1 : i32
      %dma_wait3A_242 = arith.constant 0 : i32
      %dma_wait3A_243 = arith.constant 0 : i32
      %dma_wait3A_244 = tpu.memref_slice %arg8[%dma_wait3A_241, %dma_wait3A_242, %dma_wait3A_243] : memref<2x128x128xf32, #tpu.memory_space<vmem>> -> memref<1x128x128xf32, #tpu.memory_space<vmem>>
      %dma_wait3A_245 = tpu.memref_squeeze %dma_wait3A_244 : memref<1x128x128xf32, #tpu.memory_space<vmem>> -> memref<128x128xf32, #tpu.memory_space<vmem>>
      %dma_wait3A_246 = arith.constant 0 : i32
      %dma_wait3A_247 = arith.constant 0 : i32
      %dma_wait3A_248 = tpu.memref_slice %arg2[%dma_wait3A_246, %dma_wait3A_247] : memref<10000x128xf32, #tpu.memory_space<hbm>> -> memref<128x128xf32, #tpu.memory_space<hbm>>
      %dma_wait3A_249 = arith.constant 0 : i32
      %dma_wait3A_250 = arith.constant 0 : i32
      %dma_wait3A_251 = tpu.memref_slice %arg8[%dma_wait3A_241, %dma_wait3A_249, %dma_wait3A_250] : memref<2x128x128xf32, #tpu.memory_space<vmem>> -> memref<1x128x128xf32, #tpu.memory_space<vmem>>
      %dma_wait3A_252 = tpu.memref_squeeze %dma_wait3A_251 : memref<1x128x128xf32, #tpu.memory_space<vmem>> -> memref<128x128xf32, #tpu.memory_space<vmem>>
      %dma_wait3A_253 = arith.constant 0 : i32
      %dma_wait3A_254 = arith.constant 0 : i32
      %dma_wait3A_255 = tpu.memref_slice %arg2[%dma_wait3A_253, %dma_wait3A_254] : memref<10000x128xf32, #tpu.memory_space<hbm>> -> memref<128x128xf32, #tpu.memory_space<hbm>>
      tpu.wait_dma2 semaphore(%arg11 : memref<!tpu.dma_semaphore, #tpu.memory_space<semaphore_mem>>) src(%dma_wait3A_255 : memref<128x128xf32, #tpu.memory_space<hbm>>) dst(%dma_wait3A_252 : memref<128x128xf32, #tpu.memory_space<vmem>>)
      %run_scoped3A_256 = arith.constant 1 : i32
      %run_scoped3A_257 = arith.constant 1 : i32
      %run_scoped3A_258 = arith.constant 1 : i32
      "tpu.region"() ({
        %run_scoped3A_266 = tpu.sem_alloc : memref<!tpu.dma_semaphore, #tpu.memory_space<semaphore_mem>>
        %dma_start3A_267 = arith.constant 0 : i32
        %dma_start3A_268 = arith.constant 0 : i32
        %dma_start3A_269 = tpu.memref_slice %arg8[%run_scoped3A_256, %dma_start3A_267, %dma_start3A_268] : memref<2x128x128xf32, #tpu.memory_space<vmem>> -> memref<1x128x128xf32, #tpu.memory_space<vmem>>
        %dma_start3A_270 = tpu.memref_squeeze %dma_start3A_269 : memref<1x128x128xf32, #tpu.memory_space<vmem>> -> memref<128x128xf32, #tpu.memory_space<vmem>>
        %dma_start3A_271 = arith.constant 0 : i32
        %dma_start3A_272 = arith.constant 0 : i32
        %dma_start3A_273 = tpu.memref_slice %arg7[%run_scoped3A_257, %dma_start3A_271, %dma_start3A_272] : memref<2x2x128xi32, #tpu.memory_space<vmem>> -> memref<1x2x128xi32, #tpu.memory_space<vmem>>
        %dma_start3A_274 = tpu.memref_squeeze %dma_start3A_273 : memref<1x2x128xi32, #tpu.memory_space<vmem>> -> memref<2x128xi32, #tpu.memory_space<vmem>>
        %dma_start3A_275 = arith.constant 0 : i32
        %dma_start3A_276 = tpu.memref_slice %dma_start3A_274[%run_scoped3A_258, %dma_start3A_275] : memref<2x128xi32, #tpu.memory_space<vmem>> -> memref<1x128xi32, #tpu.memory_space<vmem>>
        %dma_start3A_277 = tpu.memref_squeeze %dma_start3A_276 : memref<1x128xi32, #tpu.memory_space<vmem>> -> memref<128xi32, #tpu.memory_space<vmem>>
        %dma_start3A_278 = arith.constant 0 : i32
        %dma_start3A_279 = arith.constant 0 : i32
        %dma_start3A_280 = tpu.memref_slice %arg9[%dma_start3A_278, %dma_start3A_279] : memref<10112x128xf32, #tpu.memory_space<vmem_shared>> -> memref<10112x128xf32, #tpu.memory_space<vmem_shared>>
        tpu.enqueue_indirect_dma source(%dma_start3A_270 : memref<128x128xf32, #tpu.memory_space<vmem>>) target(%dma_start3A_280 : memref<10112x128xf32, #tpu.memory_space<vmem_shared>>) offsets(%dma_start3A_277 : memref<128xi32, #tpu.memory_space<vmem>>) semaphore(%run_scoped3A_266 : memref<!tpu.dma_semaphore, #tpu.memory_space<semaphore_mem>>) {add = true}
        %dma_wait3A_281 = arith.constant 0 : i32
        %dma_wait3A_282 = arith.constant 0 : i32
        %dma_wait3A_283 = tpu.memref_slice %arg8[%run_scoped3A_256, %dma_wait3A_281, %dma_wait3A_282] : memref<2x128x128xf32, #tpu.memory_space<vmem>> -> memref<1x128x128xf32, #tpu.memory_space<vmem>>
        %dma_wait3A_284 = tpu.memref_squeeze %dma_wait3A_283 : memref<1x128x128xf32, #tpu.memory_space<vmem>> -> memref<128x128xf32, #tpu.memory_space<vmem>>
        %dma_wait3A_285 = arith.constant 0 : i32
        %dma_wait3A_286 = arith.constant 0 : i32
        %dma_wait3A_287 = tpu.memref_slice %arg7[%run_scoped3A_257, %dma_wait3A_285, %dma_wait3A_286] : memref<2x2x128xi32, #tpu.memory_space<vmem>> -> memref<1x2x128xi32, #tpu.memory_space<vmem>>
        %dma_wait3A_288 = tpu.memref_squeeze %dma_wait3A_287 : memref<1x2x128xi32, #tpu.memory_space<vmem>> -> memref<2x128xi32, #tpu.memory_space<vmem>>
        %dma_wait3A_289 = arith.constant 0 : i32
        %dma_wait3A_290 = tpu.memref_slice %dma_wait3A_288[%run_scoped3A_258, %dma_wait3A_289] : memref<2x128xi32, #tpu.memory_space<vmem>> -> memref<1x128xi32, #tpu.memory_space<vmem>>
        %dma_wait3A_291 = tpu.memref_squeeze %dma_wait3A_290 : memref<1x128xi32, #tpu.memory_space<vmem>> -> memref<128xi32, #tpu.memory_space<vmem>>
        %dma_wait3A_292 = arith.constant 0 : i32
        %dma_wait3A_293 = arith.constant 0 : i32
        %dma_wait3A_294 = tpu.memref_slice %arg9[%dma_wait3A_292, %dma_wait3A_293] : memref<10112x128xf32, #tpu.memory_space<vmem_shared>> -> memref<10112x128xf32, #tpu.memory_space<vmem_shared>>
        tpu.wait_indirect_dma semaphore(%run_scoped3A_266 : memref<!tpu.dma_semaphore, #tpu.memory_space<semaphore_mem>>) src(%dma_wait3A_284 : memref<128x128xf32, #tpu.memory_space<vmem>>) dst(%dma_wait3A_294 : memref<10112x128xf32, #tpu.memory_space<vmem_shared>>)
        tpu.yield
      }) : () -> ()
      %add3A_259 = arith.constant 6 : i32
      %add3A_260 = arith.addi %add3A_94, %add3A_259 : i32
      %lt3A_261 = arith.constant 40 : i32
      %lt3A_262 = arith.cmpi slt, %add3A_260, %lt3A_261 : i32
      %convert_element_type3A_263 = arith.extui %lt3A_262 : i1 to i32
      %cond3A_264 = arith.constant 0 : i32
      %cond3A_265 = arith.cmpi ne, %convert_element_type3A_263, %cond3A_264 : i32
      scf.if %cond3A_265 {
        %jit3A = arith.constant 2 : i32
        %div3A = arith.divsi %add3A_94, %jit3A : i32
        %sign3A = arith.constant 0 : i32
        %sign3A_266 = arith.cmpi sgt, %add3A_94, %sign3A : i32
        %sign3A_267 = arith.extui %sign3A_266 : i1 to i32
        %sign3A_268 = arith.constant 0 : i32
        %sign3A_269 = arith.cmpi slt, %add3A_94, %sign3A_268 : i32
        %sign3A_270 = arith.extui %sign3A_269 : i1 to i32
        %sign3A_271 = arith.subi %sign3A_267, %sign3A_270 : i32
        %sign3A_272 = arith.constant 0 : i32
        %sign3A_273 = arith.cmpi sgt, %jit3A, %sign3A_272 : i32
        %sign3A_274 = arith.extui %sign3A_273 : i1 to i32
        %sign3A_275 = arith.constant 0 : i32
        %sign3A_276 = arith.cmpi slt, %jit3A, %sign3A_275 : i32
        %sign3A_277 = arith.extui %sign3A_276 : i1 to i32
        %sign3A_278 = arith.subi %sign3A_274, %sign3A_277 : i32
        %ne3A = arith.cmpi ne, %sign3A_271, %sign3A_278 : i32
        %rem3A = arith.remsi %add3A_94, %jit3A : i32
        %ne3A_279 = arith.constant 0 : i32
        %ne3A_280 = arith.cmpi ne, %rem3A, %ne3A_279 : i32
        %and3A = arith.andi %ne3A, %ne3A_280 : i1
        %sub3A = arith.constant 1 : i32
        %sub3A_281 = arith.subi %div3A, %sub3A : i32
        %select_n3A = arith.select %and3A, %sub3A_281, %div3A : i32
        %add3A_282 = arith.constant 3 : i32
        %add3A_283 = arith.addi %select_n3A, %add3A_282 : i32
        %dma_start3A_284 = arith.constant 1 : i32
        %dma_start3A_285 = arith.constant 0 : i32
        %dma_start3A_286 = arith.constant 0 : i32
        %dma_start3A_287 = tpu.memref_slice %arg7[%dma_start3A_284, %dma_start3A_285, %dma_start3A_286] : memref<2x2x128xi32, #tpu.memory_space<vmem>> -> memref<1x2x128xi32, #tpu.memory_space<vmem>>
        %dma_start3A_288 = tpu.memref_squeeze %dma_start3A_287 : memref<1x2x128xi32, #tpu.memory_space<vmem>> -> memref<2x128xi32, #tpu.memory_space<vmem>>
        %dma_start3A_289 = arith.constant 0 : i32
        %dma_start3A_290 = arith.constant 0 : i32
        %dma_start3A_291 = arith.constant 0 : i32
        %dma_start3A_292 = tpu.memref_slice %arg4[%arg0, %arg1, %dma_start3A_289, %dma_start3A_290, %dma_start3A_291] : memref<2x16x20x2x128xi32, #tpu.memory_space<hbm>> -> memref<1x1x20x2x128xi32, #tpu.memory_space<hbm>>
        %dma_start3A_293 = tpu.memref_squeeze %dma_start3A_292 : memref<1x1x20x2x128xi32, #tpu.memory_space<hbm>> -> memref<20x2x128xi32, #tpu.memory_space<hbm>>
        %dma_start3A_294 = arith.constant 0 : i32
        %dma_start3A_295 = arith.constant 0 : i32
        %dma_start3A_296 = tpu.memref_slice %dma_start3A_293[%add3A_283, %dma_start3A_294, %dma_start3A_295] : memref<20x2x128xi32, #tpu.memory_space<hbm>> -> memref<1x2x128xi32, #tpu.memory_space<hbm>>
        %dma_start3A_297 = tpu.memref_squeeze %dma_start3A_296 : memref<1x2x128xi32, #tpu.memory_space<hbm>> -> memref<2x128xi32, #tpu.memory_space<hbm>>
        %dma_start3A_298 = arith.constant 0 : i32
        %dma_start3A_299 = arith.constant 0 : i32
        %dma_start3A_300 = tpu.memref_slice %arg7[%dma_start3A_284, %dma_start3A_298, %dma_start3A_299] : memref<2x2x128xi32, #tpu.memory_space<vmem>> -> memref<1x2x128xi32, #tpu.memory_space<vmem>>
        %dma_start3A_301 = tpu.memref_squeeze %dma_start3A_300 : memref<1x2x128xi32, #tpu.memory_space<vmem>> -> memref<2x128xi32, #tpu.memory_space<vmem>>
        %dma_start3A_302 = arith.constant 0 : i32
        %dma_start3A_303 = arith.constant 0 : i32
        %dma_start3A_304 = arith.constant 0 : i32
        %dma_start3A_305 = tpu.memref_slice %arg4[%arg0, %arg1, %dma_start3A_302, %dma_start3A_303, %dma_start3A_304] : memref<2x16x20x2x128xi32, #tpu.memory_space<hbm>> -> memref<1x1x20x2x128xi32, #tpu.memory_space<hbm>>
        %dma_start3A_306 = tpu.memref_squeeze %dma_start3A_305 : memref<1x1x20x2x128xi32, #tpu.memory_space<hbm>> -> memref<20x2x128xi32, #tpu.memory_space<hbm>>
        %dma_start3A_307 = arith.constant 0 : i32
        %dma_start3A_308 = arith.constant 0 : i32
        %dma_start3A_309 = tpu.memref_slice %dma_start3A_306[%add3A_283, %dma_start3A_307, %dma_start3A_308] : memref<20x2x128xi32, #tpu.memory_space<hbm>> -> memref<1x2x128xi32, #tpu.memory_space<hbm>>
        %dma_start3A_310 = tpu.memref_squeeze %dma_start3A_309 : memref<1x2x128xi32, #tpu.memory_space<hbm>> -> memref<2x128xi32, #tpu.memory_space<hbm>>
        tpu.enqueue_dma source(%dma_start3A_310 : memref<2x128xi32, #tpu.memory_space<hbm>>) target(%dma_start3A_301 : memref<2x128xi32, #tpu.memory_space<vmem>>) target_semaphore(%arg13 : memref<!tpu.dma_semaphore, #tpu.memory_space<semaphore_mem>>)
      } else {
      }
    }
    %scan3A_84 = arith.constant 10 : i32
    %barrier3A_85 = arith.constant 0 : index
    tpu.barrier barrier_id(%barrier3A_85)
    %mul3A_86 = arith.constant 632 : i32
    %mul3A_87 = arith.muli %arg1, %mul3A_86 : i32
    %mul3A_88 = arith.constant 632 : i32
    %mul3A_89 = arith.muli %arg1, %mul3A_88 : i32
    "tpu.region"() ({
      %run_scoped3A_90 = tpu.sem_alloc : memref<!tpu.dma_semaphore, #tpu.memory_space<semaphore_mem>>
      %dma_start3A_91 = arith.constant 0 : i32
      %dma_start3A_92 = tpu.memref_slice %arg5[%arg0, %mul3A_89, %dma_start3A_91] : memref<2x10112x128xf32, #tpu.memory_space<hbm>> -> memref<1x632x128xf32, #tpu.memory_space<hbm>>
      %dma_start3A_93 = tpu.memref_squeeze %dma_start3A_92 : memref<1x632x128xf32, #tpu.memory_space<hbm>> -> memref<632x128xf32, #tpu.memory_space<hbm>>
      %dma_start3A_94 = arith.constant 0 : i32
      %dma_start3A_95 = tpu.memref_slice %arg9[%mul3A_87, %dma_start3A_94] : memref<10112x128xf32, #tpu.memory_space<vmem_shared>> -> memref<632x128xf32, #tpu.memory_space<vmem_shared>>
      tpu.enqueue_dma source(%dma_start3A_95 : memref<632x128xf32, #tpu.memory_space<vmem_shared>>) target(%dma_start3A_93 : memref<632x128xf32, #tpu.memory_space<hbm>>) target_semaphore(%run_scoped3A_90 : memref<!tpu.dma_semaphore, #tpu.memory_space<semaphore_mem>>)
      %dma_wait3A = arith.constant 0 : i32
      %dma_wait3A_96 = tpu.memref_slice %arg5[%arg0, %mul3A_89, %dma_wait3A] : memref<2x10112x128xf32, #tpu.memory_space<hbm>> -> memref<1x632x128xf32, #tpu.memory_space<hbm>>
      %dma_wait3A_97 = tpu.memref_squeeze %dma_wait3A_96 : memref<1x632x128xf32, #tpu.memory_space<hbm>> -> memref<632x128xf32, #tpu.memory_space<hbm>>
      %dma_wait3A_98 = arith.constant 0 : i32
      %dma_wait3A_99 = tpu.memref_slice %arg9[%mul3A_87, %dma_wait3A_98] : memref<10112x128xf32, #tpu.memory_space<vmem_shared>> -> memref<632x128xf32, #tpu.memory_space<vmem_shared>>
      tpu.wait_dma2 semaphore(%run_scoped3A_90 : memref<!tpu.dma_semaphore, #tpu.memory_space<semaphore_mem>>) src(%dma_wait3A_99 : memref<632x128xf32, #tpu.memory_space<vmem_shared>>) dst(%dma_wait3A_97 : memref<632x128xf32, #tpu.memory_space<hbm>>)
      tpu.yield
    }) : () -> ()
    return
  }
}

#map = affine_map<(d0, d1) -> (0, 0)>
#map1 = affine_map<(d0, d1) -> (0, 0, 0, 0)>
#map2 = affine_map<(d0, d1) -> (0, 0, 0)>
module attributes {stable_mosaic.version = 14 : i64} {
  func.func @_agg(%arg0: i32, %arg1: i32, %arg2: memref<20000x128xf32, #tpu.memory_space<hbm>>, %arg3: memref<2x16x80x128xi32, #tpu.memory_space<hbm>>, %arg4: memref<16x40x2x128xi32, #tpu.memory_space<hbm>>, %arg5: memref<2x10112x128xf32, #tpu.memory_space<hbm>>, %arg6: memref<80x128xi32, #tpu.memory_space<vmem>>, %arg7: memref<2x2x128xi32, #tpu.memory_space<vmem>>, %arg8: memref<2x128x128xf32, #tpu.memory_space<vmem>>, %arg9: memref<10112x128xf32, #tpu.memory_space<vmem_shared>>, %arg10: memref<!tpu.dma_semaphore, #tpu.memory_space<semaphore_mem>>, %arg11: memref<!tpu.dma_semaphore, #tpu.memory_space<semaphore_mem>>, %arg12: memref<!tpu.dma_semaphore, #tpu.memory_space<semaphore_mem>>, %arg13: memref<!tpu.dma_semaphore, #tpu.memory_space<semaphore_mem>>) attributes {dimension_semantics = [#tpu.dimension_semantics<core_parallel>, #tpu.dimension_semantics<subcore_parallel>], iteration_bounds = array<i64: 2, 16>, scalar_prefetch = 0 : i64, scratch_operands = 8 : i64, tpu.core_type = #tpu.core_type<sc_vector_subcore>, window_params = [{transform_indices = #map}, {transform_indices = #map1}, {transform_indices = #map1}, {transform_indices = #map2}]} {
    "tpu.region"() ({
      %run_scoped3A_90 = tpu.sem_alloc : memref<!tpu.dma_semaphore, #tpu.memory_space<semaphore_mem>>
      %dma_start3A_91 = arith.constant 0 : i32
      %dma_start3A_92 = arith.constant 0 : i32
      %dma_start3A_93 = tpu.memref_slice %arg3[%arg0, %arg1, %dma_start3A_91, %dma_start3A_92] : memref<2x16x80x128xi32, #tpu.memory_space<hbm>> -> memref<1x1x80x128xi32, #tpu.memory_space<hbm>>
      %dma_start3A_94 = tpu.memref_squeeze %dma_start3A_93 : memref<1x1x80x128xi32, #tpu.memory_space<hbm>> -> memref<80x128xi32, #tpu.memory_space<hbm>>
      %dma_start3A_95 = arith.constant 0 : i32
      %dma_start3A_96 = arith.constant 0 : i32
      %dma_start3A_97 = tpu.memref_slice %arg3[%arg0, %arg1, %dma_start3A_95, %dma_start3A_96] : memref<2x16x80x128xi32, #tpu.memory_space<hbm>> -> memref<1x1x80x128xi32, #tpu.memory_space<hbm>>
      %dma_start3A_98 = tpu.memref_squeeze %dma_start3A_97 : memref<1x1x80x128xi32, #tpu.memory_space<hbm>> -> memref<80x128xi32, #tpu.memory_space<hbm>>
      tpu.enqueue_dma source(%dma_start3A_98 : memref<80x128xi32, #tpu.memory_space<hbm>>) target(%arg6 : memref<80x128xi32, #tpu.memory_space<vmem>>) target_semaphore(%run_scoped3A_90 : memref<!tpu.dma_semaphore, #tpu.memory_space<semaphore_mem>>)
      %dma_wait3A = arith.constant 0 : i32
      %dma_wait3A_99 = arith.constant 0 : i32
      %dma_wait3A_100 = tpu.memref_slice %arg3[%arg0, %arg1, %dma_wait3A, %dma_wait3A_99] : memref<2x16x80x128xi32, #tpu.memory_space<hbm>> -> memref<1x1x80x128xi32, #tpu.memory_space<hbm>>
      %dma_wait3A_101 = tpu.memref_squeeze %dma_wait3A_100 : memref<1x1x80x128xi32, #tpu.memory_space<hbm>> -> memref<80x128xi32, #tpu.memory_space<hbm>>
      %dma_wait3A_102 = arith.constant 0 : i32
      %dma_wait3A_103 = arith.constant 0 : i32
      %dma_wait3A_104 = tpu.memref_slice %arg3[%arg0, %arg1, %dma_wait3A_102, %dma_wait3A_103] : memref<2x16x80x128xi32, #tpu.memory_space<hbm>> -> memref<1x1x80x128xi32, #tpu.memory_space<hbm>>
      %dma_wait3A_105 = tpu.memref_squeeze %dma_wait3A_104 : memref<1x1x80x128xi32, #tpu.memory_space<hbm>> -> memref<80x128xi32, #tpu.memory_space<hbm>>
      tpu.wait_dma2 semaphore(%run_scoped3A_90 : memref<!tpu.dma_semaphore, #tpu.memory_space<semaphore_mem>>) src(%dma_wait3A_105 : memref<80x128xi32, #tpu.memory_space<hbm>>) dst(%arg6 : memref<80x128xi32, #tpu.memory_space<vmem>>)
      tpu.yield
    }) : () -> ()
    %broadcast_in_dim3A = arith.constant 0.000000e+00 : f32
    %broadcast_in_dim3A_0 = vector.broadcast %broadcast_in_dim3A : f32 to vector<16xf32>
    %scan3A = arith.constant 0 : i32
    %scan3A_1 = arith.constant 0 : i32
    %scan3A_2 = arith.constant 128 : i32
    %scan3A_3 = arith.addi %scan3A_1, %scan3A_2 : i32
    %scan3A_4 = arith.constant 1 : i32
    scf.for %scan3A_90 = %scan3A_1 to %scan3A_3 step %scan3A_4  : i32 {
      %mul3A_91 = arith.constant 1 : i32
      %mul3A_92 = arith.muli %scan3A_90, %mul3A_91 : i32
      %add3A_93 = arith.constant 0 : i32
      %add3A_94 = arith.addi %add3A_93, %mul3A_92 : i32
      %scan3A_95 = arith.constant 0 : i32
      %scan3A_96 = arith.constant 8 : i32
      %scan3A_97 = arith.addi %scan3A_95, %scan3A_96 : i32
      %scan3A_98 = arith.constant 1 : i32
      scf.for %scan3A_100 = %scan3A_95 to %scan3A_97 step %scan3A_98  : i32 {
        %mul3A_101 = arith.constant 16 : i32
        %mul3A_102 = arith.muli %scan3A_100, %mul3A_101 : i32
        %add3A_103 = arith.constant 0 : i32
        %add3A_104 = arith.addi %add3A_103, %mul3A_102 : i32
        %swap3A = arith.constant 0 : i32
        %swap3A_105 = arith.constant 0 : i32
        %swap3A_106 = tpu.memref_slice %arg8[%scan3A, %swap3A, %swap3A_105] : memref<2x128x128xf32, #tpu.memory_space<vmem>> -> memref<1x128x128xf32, #tpu.memory_space<vmem>>
        %swap3A_107 = tpu.memref_squeeze %swap3A_106 : memref<1x128x128xf32, #tpu.memory_space<vmem>> -> memref<128x128xf32, #tpu.memory_space<vmem>>
        %swap3A_108 = arith.index_cast %add3A_94 : i32 to index
        %swap3A_109 = arith.index_cast %add3A_104 : i32 to index
        %swap3A_110 = tpu.vector_load %swap3A_107[%swap3A_108, %swap3A_109] {strides = array<i32>} : memref<128x128xf32, #tpu.memory_space<vmem>>, vector<1x16xf32>,
        %swap3A_111 = vector.shape_cast %swap3A_110 : vector<1x16xf32> to vector<16xf32>
        %swap3A_112 = vector.shape_cast %broadcast_in_dim3A_0 : vector<16xf32> to vector<1x16xf32>
        tpu.vector_store %swap3A_107[%swap3A_108, %swap3A_109], %swap3A_112 {strides = array<i32>} : memref<128x128xf32, #tpu.memory_space<vmem>>, vector<1x16xf32>,
      }
      %scan3A_99 = arith.constant 8 : i32
    }
    %scan3A_5 = arith.constant 128 : i32
    %scan3A_6 = arith.constant 0 : i32
    %scan3A_7 = arith.constant 4 : i32
    %scan3A_8 = arith.addi %scan3A_6, %scan3A_7 : i32
    %scan3A_9 = arith.constant 1 : i32
    scf.for %scan3A_90 = %scan3A_6 to %scan3A_8 step %scan3A_9  : i32 {
      %mul3A_91 = arith.constant 128 : i32
      %mul3A_92 = arith.muli %scan3A_90, %mul3A_91 : i32
      %add3A_93 = arith.constant 0 : i32
      %add3A_94 = arith.addi %add3A_93, %mul3A_92 : i32
      %mul3A_95 = arith.constant 632 : i32
      %mul3A_96 = arith.muli %arg1, %mul3A_95 : i32
      %add3A_97 = arith.addi %mul3A_96, %add3A_94 : i32
      %run_scoped3A_98 = arith.constant 0 : i32
      "tpu.region"() ({
        %run_scoped3A_99 = tpu.sem_alloc : memref<!tpu.dma_semaphore, #tpu.memory_space<semaphore_mem>>
        %dma_start3A_100 = arith.constant 0 : i32
        %dma_start3A_101 = arith.constant 0 : i32
        %dma_start3A_102 = tpu.memref_slice %arg8[%run_scoped3A_98, %dma_start3A_100, %dma_start3A_101] : memref<2x128x128xf32, #tpu.memory_space<vmem>> -> memref<1x128x128xf32, #tpu.memory_space<vmem>>
        %dma_start3A_103 = tpu.memref_squeeze %dma_start3A_102 : memref<1x128x128xf32, #tpu.memory_space<vmem>> -> memref<128x128xf32, #tpu.memory_space<vmem>>
        %dma_start3A_104 = arith.constant 0 : i32
        %dma_start3A_105 = tpu.memref_slice %arg9[%add3A_97, %dma_start3A_104] : memref<10112x128xf32, #tpu.memory_space<vmem_shared>> -> memref<128x128xf32, #tpu.memory_space<vmem_shared>>
        %dma_start3A_106 = arith.constant 0 : i32
        %dma_start3A_107 = tpu.memref_slice %arg9[%add3A_97, %dma_start3A_106] : memref<10112x128xf32, #tpu.memory_space<vmem_shared>> -> memref<128x128xf32, #tpu.memory_space<vmem_shared>>
        %dma_start3A_108 = arith.constant 0 : i32
        %dma_start3A_109 = arith.constant 0 : i32
        %dma_start3A_110 = tpu.memref_slice %arg8[%run_scoped3A_98, %dma_start3A_108, %dma_start3A_109] : memref<2x128x128xf32, #tpu.memory_space<vmem>> -> memref<1x128x128xf32, #tpu.memory_space<vmem>>
        %dma_start3A_111 = tpu.memref_squeeze %dma_start3A_110 : memref<1x128x128xf32, #tpu.memory_space<vmem>> -> memref<128x128xf32, #tpu.memory_space<vmem>>
        tpu.enqueue_dma source(%dma_start3A_111 : memref<128x128xf32, #tpu.memory_space<vmem>>) target(%dma_start3A_107 : memref<128x128xf32, #tpu.memory_space<vmem_shared>>) target_semaphore(%run_scoped3A_99 : memref<!tpu.dma_semaphore, #tpu.memory_space<semaphore_mem>>)
        %dma_wait3A = arith.constant 0 : i32
        %dma_wait3A_112 = arith.constant 0 : i32
        %dma_wait3A_113 = tpu.memref_slice %arg8[%run_scoped3A_98, %dma_wait3A, %dma_wait3A_112] : memref<2x128x128xf32, #tpu.memory_space<vmem>> -> memref<1x128x128xf32, #tpu.memory_space<vmem>>
        %dma_wait3A_114 = tpu.memref_squeeze %dma_wait3A_113 : memref<1x128x128xf32, #tpu.memory_space<vmem>> -> memref<128x128xf32, #tpu.memory_space<vmem>>
        %dma_wait3A_115 = arith.constant 0 : i32
        %dma_wait3A_116 = tpu.memref_slice %arg9[%add3A_97, %dma_wait3A_115] : memref<10112x128xf32, #tpu.memory_space<vmem_shared>> -> memref<128x128xf32, #tpu.memory_space<vmem_shared>>
        %dma_wait3A_117 = arith.constant 0 : i32
        %dma_wait3A_118 = tpu.memref_slice %arg9[%add3A_97, %dma_wait3A_117] : memref<10112x128xf32, #tpu.memory_space<vmem_shared>> -> memref<128x128xf32, #tpu.memory_space<vmem_shared>>
        %dma_wait3A_119 = arith.constant 0 : i32
        %dma_wait3A_120 = arith.constant 0 : i32
        %dma_wait3A_121 = tpu.memref_slice %arg8[%run_scoped3A_98, %dma_wait3A_119, %dma_wait3A_120] : memref<2x128x128xf32, #tpu.memory_space<vmem>> -> memref<1x128x128xf32, #tpu.memory_space<vmem>>
        %dma_wait3A_122 = tpu.memref_squeeze %dma_wait3A_121 : memref<1x128x128xf32, #tpu.memory_space<vmem>> -> memref<128x128xf32, #tpu.memory_space<vmem>>
        tpu.wait_dma2 semaphore(%run_scoped3A_99 : memref<!tpu.dma_semaphore, #tpu.memory_space<semaphore_mem>>) src(%dma_wait3A_122 : memref<128x128xf32, #tpu.memory_space<vmem>>) dst(%dma_wait3A_118 : memref<128x128xf32, #tpu.memory_space<vmem_shared>>)
        tpu.yield
      }) : () -> ()
    }
    %scan3A_10 = arith.constant 4 : i32
    %mul3A = arith.constant 632 : i32
    %mul3A_11 = arith.muli %arg1, %mul3A : i32
    %add3A = arith.constant 512 : i32
    %add3A_12 = arith.addi %mul3A_11, %add3A : i32
    %run_scoped3A = arith.constant 0 : i32
    "tpu.region"() ({
      %run_scoped3A_90 = tpu.sem_alloc : memref<!tpu.dma_semaphore, #tpu.memory_space<semaphore_mem>>
      %dma_start3A_91 = arith.constant 0 : i32
      %dma_start3A_92 = arith.constant 0 : i32
      %dma_start3A_93 = tpu.memref_slice %arg8[%run_scoped3A, %dma_start3A_91, %dma_start3A_92] : memref<2x128x128xf32, #tpu.memory_space<vmem>> -> memref<1x128x128xf32, #tpu.memory_space<vmem>>
      %dma_start3A_94 = tpu.memref_squeeze %dma_start3A_93 : memref<1x128x128xf32, #tpu.memory_space<vmem>> -> memref<128x128xf32, #tpu.memory_space<vmem>>
      %dma_start3A_95 = arith.constant 0 : i32
      %dma_start3A_96 = arith.constant 0 : i32
      %dma_start3A_97 = tpu.memref_slice %dma_start3A_94[%dma_start3A_95, %dma_start3A_96] : memref<128x128xf32, #tpu.memory_space<vmem>> -> memref<120x128xf32, #tpu.memory_space<vmem>>
      %dma_start3A_98 = arith.constant 0 : i32
      %dma_start3A_99 = tpu.memref_slice %arg9[%add3A_12, %dma_start3A_98] : memref<10112x128xf32, #tpu.memory_space<vmem_shared>> -> memref<120x128xf32, #tpu.memory_space<vmem_shared>>
      %dma_start3A_100 = arith.constant 0 : i32
      %dma_start3A_101 = tpu.memref_slice %arg9[%add3A_12, %dma_start3A_100] : memref<10112x128xf32, #tpu.memory_space<vmem_shared>> -> memref<120x128xf32, #tpu.memory_space<vmem_shared>>
      %dma_start3A_102 = arith.constant 0 : i32
      %dma_start3A_103 = arith.constant 0 : i32
      %dma_start3A_104 = tpu.memref_slice %arg8[%run_scoped3A, %dma_start3A_102, %dma_start3A_103] : memref<2x128x128xf32, #tpu.memory_space<vmem>> -> memref<1x128x128xf32, #tpu.memory_space<vmem>>
      %dma_start3A_105 = tpu.memref_squeeze %dma_start3A_104 : memref<1x128x128xf32, #tpu.memory_space<vmem>> -> memref<128x128xf32, #tpu.memory_space<vmem>>
      %dma_start3A_106 = arith.constant 0 : i32
      %dma_start3A_107 = arith.constant 0 : i32
      %dma_start3A_108 = tpu.memref_slice %dma_start3A_105[%dma_start3A_106, %dma_start3A_107] : memref<128x128xf32, #tpu.memory_space<vmem>> -> memref<120x128xf32, #tpu.memory_space<vmem>>
      tpu.enqueue_dma source(%dma_start3A_108 : memref<120x128xf32, #tpu.memory_space<vmem>>) target(%dma_start3A_101 : memref<120x128xf32, #tpu.memory_space<vmem_shared>>) target_semaphore(%run_scoped3A_90 : memref<!tpu.dma_semaphore, #tpu.memory_space<semaphore_mem>>)
      %dma_wait3A = arith.constant 0 : i32
      %dma_wait3A_109 = arith.constant 0 : i32
      %dma_wait3A_110 = tpu.memref_slice %arg8[%run_scoped3A, %dma_wait3A, %dma_wait3A_109] : memref<2x128x128xf32, #tpu.memory_space<vmem>> -> memref<1x128x128xf32, #tpu.memory_space<vmem>>
      %dma_wait3A_111 = tpu.memref_squeeze %dma_wait3A_110 : memref<1x128x128xf32, #tpu.memory_space<vmem>> -> memref<128x128xf32, #tpu.memory_space<vmem>>
      %dma_wait3A_112 = arith.constant 0 : i32
      %dma_wait3A_113 = arith.constant 0 : i32
      %dma_wait3A_114 = tpu.memref_slice %dma_wait3A_111[%dma_wait3A_112, %dma_wait3A_113] : memref<128x128xf32, #tpu.memory_space<vmem>> -> memref<120x128xf32, #tpu.memory_space<vmem>>
      %dma_wait3A_115 = arith.constant 0 : i32
      %dma_wait3A_116 = tpu.memref_slice %arg9[%add3A_12, %dma_wait3A_115] : memref<10112x128xf32, #tpu.memory_space<vmem_shared>> -> memref<120x128xf32, #tpu.memory_space<vmem_shared>>
      %dma_wait3A_117 = arith.constant 0 : i32
      %dma_wait3A_118 = tpu.memref_slice %arg9[%add3A_12, %dma_wait3A_117] : memref<10112x128xf32, #tpu.memory_space<vmem_shared>> -> memref<120x128xf32, #tpu.memory_space<vmem_shared>>
      %dma_wait3A_119 = arith.constant 0 : i32
      %dma_wait3A_120 = arith.constant 0 : i32
      %dma_wait3A_121 = tpu.memref_slice %arg8[%run_scoped3A, %dma_wait3A_119, %dma_wait3A_120] : memref<2x128x128xf32, #tpu.memory_space<vmem>> -> memref<1x128x128xf32, #tpu.memory_space<vmem>>
      %dma_wait3A_122 = tpu.memref_squeeze %dma_wait3A_121 : memref<1x128x128xf32, #tpu.memory_space<vmem>> -> memref<128x128xf32, #tpu.memory_space<vmem>>
      %dma_wait3A_123 = arith.constant 0 : i32
      %dma_wait3A_124 = arith.constant 0 : i32
      %dma_wait3A_125 = tpu.memref_slice %dma_wait3A_122[%dma_wait3A_123, %dma_wait3A_124] : memref<128x128xf32, #tpu.memory_space<vmem>> -> memref<120x128xf32, #tpu.memory_space<vmem>>
      tpu.wait_dma2 semaphore(%run_scoped3A_90 : memref<!tpu.dma_semaphore, #tpu.memory_space<semaphore_mem>>) src(%dma_wait3A_125 : memref<120x128xf32, #tpu.memory_space<vmem>>) dst(%dma_wait3A_118 : memref<120x128xf32, #tpu.memory_space<vmem_shared>>)
      tpu.yield
    }) : () -> ()
    %barrier3A = arith.constant 0 : index
    tpu.barrier barrier_id(%barrier3A)
    %dma_start3A = arith.constant 0 : i32
    %dma_start3A_13 = arith.constant 0 : i32
    %dma_start3A_14 = arith.constant 0 : i32
    %dma_start3A_15 = arith.constant 0 : i32
    %dma_start3A_16 = tpu.memref_slice %arg7[%dma_start3A_13, %dma_start3A_14, %dma_start3A_15] : memref<2x2x128xi32, #tpu.memory_space<vmem>> -> memref<1x2x128xi32, #tpu.memory_space<vmem>>
    %dma_start3A_17 = tpu.memref_squeeze %dma_start3A_16 : memref<1x2x128xi32, #tpu.memory_space<vmem>> -> memref<2x128xi32, #tpu.memory_space<vmem>>
    %dma_start3A_18 = arith.constant 0 : i32
    %dma_start3A_19 = arith.constant 0 : i32
    %dma_start3A_20 = arith.constant 0 : i32
    %dma_start3A_21 = tpu.memref_slice %arg4[%arg1, %dma_start3A_18, %dma_start3A_19, %dma_start3A_20] : memref<16x40x2x128xi32, #tpu.memory_space<hbm>> -> memref<1x40x2x128xi32, #tpu.memory_space<hbm>>
    %dma_start3A_22 = tpu.memref_squeeze %dma_start3A_21 : memref<1x40x2x128xi32, #tpu.memory_space<hbm>> -> memref<40x2x128xi32, #tpu.memory_space<hbm>>
    %dma_start3A_23 = arith.constant 0 : i32
    %dma_start3A_24 = arith.constant 0 : i32
    %dma_start3A_25 = tpu.memref_slice %dma_start3A_22[%dma_start3A, %dma_start3A_23, %dma_start3A_24] : memref<40x2x128xi32, #tpu.memory_space<hbm>> -> memref<1x2x128xi32, #tpu.memory_space<hbm>>
    %dma_start3A_26 = tpu.memref_squeeze %dma_start3A_25 : memref<1x2x128xi32, #tpu.memory_space<hbm>> -> memref<2x128xi32, #tpu.memory_space<hbm>>
    %dma_start3A_27 = arith.constant 0 : i32
    %dma_start3A_28 = arith.constant 0 : i32
    %dma_start3A_29 = tpu.memref_slice %arg7[%dma_start3A_13, %dma_start3A_27, %dma_start3A_28] : memref<2x2x128xi32, #tpu.memory_space<vmem>> -> memref<1x2x128xi32, #tpu.memory_space<vmem>>
    %dma_start3A_30 = tpu.memref_squeeze %dma_start3A_29 : memref<1x2x128xi32, #tpu.memory_space<vmem>> -> memref<2x128xi32, #tpu.memory_space<vmem>>
    %dma_start3A_31 = arith.constant 0 : i32
    %dma_start3A_32 = arith.constant 0 : i32
    %dma_start3A_33 = arith.constant 0 : i32
    %dma_start3A_34 = tpu.memref_slice %arg4[%arg1, %dma_start3A_31, %dma_start3A_32, %dma_start3A_33] : memref<16x40x2x128xi32, #tpu.memory_space<hbm>> -> memref<1x40x2x128xi32, #tpu.memory_space<hbm>>
    %dma_start3A_35 = tpu.memref_squeeze %dma_start3A_34 : memref<1x40x2x128xi32, #tpu.memory_space<hbm>> -> memref<40x2x128xi32, #tpu.memory_space<hbm>>
    %dma_start3A_36 = arith.constant 0 : i32
    %dma_start3A_37 = arith.constant 0 : i32
    %dma_start3A_38 = tpu.memref_slice %dma_start3A_35[%dma_start3A, %dma_start3A_36, %dma_start3A_37] : memref<40x2x128xi32, #tpu.memory_space<hbm>> -> memref<1x2x128xi32, #tpu.memory_space<hbm>>
    %dma_start3A_39 = tpu.memref_squeeze %dma_start3A_38 : memref<1x2x128xi32, #tpu.memory_space<hbm>> -> memref<2x128xi32, #tpu.memory_space<hbm>>
    tpu.enqueue_dma source(%dma_start3A_39 : memref<2x128xi32, #tpu.memory_space<hbm>>) target(%dma_start3A_30 : memref<2x128xi32, #tpu.memory_space<vmem>>) target_semaphore(%arg12 : memref<!tpu.dma_semaphore, #tpu.memory_space<semaphore_mem>>)
    %dma_start3A_40 = arith.constant 1 : i32
    %dma_start3A_41 = arith.constant 1 : i32
    %dma_start3A_42 = arith.constant 0 : i32
    %dma_start3A_43 = arith.constant 0 : i32
    %dma_start3A_44 = tpu.memref_slice %arg7[%dma_start3A_41, %dma_start3A_42, %dma_start3A_43] : memref<2x2x128xi32, #tpu.memory_space<vmem>> -> memref<1x2x128xi32, #tpu.memory_space<vmem>>
    %dma_start3A_45 = tpu.memref_squeeze %dma_start3A_44 : memref<1x2x128xi32, #tpu.memory_space<vmem>> -> memref<2x128xi32, #tpu.memory_space<vmem>>
    %dma_start3A_46 = arith.constant 0 : i32
    %dma_start3A_47 = arith.constant 0 : i32
    %dma_start3A_48 = arith.constant 0 : i32
    %dma_start3A_49 = tpu.memref_slice %arg4[%arg1, %dma_start3A_46, %dma_start3A_47, %dma_start3A_48] : memref<16x40x2x128xi32, #tpu.memory_space<hbm>> -> memref<1x40x2x128xi32, #tpu.memory_space<hbm>>
    %dma_start3A_50 = tpu.memref_squeeze %dma_start3A_49 : memref<1x40x2x128xi32, #tpu.memory_space<hbm>> -> memref<40x2x128xi32, #tpu.memory_space<hbm>>
    %dma_start3A_51 = arith.constant 0 : i32
    %dma_start3A_52 = arith.constant 0 : i32
    %dma_start3A_53 = tpu.memref_slice %dma_start3A_50[%dma_start3A_40, %dma_start3A_51, %dma_start3A_52] : memref<40x2x128xi32, #tpu.memory_space<hbm>> -> memref<1x2x128xi32, #tpu.memory_space<hbm>>
    %dma_start3A_54 = tpu.memref_squeeze %dma_start3A_53 : memref<1x2x128xi32, #tpu.memory_space<hbm>> -> memref<2x128xi32, #tpu.memory_space<hbm>>
    %dma_start3A_55 = arith.constant 0 : i32
    %dma_start3A_56 = arith.constant 0 : i32
    %dma_start3A_57 = tpu.memref_slice %arg7[%dma_start3A_41, %dma_start3A_55, %dma_start3A_56] : memref<2x2x128xi32, #tpu.memory_space<vmem>> -> memref<1x2x128xi32, #tpu.memory_space<vmem>>
    %dma_start3A_58 = tpu.memref_squeeze %dma_start3A_57 : memref<1x2x128xi32, #tpu.memory_space<vmem>> -> memref<2x128xi32, #tpu.memory_space<vmem>>
    %dma_start3A_59 = arith.constant 0 : i32
    %dma_start3A_60 = arith.constant 0 : i32
    %dma_start3A_61 = arith.constant 0 : i32
    %dma_start3A_62 = tpu.memref_slice %arg4[%arg1, %dma_start3A_59, %dma_start3A_60, %dma_start3A_61] : memref<16x40x2x128xi32, #tpu.memory_space<hbm>> -> memref<1x40x2x128xi32, #tpu.memory_space<hbm>>
    %dma_start3A_63 = tpu.memref_squeeze %dma_start3A_62 : memref<1x40x2x128xi32, #tpu.memory_space<hbm>> -> memref<40x2x128xi32, #tpu.memory_space<hbm>>
    %dma_start3A_64 = arith.constant 0 : i32
    %dma_start3A_65 = arith.constant 0 : i32
    %dma_start3A_66 = tpu.memref_slice %dma_start3A_63[%dma_start3A_40, %dma_start3A_64, %dma_start3A_65] : memref<40x2x128xi32, #tpu.memory_space<hbm>> -> memref<1x2x128xi32, #tpu.memory_space<hbm>>
    %dma_start3A_67 = tpu.memref_squeeze %dma_start3A_66 : memref<1x2x128xi32, #tpu.memory_space<hbm>> -> memref<2x128xi32, #tpu.memory_space<hbm>>
    tpu.enqueue_dma source(%dma_start3A_67 : memref<2x128xi32, #tpu.memory_space<hbm>>) target(%dma_start3A_58 : memref<2x128xi32, #tpu.memory_space<vmem>>) target_semaphore(%arg13 : memref<!tpu.dma_semaphore, #tpu.memory_space<semaphore_mem>>)
    %dma_start3A_68 = arith.constant 0 : i32
    %dma_start3A_69 = arith.constant 0 : i32
    %dma_start3A_70 = arith.constant 0 : i32
    %dma_start3A_71 = arith.constant 0 : i32
    %dma_start3A_72 = tpu.memref_slice %arg8[%dma_start3A_69, %dma_start3A_70, %dma_start3A_71] : memref<2x128x128xf32, #tpu.memory_space<vmem>> -> memref<1x128x128xf32, #tpu.memory_space<vmem>>
    %dma_start3A_73 = tpu.memref_squeeze %dma_start3A_72 : memref<1x128x128xf32, #tpu.memory_space<vmem>> -> memref<128x128xf32, #tpu.memory_space<vmem>>
    %dma_start3A_74 = arith.constant 0 : i32
    %dma_start3A_75 = tpu.memref_slice %arg6[%dma_start3A_68, %dma_start3A_74] : memref<80x128xi32, #tpu.memory_space<vmem>> -> memref<1x128xi32, #tpu.memory_space<vmem>>
    %dma_start3A_76 = tpu.memref_squeeze %dma_start3A_75 : memref<1x128xi32, #tpu.memory_space<vmem>> -> memref<128xi32, #tpu.memory_space<vmem>>
    %dma_start3A_77 = arith.constant 0 : i32
    %dma_start3A_78 = arith.constant 0 : i32
    %dma_start3A_79 = tpu.memref_slice %arg2[%dma_start3A_77, %dma_start3A_78] : memref<20000x128xf32, #tpu.memory_space<hbm>> -> memref<20000x128xf32, #tpu.memory_space<hbm>>
    tpu.enqueue_indirect_dma source(%dma_start3A_79 : memref<20000x128xf32, #tpu.memory_space<hbm>>) target(%dma_start3A_73 : memref<128x128xf32, #tpu.memory_space<vmem>>) offsets(%dma_start3A_76 : memref<128xi32, #tpu.memory_space<vmem>>) semaphore(%arg10 : memref<!tpu.dma_semaphore, #tpu.memory_space<semaphore_mem>>)
    %scan3A_80 = arith.constant 0 : i32
    %scan3A_81 = arith.constant 20 : i32
    %scan3A_82 = arith.addi %scan3A_80, %scan3A_81 : i32
    %scan3A_83 = arith.constant 1 : i32
    scf.for %scan3A_90 = %scan3A_80 to %scan3A_82 step %scan3A_83  : i32 {
      %mul3A_91 = arith.constant 4 : i32
      %mul3A_92 = arith.muli %scan3A_90, %mul3A_91 : i32
      %add3A_93 = arith.constant 0 : i32
      %add3A_94 = arith.addi %add3A_93, %mul3A_92 : i32
      %add3A_95 = arith.constant 1 : i32
      %add3A_96 = arith.addi %add3A_94, %add3A_95 : i32
      %dma_start3A_97 = arith.constant 1 : i32
      %dma_start3A_98 = arith.constant 0 : i32
      %dma_start3A_99 = arith.constant 0 : i32
      %dma_start3A_100 = tpu.memref_slice %arg8[%dma_start3A_97, %dma_start3A_98, %dma_start3A_99] : memref<2x128x128xf32, #tpu.memory_space<vmem>> -> memref<1x128x128xf32, #tpu.memory_space<vmem>>
      %dma_start3A_101 = tpu.memref_squeeze %dma_start3A_100 : memref<1x128x128xf32, #tpu.memory_space<vmem>> -> memref<128x128xf32, #tpu.memory_space<vmem>>
      %dma_start3A_102 = arith.constant 0 : i32
      %dma_start3A_103 = tpu.memref_slice %arg6[%add3A_96, %dma_start3A_102] : memref<80x128xi32, #tpu.memory_space<vmem>> -> memref<1x128xi32, #tpu.memory_space<vmem>>
      %dma_start3A_104 = tpu.memref_squeeze %dma_start3A_103 : memref<1x128xi32, #tpu.memory_space<vmem>> -> memref<128xi32, #tpu.memory_space<vmem>>
      %dma_start3A_105 = arith.constant 0 : i32
      %dma_start3A_106 = arith.constant 0 : i32
      %dma_start3A_107 = tpu.memref_slice %arg2[%dma_start3A_105, %dma_start3A_106] : memref<20000x128xf32, #tpu.memory_space<hbm>> -> memref<20000x128xf32, #tpu.memory_space<hbm>>
      tpu.enqueue_indirect_dma source(%dma_start3A_107 : memref<20000x128xf32, #tpu.memory_space<hbm>>) target(%dma_start3A_101 : memref<128x128xf32, #tpu.memory_space<vmem>>) offsets(%dma_start3A_104 : memref<128xi32, #tpu.memory_space<vmem>>) semaphore(%arg11 : memref<!tpu.dma_semaphore, #tpu.memory_space<semaphore_mem>>)
      %dma_wait3A = arith.constant 0 : i32
      %dma_wait3A_108 = arith.constant 0 : i32
      %dma_wait3A_109 = arith.constant 0 : i32
      %dma_wait3A_110 = arith.constant 0 : i32
      %dma_wait3A_111 = tpu.memref_slice %arg7[%dma_wait3A_108, %dma_wait3A_109, %dma_wait3A_110] : memref<2x2x128xi32, #tpu.memory_space<vmem>> -> memref<1x2x128xi32, #tpu.memory_space<vmem>>
      %dma_wait3A_112 = tpu.memref_squeeze %dma_wait3A_111 : memref<1x2x128xi32, #tpu.memory_space<vmem>> -> memref<2x128xi32, #tpu.memory_space<vmem>>
      %dma_wait3A_113 = arith.constant 0 : i32
      %dma_wait3A_114 = arith.constant 0 : i32
      %dma_wait3A_115 = arith.constant 0 : i32
      %dma_wait3A_116 = tpu.memref_slice %arg4[%arg1, %dma_wait3A_113, %dma_wait3A_114, %dma_wait3A_115] : memref<16x40x2x128xi32, #tpu.memory_space<hbm>> -> memref<1x40x2x128xi32, #tpu.memory_space<hbm>>
      %dma_wait3A_117 = tpu.memref_squeeze %dma_wait3A_116 : memref<1x40x2x128xi32, #tpu.memory_space<hbm>> -> memref<40x2x128xi32, #tpu.memory_space<hbm>>
      %dma_wait3A_118 = arith.constant 0 : i32
      %dma_wait3A_119 = arith.constant 0 : i32
      %dma_wait3A_120 = tpu.memref_slice %dma_wait3A_117[%dma_wait3A, %dma_wait3A_118, %dma_wait3A_119] : memref<40x2x128xi32, #tpu.memory_space<hbm>> -> memref<1x2x128xi32, #tpu.memory_space<hbm>>
      %dma_wait3A_121 = tpu.memref_squeeze %dma_wait3A_120 : memref<1x2x128xi32, #tpu.memory_space<hbm>> -> memref<2x128xi32, #tpu.memory_space<hbm>>
      %dma_wait3A_122 = arith.constant 0 : i32
      %dma_wait3A_123 = arith.constant 0 : i32
      %dma_wait3A_124 = tpu.memref_slice %arg7[%dma_wait3A_108, %dma_wait3A_122, %dma_wait3A_123] : memref<2x2x128xi32, #tpu.memory_space<vmem>> -> memref<1x2x128xi32, #tpu.memory_space<vmem>>
      %dma_wait3A_125 = tpu.memref_squeeze %dma_wait3A_124 : memref<1x2x128xi32, #tpu.memory_space<vmem>> -> memref<2x128xi32, #tpu.memory_space<vmem>>
      %dma_wait3A_126 = arith.constant 0 : i32
      %dma_wait3A_127 = arith.constant 0 : i32
      %dma_wait3A_128 = arith.constant 0 : i32
      %dma_wait3A_129 = tpu.memref_slice %arg4[%arg1, %dma_wait3A_126, %dma_wait3A_127, %dma_wait3A_128] : memref<16x40x2x128xi32, #tpu.memory_space<hbm>> -> memref<1x40x2x128xi32, #tpu.memory_space<hbm>>
      %dma_wait3A_130 = tpu.memref_squeeze %dma_wait3A_129 : memref<1x40x2x128xi32, #tpu.memory_space<hbm>> -> memref<40x2x128xi32, #tpu.memory_space<hbm>>
      %dma_wait3A_131 = arith.constant 0 : i32
      %dma_wait3A_132 = arith.constant 0 : i32
      %dma_wait3A_133 = tpu.memref_slice %dma_wait3A_130[%dma_wait3A, %dma_wait3A_131, %dma_wait3A_132] : memref<40x2x128xi32, #tpu.memory_space<hbm>> -> memref<1x2x128xi32, #tpu.memory_space<hbm>>
      %dma_wait3A_134 = tpu.memref_squeeze %dma_wait3A_133 : memref<1x2x128xi32, #tpu.memory_space<hbm>> -> memref<2x128xi32, #tpu.memory_space<hbm>>
      tpu.wait_dma2 semaphore(%arg12 : memref<!tpu.dma_semaphore, #tpu.memory_space<semaphore_mem>>) src(%dma_wait3A_134 : memref<2x128xi32, #tpu.memory_space<hbm>>) dst(%dma_wait3A_125 : memref<2x128xi32, #tpu.memory_space<vmem>>)
      %dma_wait3A_135 = arith.constant 0 : i32
      %dma_wait3A_136 = arith.constant 0 : i32
      %dma_wait3A_137 = arith.constant 0 : i32
      %dma_wait3A_138 = tpu.memref_slice %arg8[%dma_wait3A_135, %dma_wait3A_136, %dma_wait3A_137] : memref<2x128x128xf32, #tpu.memory_space<vmem>> -> memref<1x128x128xf32, #tpu.memory_space<vmem>>
      %dma_wait3A_139 = tpu.memref_squeeze %dma_wait3A_138 : memref<1x128x128xf32, #tpu.memory_space<vmem>> -> memref<128x128xf32, #tpu.memory_space<vmem>>
      %dma_wait3A_140 = arith.constant 0 : i32
      %dma_wait3A_141 = arith.constant 0 : i32
      %dma_wait3A_142 = tpu.memref_slice %arg2[%dma_wait3A_140, %dma_wait3A_141] : memref<20000x128xf32, #tpu.memory_space<hbm>> -> memref<128x128xf32, #tpu.memory_space<hbm>>
      %dma_wait3A_143 = arith.constant 0 : i32
      %dma_wait3A_144 = arith.constant 0 : i32
      %dma_wait3A_145 = tpu.memref_slice %arg8[%dma_wait3A_135, %dma_wait3A_143, %dma_wait3A_144] : memref<2x128x128xf32, #tpu.memory_space<vmem>> -> memref<1x128x128xf32, #tpu.memory_space<vmem>>
      %dma_wait3A_146 = tpu.memref_squeeze %dma_wait3A_145 : memref<1x128x128xf32, #tpu.memory_space<vmem>> -> memref<128x128xf32, #tpu.memory_space<vmem>>
      %dma_wait3A_147 = arith.constant 0 : i32
      %dma_wait3A_148 = arith.constant 0 : i32
      %dma_wait3A_149 = tpu.memref_slice %arg2[%dma_wait3A_147, %dma_wait3A_148] : memref<20000x128xf32, #tpu.memory_space<hbm>> -> memref<128x128xf32, #tpu.memory_space<hbm>>
      tpu.wait_dma2 semaphore(%arg10 : memref<!tpu.dma_semaphore, #tpu.memory_space<semaphore_mem>>) src(%dma_wait3A_149 : memref<128x128xf32, #tpu.memory_space<hbm>>) dst(%dma_wait3A_146 : memref<128x128xf32, #tpu.memory_space<vmem>>)
      %run_scoped3A_150 = arith.constant 0 : i32
      %run_scoped3A_151 = arith.constant 0 : i32
      %run_scoped3A_152 = arith.constant 0 : i32
      "tpu.region"() ({
        %run_scoped3A_266 = tpu.sem_alloc : memref<!tpu.dma_semaphore, #tpu.memory_space<semaphore_mem>>
        %dma_start3A_267 = arith.constant 0 : i32
        %dma_start3A_268 = arith.constant 0 : i32
        %dma_start3A_269 = tpu.memref_slice %arg8[%run_scoped3A_150, %dma_start3A_267, %dma_start3A_268] : memref<2x128x128xf32, #tpu.memory_space<vmem>> -> memref<1x128x128xf32, #tpu.memory_space<vmem>>
        %dma_start3A_270 = tpu.memref_squeeze %dma_start3A_269 : memref<1x128x128xf32, #tpu.memory_space<vmem>> -> memref<128x128xf32, #tpu.memory_space<vmem>>
        %dma_start3A_271 = arith.constant 0 : i32
        %dma_start3A_272 = arith.constant 0 : i32
        %dma_start3A_273 = tpu.memref_slice %arg7[%run_scoped3A_151, %dma_start3A_271, %dma_start3A_272] : memref<2x2x128xi32, #tpu.memory_space<vmem>> -> memref<1x2x128xi32, #tpu.memory_space<vmem>>
        %dma_start3A_274 = tpu.memref_squeeze %dma_start3A_273 : memref<1x2x128xi32, #tpu.memory_space<vmem>> -> memref<2x128xi32, #tpu.memory_space<vmem>>
        %dma_start3A_275 = arith.constant 0 : i32
        %dma_start3A_276 = tpu.memref_slice %dma_start3A_274[%run_scoped3A_152, %dma_start3A_275] : memref<2x128xi32, #tpu.memory_space<vmem>> -> memref<1x128xi32, #tpu.memory_space<vmem>>
        %dma_start3A_277 = tpu.memref_squeeze %dma_start3A_276 : memref<1x128xi32, #tpu.memory_space<vmem>> -> memref<128xi32, #tpu.memory_space<vmem>>
        %dma_start3A_278 = arith.constant 0 : i32
        %dma_start3A_279 = arith.constant 0 : i32
        %dma_start3A_280 = tpu.memref_slice %arg9[%dma_start3A_278, %dma_start3A_279] : memref<10112x128xf32, #tpu.memory_space<vmem_shared>> -> memref<10112x128xf32, #tpu.memory_space<vmem_shared>>
        tpu.enqueue_indirect_dma source(%dma_start3A_270 : memref<128x128xf32, #tpu.memory_space<vmem>>) target(%dma_start3A_280 : memref<10112x128xf32, #tpu.memory_space<vmem_shared>>) offsets(%dma_start3A_277 : memref<128xi32, #tpu.memory_space<vmem>>) semaphore(%run_scoped3A_266 : memref<!tpu.dma_semaphore, #tpu.memory_space<semaphore_mem>>) {add = true}
        %dma_wait3A_281 = arith.constant 0 : i32
        %dma_wait3A_282 = arith.constant 0 : i32
        %dma_wait3A_283 = tpu.memref_slice %arg8[%run_scoped3A_150, %dma_wait3A_281, %dma_wait3A_282] : memref<2x128x128xf32, #tpu.memory_space<vmem>> -> memref<1x128x128xf32, #tpu.memory_space<vmem>>
        %dma_wait3A_284 = tpu.memref_squeeze %dma_wait3A_283 : memref<1x128x128xf32, #tpu.memory_space<vmem>> -> memref<128x128xf32, #tpu.memory_space<vmem>>
        %dma_wait3A_285 = arith.constant 0 : i32
        %dma_wait3A_286 = arith.constant 0 : i32
        %dma_wait3A_287 = tpu.memref_slice %arg7[%run_scoped3A_151, %dma_wait3A_285, %dma_wait3A_286] : memref<2x2x128xi32, #tpu.memory_space<vmem>> -> memref<1x2x128xi32, #tpu.memory_space<vmem>>
        %dma_wait3A_288 = tpu.memref_squeeze %dma_wait3A_287 : memref<1x2x128xi32, #tpu.memory_space<vmem>> -> memref<2x128xi32, #tpu.memory_space<vmem>>
        %dma_wait3A_289 = arith.constant 0 : i32
        %dma_wait3A_290 = tpu.memref_slice %dma_wait3A_288[%run_scoped3A_152, %dma_wait3A_289] : memref<2x128xi32, #tpu.memory_space<vmem>> -> memref<1x128xi32, #tpu.memory_space<vmem>>
        %dma_wait3A_291 = tpu.memref_squeeze %dma_wait3A_290 : memref<1x128xi32, #tpu.memory_space<vmem>> -> memref<128xi32, #tpu.memory_space<vmem>>
        %dma_wait3A_292 = arith.constant 0 : i32
        %dma_wait3A_293 = arith.constant 0 : i32
        %dma_wait3A_294 = tpu.memref_slice %arg9[%dma_wait3A_292, %dma_wait3A_293] : memref<10112x128xf32, #tpu.memory_space<vmem_shared>> -> memref<10112x128xf32, #tpu.memory_space<vmem_shared>>
        tpu.wait_indirect_dma semaphore(%run_scoped3A_266 : memref<!tpu.dma_semaphore, #tpu.memory_space<semaphore_mem>>) src(%dma_wait3A_284 : memref<128x128xf32, #tpu.memory_space<vmem>>) dst(%dma_wait3A_294 : memref<10112x128xf32, #tpu.memory_space<vmem_shared>>)
        tpu.yield
      }) : () -> ()
      %add3A_153 = arith.constant 2 : i32
      %add3A_154 = arith.addi %add3A_94, %add3A_153 : i32
      %lt3A = arith.constant 80 : i32
      %lt3A_155 = arith.cmpi slt, %add3A_154, %lt3A : i32
      %convert_element_type3A = arith.extui %lt3A_155 : i1 to i32
      %cond3A = arith.constant 0 : i32
      %cond3A_156 = arith.cmpi ne, %convert_element_type3A, %cond3A : i32
      scf.if %cond3A_156 {
        %add3A_266 = arith.constant 2 : i32
        %add3A_267 = arith.addi %add3A_94, %add3A_266 : i32
        %dma_start3A_268 = arith.constant 0 : i32
        %dma_start3A_269 = arith.constant 0 : i32
        %dma_start3A_270 = arith.constant 0 : i32
        %dma_start3A_271 = tpu.memref_slice %arg8[%dma_start3A_268, %dma_start3A_269, %dma_start3A_270] : memref<2x128x128xf32, #tpu.memory_space<vmem>> -> memref<1x128x128xf32, #tpu.memory_space<vmem>>
        %dma_start3A_272 = tpu.memref_squeeze %dma_start3A_271 : memref<1x128x128xf32, #tpu.memory_space<vmem>> -> memref<128x128xf32, #tpu.memory_space<vmem>>
        %dma_start3A_273 = arith.constant 0 : i32
        %dma_start3A_274 = tpu.memref_slice %arg6[%add3A_267, %dma_start3A_273] : memref<80x128xi32, #tpu.memory_space<vmem>> -> memref<1x128xi32, #tpu.memory_space<vmem>>
        %dma_start3A_275 = tpu.memref_squeeze %dma_start3A_274 : memref<1x128xi32, #tpu.memory_space<vmem>> -> memref<128xi32, #tpu.memory_space<vmem>>
        %dma_start3A_276 = arith.constant 0 : i32
        %dma_start3A_277 = arith.constant 0 : i32
        %dma_start3A_278 = tpu.memref_slice %arg2[%dma_start3A_276, %dma_start3A_277] : memref<20000x128xf32, #tpu.memory_space<hbm>> -> memref<20000x128xf32, #tpu.memory_space<hbm>>
        tpu.enqueue_indirect_dma source(%dma_start3A_278 : memref<20000x128xf32, #tpu.memory_space<hbm>>) target(%dma_start3A_272 : memref<128x128xf32, #tpu.memory_space<vmem>>) offsets(%dma_start3A_275 : memref<128xi32, #tpu.memory_space<vmem>>) semaphore(%arg10 : memref<!tpu.dma_semaphore, #tpu.memory_space<semaphore_mem>>)
      } else {
      }
      %dma_wait3A_157 = arith.constant 1 : i32
      %dma_wait3A_158 = arith.constant 0 : i32
      %dma_wait3A_159 = arith.constant 0 : i32
      %dma_wait3A_160 = tpu.memref_slice %arg8[%dma_wait3A_157, %dma_wait3A_158, %dma_wait3A_159] : memref<2x128x128xf32, #tpu.memory_space<vmem>> -> memref<1x128x128xf32, #tpu.memory_space<vmem>>
      %dma_wait3A_161 = tpu.memref_squeeze %dma_wait3A_160 : memref<1x128x128xf32, #tpu.memory_space<vmem>> -> memref<128x128xf32, #tpu.memory_space<vmem>>
      %dma_wait3A_162 = arith.constant 0 : i32
      %dma_wait3A_163 = arith.constant 0 : i32
      %dma_wait3A_164 = tpu.memref_slice %arg2[%dma_wait3A_162, %dma_wait3A_163] : memref<20000x128xf32, #tpu.memory_space<hbm>> -> memref<128x128xf32, #tpu.memory_space<hbm>>
      %dma_wait3A_165 = arith.constant 0 : i32
      %dma_wait3A_166 = arith.constant 0 : i32
      %dma_wait3A_167 = tpu.memref_slice %arg8[%dma_wait3A_157, %dma_wait3A_165, %dma_wait3A_166] : memref<2x128x128xf32, #tpu.memory_space<vmem>> -> memref<1x128x128xf32, #tpu.memory_space<vmem>>
      %dma_wait3A_168 = tpu.memref_squeeze %dma_wait3A_167 : memref<1x128x128xf32, #tpu.memory_space<vmem>> -> memref<128x128xf32, #tpu.memory_space<vmem>>
      %dma_wait3A_169 = arith.constant 0 : i32
      %dma_wait3A_170 = arith.constant 0 : i32
      %dma_wait3A_171 = tpu.memref_slice %arg2[%dma_wait3A_169, %dma_wait3A_170] : memref<20000x128xf32, #tpu.memory_space<hbm>> -> memref<128x128xf32, #tpu.memory_space<hbm>>
      tpu.wait_dma2 semaphore(%arg11 : memref<!tpu.dma_semaphore, #tpu.memory_space<semaphore_mem>>) src(%dma_wait3A_171 : memref<128x128xf32, #tpu.memory_space<hbm>>) dst(%dma_wait3A_168 : memref<128x128xf32, #tpu.memory_space<vmem>>)
      %run_scoped3A_172 = arith.constant 1 : i32
      %run_scoped3A_173 = arith.constant 0 : i32
      %run_scoped3A_174 = arith.constant 1 : i32
      "tpu.region"() ({
        %run_scoped3A_266 = tpu.sem_alloc : memref<!tpu.dma_semaphore, #tpu.memory_space<semaphore_mem>>
        %dma_start3A_267 = arith.constant 0 : i32
        %dma_start3A_268 = arith.constant 0 : i32
        %dma_start3A_269 = tpu.memref_slice %arg8[%run_scoped3A_172, %dma_start3A_267, %dma_start3A_268] : memref<2x128x128xf32, #tpu.memory_space<vmem>> -> memref<1x128x128xf32, #tpu.memory_space<vmem>>
        %dma_start3A_270 = tpu.memref_squeeze %dma_start3A_269 : memref<1x128x128xf32, #tpu.memory_space<vmem>> -> memref<128x128xf32, #tpu.memory_space<vmem>>
        %dma_start3A_271 = arith.constant 0 : i32
        %dma_start3A_272 = arith.constant 0 : i32
        %dma_start3A_273 = tpu.memref_slice %arg7[%run_scoped3A_173, %dma_start3A_271, %dma_start3A_272] : memref<2x2x128xi32, #tpu.memory_space<vmem>> -> memref<1x2x128xi32, #tpu.memory_space<vmem>>
        %dma_start3A_274 = tpu.memref_squeeze %dma_start3A_273 : memref<1x2x128xi32, #tpu.memory_space<vmem>> -> memref<2x128xi32, #tpu.memory_space<vmem>>
        %dma_start3A_275 = arith.constant 0 : i32
        %dma_start3A_276 = tpu.memref_slice %dma_start3A_274[%run_scoped3A_174, %dma_start3A_275] : memref<2x128xi32, #tpu.memory_space<vmem>> -> memref<1x128xi32, #tpu.memory_space<vmem>>
        %dma_start3A_277 = tpu.memref_squeeze %dma_start3A_276 : memref<1x128xi32, #tpu.memory_space<vmem>> -> memref<128xi32, #tpu.memory_space<vmem>>
        %dma_start3A_278 = arith.constant 0 : i32
        %dma_start3A_279 = arith.constant 0 : i32
        %dma_start3A_280 = tpu.memref_slice %arg9[%dma_start3A_278, %dma_start3A_279] : memref<10112x128xf32, #tpu.memory_space<vmem_shared>> -> memref<10112x128xf32, #tpu.memory_space<vmem_shared>>
        tpu.enqueue_indirect_dma source(%dma_start3A_270 : memref<128x128xf32, #tpu.memory_space<vmem>>) target(%dma_start3A_280 : memref<10112x128xf32, #tpu.memory_space<vmem_shared>>) offsets(%dma_start3A_277 : memref<128xi32, #tpu.memory_space<vmem>>) semaphore(%run_scoped3A_266 : memref<!tpu.dma_semaphore, #tpu.memory_space<semaphore_mem>>) {add = true}
        %dma_wait3A_281 = arith.constant 0 : i32
        %dma_wait3A_282 = arith.constant 0 : i32
        %dma_wait3A_283 = tpu.memref_slice %arg8[%run_scoped3A_172, %dma_wait3A_281, %dma_wait3A_282] : memref<2x128x128xf32, #tpu.memory_space<vmem>> -> memref<1x128x128xf32, #tpu.memory_space<vmem>>
        %dma_wait3A_284 = tpu.memref_squeeze %dma_wait3A_283 : memref<1x128x128xf32, #tpu.memory_space<vmem>> -> memref<128x128xf32, #tpu.memory_space<vmem>>
        %dma_wait3A_285 = arith.constant 0 : i32
        %dma_wait3A_286 = arith.constant 0 : i32
        %dma_wait3A_287 = tpu.memref_slice %arg7[%run_scoped3A_173, %dma_wait3A_285, %dma_wait3A_286] : memref<2x2x128xi32, #tpu.memory_space<vmem>> -> memref<1x2x128xi32, #tpu.memory_space<vmem>>
        %dma_wait3A_288 = tpu.memref_squeeze %dma_wait3A_287 : memref<1x2x128xi32, #tpu.memory_space<vmem>> -> memref<2x128xi32, #tpu.memory_space<vmem>>
        %dma_wait3A_289 = arith.constant 0 : i32
        %dma_wait3A_290 = tpu.memref_slice %dma_wait3A_288[%run_scoped3A_174, %dma_wait3A_289] : memref<2x128xi32, #tpu.memory_space<vmem>> -> memref<1x128xi32, #tpu.memory_space<vmem>>
        %dma_wait3A_291 = tpu.memref_squeeze %dma_wait3A_290 : memref<1x128xi32, #tpu.memory_space<vmem>> -> memref<128xi32, #tpu.memory_space<vmem>>
        %dma_wait3A_292 = arith.constant 0 : i32
        %dma_wait3A_293 = arith.constant 0 : i32
        %dma_wait3A_294 = tpu.memref_slice %arg9[%dma_wait3A_292, %dma_wait3A_293] : memref<10112x128xf32, #tpu.memory_space<vmem_shared>> -> memref<10112x128xf32, #tpu.memory_space<vmem_shared>>
        tpu.wait_indirect_dma semaphore(%run_scoped3A_266 : memref<!tpu.dma_semaphore, #tpu.memory_space<semaphore_mem>>) src(%dma_wait3A_284 : memref<128x128xf32, #tpu.memory_space<vmem>>) dst(%dma_wait3A_294 : memref<10112x128xf32, #tpu.memory_space<vmem_shared>>)
        tpu.yield
      }) : () -> ()
      %add3A_175 = arith.constant 4 : i32
      %add3A_176 = arith.addi %add3A_94, %add3A_175 : i32
      %lt3A_177 = arith.constant 80 : i32
      %lt3A_178 = arith.cmpi slt, %add3A_176, %lt3A_177 : i32
      %convert_element_type3A_179 = arith.extui %lt3A_178 : i1 to i32
      %cond3A_180 = arith.constant 0 : i32
      %cond3A_181 = arith.cmpi ne, %convert_element_type3A_179, %cond3A_180 : i32
      scf.if %cond3A_181 {
        %jit3A = arith.constant 2 : i32
        %div3A = arith.divsi %add3A_94, %jit3A : i32
        %sign3A = arith.constant 0 : i32
        %sign3A_266 = arith.cmpi sgt, %add3A_94, %sign3A : i32
        %sign3A_267 = arith.extui %sign3A_266 : i1 to i32
        %sign3A_268 = arith.constant 0 : i32
        %sign3A_269 = arith.cmpi slt, %add3A_94, %sign3A_268 : i32
        %sign3A_270 = arith.extui %sign3A_269 : i1 to i32
        %sign3A_271 = arith.subi %sign3A_267, %sign3A_270 : i32
        %sign3A_272 = arith.constant 0 : i32
        %sign3A_273 = arith.cmpi sgt, %jit3A, %sign3A_272 : i32
        %sign3A_274 = arith.extui %sign3A_273 : i1 to i32
        %sign3A_275 = arith.constant 0 : i32
        %sign3A_276 = arith.cmpi slt, %jit3A, %sign3A_275 : i32
        %sign3A_277 = arith.extui %sign3A_276 : i1 to i32
        %sign3A_278 = arith.subi %sign3A_274, %sign3A_277 : i32
        %ne3A = arith.cmpi ne, %sign3A_271, %sign3A_278 : i32
        %rem3A = arith.remsi %add3A_94, %jit3A : i32
        %ne3A_279 = arith.constant 0 : i32
        %ne3A_280 = arith.cmpi ne, %rem3A, %ne3A_279 : i32
        %and3A = arith.andi %ne3A, %ne3A_280 : i1
        %sub3A = arith.constant 1 : i32
        %sub3A_281 = arith.subi %div3A, %sub3A : i32
        %select_n3A = arith.select %and3A, %sub3A_281, %div3A : i32
        %add3A_282 = arith.constant 2 : i32
        %add3A_283 = arith.addi %select_n3A, %add3A_282 : i32
        %dma_start3A_284 = arith.constant 0 : i32
        %dma_start3A_285 = arith.constant 0 : i32
        %dma_start3A_286 = arith.constant 0 : i32
        %dma_start3A_287 = tpu.memref_slice %arg7[%dma_start3A_284, %dma_start3A_285, %dma_start3A_286] : memref<2x2x128xi32, #tpu.memory_space<vmem>> -> memref<1x2x128xi32, #tpu.memory_space<vmem>>
        %dma_start3A_288 = tpu.memref_squeeze %dma_start3A_287 : memref<1x2x128xi32, #tpu.memory_space<vmem>> -> memref<2x128xi32, #tpu.memory_space<vmem>>
        %dma_start3A_289 = arith.constant 0 : i32
        %dma_start3A_290 = arith.constant 0 : i32
        %dma_start3A_291 = arith.constant 0 : i32
        %dma_start3A_292 = tpu.memref_slice %arg4[%arg1, %dma_start3A_289, %dma_start3A_290, %dma_start3A_291] : memref<16x40x2x128xi32, #tpu.memory_space<hbm>> -> memref<1x40x2x128xi32, #tpu.memory_space<hbm>>
        %dma_start3A_293 = tpu.memref_squeeze %dma_start3A_292 : memref<1x40x2x128xi32, #tpu.memory_space<hbm>> -> memref<40x2x128xi32, #tpu.memory_space<hbm>>
        %dma_start3A_294 = arith.constant 0 : i32
        %dma_start3A_295 = arith.constant 0 : i32
        %dma_start3A_296 = tpu.memref_slice %dma_start3A_293[%add3A_283, %dma_start3A_294, %dma_start3A_295] : memref<40x2x128xi32, #tpu.memory_space<hbm>> -> memref<1x2x128xi32, #tpu.memory_space<hbm>>
        %dma_start3A_297 = tpu.memref_squeeze %dma_start3A_296 : memref<1x2x128xi32, #tpu.memory_space<hbm>> -> memref<2x128xi32, #tpu.memory_space<hbm>>
        %dma_start3A_298 = arith.constant 0 : i32
        %dma_start3A_299 = arith.constant 0 : i32
        %dma_start3A_300 = tpu.memref_slice %arg7[%dma_start3A_284, %dma_start3A_298, %dma_start3A_299] : memref<2x2x128xi32, #tpu.memory_space<vmem>> -> memref<1x2x128xi32, #tpu.memory_space<vmem>>
        %dma_start3A_301 = tpu.memref_squeeze %dma_start3A_300 : memref<1x2x128xi32, #tpu.memory_space<vmem>> -> memref<2x128xi32, #tpu.memory_space<vmem>>
        %dma_start3A_302 = arith.constant 0 : i32
        %dma_start3A_303 = arith.constant 0 : i32
        %dma_start3A_304 = arith.constant 0 : i32
        %dma_start3A_305 = tpu.memref_slice %arg4[%arg1, %dma_start3A_302, %dma_start3A_303, %dma_start3A_304] : memref<16x40x2x128xi32, #tpu.memory_space<hbm>> -> memref<1x40x2x128xi32, #tpu.memory_space<hbm>>
        %dma_start3A_306 = tpu.memref_squeeze %dma_start3A_305 : memref<1x40x2x128xi32, #tpu.memory_space<hbm>> -> memref<40x2x128xi32, #tpu.memory_space<hbm>>
        %dma_start3A_307 = arith.constant 0 : i32
        %dma_start3A_308 = arith.constant 0 : i32
        %dma_start3A_309 = tpu.memref_slice %dma_start3A_306[%add3A_283, %dma_start3A_307, %dma_start3A_308] : memref<40x2x128xi32, #tpu.memory_space<hbm>> -> memref<1x2x128xi32, #tpu.memory_space<hbm>>
        %dma_start3A_310 = tpu.memref_squeeze %dma_start3A_309 : memref<1x2x128xi32, #tpu.memory_space<hbm>> -> memref<2x128xi32, #tpu.memory_space<hbm>>
        tpu.enqueue_dma source(%dma_start3A_310 : memref<2x128xi32, #tpu.memory_space<hbm>>) target(%dma_start3A_301 : memref<2x128xi32, #tpu.memory_space<vmem>>) target_semaphore(%arg12 : memref<!tpu.dma_semaphore, #tpu.memory_space<semaphore_mem>>)
        %add3A_311 = arith.constant 3 : i32
        %add3A_312 = arith.addi %add3A_94, %add3A_311 : i32
        %dma_start3A_313 = arith.constant 1 : i32
        %dma_start3A_314 = arith.constant 0 : i32
        %dma_start3A_315 = arith.constant 0 : i32
        %dma_start3A_316 = tpu.memref_slice %arg8[%dma_start3A_313, %dma_start3A_314, %dma_start3A_315] : memref<2x128x128xf32, #tpu.memory_space<vmem>> -> memref<1x128x128xf32, #tpu.memory_space<vmem>>
        %dma_start3A_317 = tpu.memref_squeeze %dma_start3A_316 : memref<1x128x128xf32, #tpu.memory_space<vmem>> -> memref<128x128xf32, #tpu.memory_space<vmem>>
        %dma_start3A_318 = arith.constant 0 : i32
        %dma_start3A_319 = tpu.memref_slice %arg6[%add3A_312, %dma_start3A_318] : memref<80x128xi32, #tpu.memory_space<vmem>> -> memref<1x128xi32, #tpu.memory_space<vmem>>
        %dma_start3A_320 = tpu.memref_squeeze %dma_start3A_319 : memref<1x128xi32, #tpu.memory_space<vmem>> -> memref<128xi32, #tpu.memory_space<vmem>>
        %dma_start3A_321 = arith.constant 0 : i32
        %dma_start3A_322 = arith.constant 0 : i32
        %dma_start3A_323 = tpu.memref_slice %arg2[%dma_start3A_321, %dma_start3A_322] : memref<20000x128xf32, #tpu.memory_space<hbm>> -> memref<20000x128xf32, #tpu.memory_space<hbm>>
        tpu.enqueue_indirect_dma source(%dma_start3A_323 : memref<20000x128xf32, #tpu.memory_space<hbm>>) target(%dma_start3A_317 : memref<128x128xf32, #tpu.memory_space<vmem>>) offsets(%dma_start3A_320 : memref<128xi32, #tpu.memory_space<vmem>>) semaphore(%arg11 : memref<!tpu.dma_semaphore, #tpu.memory_space<semaphore_mem>>)
      } else {
      }
      %add3A_182 = arith.constant 4 : i32
      %add3A_183 = arith.addi %add3A_94, %add3A_182 : i32
      %ge3A = arith.constant 80 : i32
      %ge3A_184 = arith.cmpi sge, %add3A_183, %ge3A : i32
      %convert_element_type3A_185 = arith.extui %ge3A_184 : i1 to i32
      %cond3A_186 = arith.constant 0 : i32
      %cond3A_187 = arith.cmpi ne, %convert_element_type3A_185, %cond3A_186 : i32
      scf.if %cond3A_187 {
        %add3A_266 = arith.constant 3 : i32
        %add3A_267 = arith.addi %add3A_94, %add3A_266 : i32
        %dma_start3A_268 = arith.constant 1 : i32
        %dma_start3A_269 = arith.constant 0 : i32
        %dma_start3A_270 = arith.constant 0 : i32
        %dma_start3A_271 = tpu.memref_slice %arg8[%dma_start3A_268, %dma_start3A_269, %dma_start3A_270] : memref<2x128x128xf32, #tpu.memory_space<vmem>> -> memref<1x128x128xf32, #tpu.memory_space<vmem>>
        %dma_start3A_272 = tpu.memref_squeeze %dma_start3A_271 : memref<1x128x128xf32, #tpu.memory_space<vmem>> -> memref<128x128xf32, #tpu.memory_space<vmem>>
        %dma_start3A_273 = arith.constant 0 : i32
        %dma_start3A_274 = tpu.memref_slice %arg6[%add3A_267, %dma_start3A_273] : memref<80x128xi32, #tpu.memory_space<vmem>> -> memref<1x128xi32, #tpu.memory_space<vmem>>
        %dma_start3A_275 = tpu.memref_squeeze %dma_start3A_274 : memref<1x128xi32, #tpu.memory_space<vmem>> -> memref<128xi32, #tpu.memory_space<vmem>>
        %dma_start3A_276 = arith.constant 0 : i32
        %dma_start3A_277 = arith.constant 0 : i32
        %dma_start3A_278 = tpu.memref_slice %arg2[%dma_start3A_276, %dma_start3A_277] : memref<20000x128xf32, #tpu.memory_space<hbm>> -> memref<20000x128xf32, #tpu.memory_space<hbm>>
        tpu.enqueue_indirect_dma source(%dma_start3A_278 : memref<20000x128xf32, #tpu.memory_space<hbm>>) target(%dma_start3A_272 : memref<128x128xf32, #tpu.memory_space<vmem>>) offsets(%dma_start3A_275 : memref<128xi32, #tpu.memory_space<vmem>>) semaphore(%arg11 : memref<!tpu.dma_semaphore, #tpu.memory_space<semaphore_mem>>)
      } else {
      }
      %dma_wait3A_188 = arith.constant 0 : i32
      %dma_wait3A_189 = arith.constant 1 : i32
      %dma_wait3A_190 = arith.constant 0 : i32
      %dma_wait3A_191 = arith.constant 0 : i32
      %dma_wait3A_192 = tpu.memref_slice %arg7[%dma_wait3A_189, %dma_wait3A_190, %dma_wait3A_191] : memref<2x2x128xi32, #tpu.memory_space<vmem>> -> memref<1x2x128xi32, #tpu.memory_space<vmem>>
      %dma_wait3A_193 = tpu.memref_squeeze %dma_wait3A_192 : memref<1x2x128xi32, #tpu.memory_space<vmem>> -> memref<2x128xi32, #tpu.memory_space<vmem>>
      %dma_wait3A_194 = arith.constant 0 : i32
      %dma_wait3A_195 = arith.constant 0 : i32
      %dma_wait3A_196 = arith.constant 0 : i32
      %dma_wait3A_197 = tpu.memref_slice %arg4[%arg1, %dma_wait3A_194, %dma_wait3A_195, %dma_wait3A_196] : memref<16x40x2x128xi32, #tpu.memory_space<hbm>> -> memref<1x40x2x128xi32, #tpu.memory_space<hbm>>
      %dma_wait3A_198 = tpu.memref_squeeze %dma_wait3A_197 : memref<1x40x2x128xi32, #tpu.memory_space<hbm>> -> memref<40x2x128xi32, #tpu.memory_space<hbm>>
      %dma_wait3A_199 = arith.constant 0 : i32
      %dma_wait3A_200 = arith.constant 0 : i32
      %dma_wait3A_201 = tpu.memref_slice %dma_wait3A_198[%dma_wait3A_188, %dma_wait3A_199, %dma_wait3A_200] : memref<40x2x128xi32, #tpu.memory_space<hbm>> -> memref<1x2x128xi32, #tpu.memory_space<hbm>>
      %dma_wait3A_202 = tpu.memref_squeeze %dma_wait3A_201 : memref<1x2x128xi32, #tpu.memory_space<hbm>> -> memref<2x128xi32, #tpu.memory_space<hbm>>
      %dma_wait3A_203 = arith.constant 0 : i32
      %dma_wait3A_204 = arith.constant 0 : i32
      %dma_wait3A_205 = tpu.memref_slice %arg7[%dma_wait3A_189, %dma_wait3A_203, %dma_wait3A_204] : memref<2x2x128xi32, #tpu.memory_space<vmem>> -> memref<1x2x128xi32, #tpu.memory_space<vmem>>
      %dma_wait3A_206 = tpu.memref_squeeze %dma_wait3A_205 : memref<1x2x128xi32, #tpu.memory_space<vmem>> -> memref<2x128xi32, #tpu.memory_space<vmem>>
      %dma_wait3A_207 = arith.constant 0 : i32
      %dma_wait3A_208 = arith.constant 0 : i32
      %dma_wait3A_209 = arith.constant 0 : i32
      %dma_wait3A_210 = tpu.memref_slice %arg4[%arg1, %dma_wait3A_207, %dma_wait3A_208, %dma_wait3A_209] : memref<16x40x2x128xi32, #tpu.memory_space<hbm>> -> memref<1x40x2x128xi32, #tpu.memory_space<hbm>>
      %dma_wait3A_211 = tpu.memref_squeeze %dma_wait3A_210 : memref<1x40x2x128xi32, #tpu.memory_space<hbm>> -> memref<40x2x128xi32, #tpu.memory_space<hbm>>
      %dma_wait3A_212 = arith.constant 0 : i32
      %dma_wait3A_213 = arith.constant 0 : i32
      %dma_wait3A_214 = tpu.memref_slice %dma_wait3A_211[%dma_wait3A_188, %dma_wait3A_212, %dma_wait3A_213] : memref<40x2x128xi32, #tpu.memory_space<hbm>> -> memref<1x2x128xi32, #tpu.memory_space<hbm>>
      %dma_wait3A_215 = tpu.memref_squeeze %dma_wait3A_214 : memref<1x2x128xi32, #tpu.memory_space<hbm>> -> memref<2x128xi32, #tpu.memory_space<hbm>>
      tpu.wait_dma2 semaphore(%arg13 : memref<!tpu.dma_semaphore, #tpu.memory_space<semaphore_mem>>) src(%dma_wait3A_215 : memref<2x128xi32, #tpu.memory_space<hbm>>) dst(%dma_wait3A_206 : memref<2x128xi32, #tpu.memory_space<vmem>>)
      %dma_wait3A_216 = arith.constant 0 : i32
      %dma_wait3A_217 = arith.constant 0 : i32
      %dma_wait3A_218 = arith.constant 0 : i32
      %dma_wait3A_219 = tpu.memref_slice %arg8[%dma_wait3A_216, %dma_wait3A_217, %dma_wait3A_218] : memref<2x128x128xf32, #tpu.memory_space<vmem>> -> memref<1x128x128xf32, #tpu.memory_space<vmem>>
      %dma_wait3A_220 = tpu.memref_squeeze %dma_wait3A_219 : memref<1x128x128xf32, #tpu.memory_space<vmem>> -> memref<128x128xf32, #tpu.memory_space<vmem>>
      %dma_wait3A_221 = arith.constant 0 : i32
      %dma_wait3A_222 = arith.constant 0 : i32
      %dma_wait3A_223 = tpu.memref_slice %arg2[%dma_wait3A_221, %dma_wait3A_222] : memref<20000x128xf32, #tpu.memory_space<hbm>> -> memref<128x128xf32, #tpu.memory_space<hbm>>
      %dma_wait3A_224 = arith.constant 0 : i32
      %dma_wait3A_225 = arith.constant 0 : i32
      %dma_wait3A_226 = tpu.memref_slice %arg8[%dma_wait3A_216, %dma_wait3A_224, %dma_wait3A_225] : memref<2x128x128xf32, #tpu.memory_space<vmem>> -> memref<1x128x128xf32, #tpu.memory_space<vmem>>
      %dma_wait3A_227 = tpu.memref_squeeze %dma_wait3A_226 : memref<1x128x128xf32, #tpu.memory_space<vmem>> -> memref<128x128xf32, #tpu.memory_space<vmem>>
      %dma_wait3A_228 = arith.constant 0 : i32
      %dma_wait3A_229 = arith.constant 0 : i32
      %dma_wait3A_230 = tpu.memref_slice %arg2[%dma_wait3A_228, %dma_wait3A_229] : memref<20000x128xf32, #tpu.memory_space<hbm>> -> memref<128x128xf32, #tpu.memory_space<hbm>>
      tpu.wait_dma2 semaphore(%arg10 : memref<!tpu.dma_semaphore, #tpu.memory_space<semaphore_mem>>) src(%dma_wait3A_230 : memref<128x128xf32, #tpu.memory_space<hbm>>) dst(%dma_wait3A_227 : memref<128x128xf32, #tpu.memory_space<vmem>>)
      %run_scoped3A_231 = arith.constant 0 : i32
      %run_scoped3A_232 = arith.constant 1 : i32
      %run_scoped3A_233 = arith.constant 0 : i32
      "tpu.region"() ({
        %run_scoped3A_266 = tpu.sem_alloc : memref<!tpu.dma_semaphore, #tpu.memory_space<semaphore_mem>>
        %dma_start3A_267 = arith.constant 0 : i32
        %dma_start3A_268 = arith.constant 0 : i32
        %dma_start3A_269 = tpu.memref_slice %arg8[%run_scoped3A_231, %dma_start3A_267, %dma_start3A_268] : memref<2x128x128xf32, #tpu.memory_space<vmem>> -> memref<1x128x128xf32, #tpu.memory_space<vmem>>
        %dma_start3A_270 = tpu.memref_squeeze %dma_start3A_269 : memref<1x128x128xf32, #tpu.memory_space<vmem>> -> memref<128x128xf32, #tpu.memory_space<vmem>>
        %dma_start3A_271 = arith.constant 0 : i32
        %dma_start3A_272 = arith.constant 0 : i32
        %dma_start3A_273 = tpu.memref_slice %arg7[%run_scoped3A_232, %dma_start3A_271, %dma_start3A_272] : memref<2x2x128xi32, #tpu.memory_space<vmem>> -> memref<1x2x128xi32, #tpu.memory_space<vmem>>
        %dma_start3A_274 = tpu.memref_squeeze %dma_start3A_273 : memref<1x2x128xi32, #tpu.memory_space<vmem>> -> memref<2x128xi32, #tpu.memory_space<vmem>>
        %dma_start3A_275 = arith.constant 0 : i32
        %dma_start3A_276 = tpu.memref_slice %dma_start3A_274[%run_scoped3A_233, %dma_start3A_275] : memref<2x128xi32, #tpu.memory_space<vmem>> -> memref<1x128xi32, #tpu.memory_space<vmem>>
        %dma_start3A_277 = tpu.memref_squeeze %dma_start3A_276 : memref<1x128xi32, #tpu.memory_space<vmem>> -> memref<128xi32, #tpu.memory_space<vmem>>
        %dma_start3A_278 = arith.constant 0 : i32
        %dma_start3A_279 = arith.constant 0 : i32
        %dma_start3A_280 = tpu.memref_slice %arg9[%dma_start3A_278, %dma_start3A_279] : memref<10112x128xf32, #tpu.memory_space<vmem_shared>> -> memref<10112x128xf32, #tpu.memory_space<vmem_shared>>
        tpu.enqueue_indirect_dma source(%dma_start3A_270 : memref<128x128xf32, #tpu.memory_space<vmem>>) target(%dma_start3A_280 : memref<10112x128xf32, #tpu.memory_space<vmem_shared>>) offsets(%dma_start3A_277 : memref<128xi32, #tpu.memory_space<vmem>>) semaphore(%run_scoped3A_266 : memref<!tpu.dma_semaphore, #tpu.memory_space<semaphore_mem>>) {add = true}
        %dma_wait3A_281 = arith.constant 0 : i32
        %dma_wait3A_282 = arith.constant 0 : i32
        %dma_wait3A_283 = tpu.memref_slice %arg8[%run_scoped3A_231, %dma_wait3A_281, %dma_wait3A_282] : memref<2x128x128xf32, #tpu.memory_space<vmem>> -> memref<1x128x128xf32, #tpu.memory_space<vmem>>
        %dma_wait3A_284 = tpu.memref_squeeze %dma_wait3A_283 : memref<1x128x128xf32, #tpu.memory_space<vmem>> -> memref<128x128xf32, #tpu.memory_space<vmem>>
        %dma_wait3A_285 = arith.constant 0 : i32
        %dma_wait3A_286 = arith.constant 0 : i32
        %dma_wait3A_287 = tpu.memref_slice %arg7[%run_scoped3A_232, %dma_wait3A_285, %dma_wait3A_286] : memref<2x2x128xi32, #tpu.memory_space<vmem>> -> memref<1x2x128xi32, #tpu.memory_space<vmem>>
        %dma_wait3A_288 = tpu.memref_squeeze %dma_wait3A_287 : memref<1x2x128xi32, #tpu.memory_space<vmem>> -> memref<2x128xi32, #tpu.memory_space<vmem>>
        %dma_wait3A_289 = arith.constant 0 : i32
        %dma_wait3A_290 = tpu.memref_slice %dma_wait3A_288[%run_scoped3A_233, %dma_wait3A_289] : memref<2x128xi32, #tpu.memory_space<vmem>> -> memref<1x128xi32, #tpu.memory_space<vmem>>
        %dma_wait3A_291 = tpu.memref_squeeze %dma_wait3A_290 : memref<1x128xi32, #tpu.memory_space<vmem>> -> memref<128xi32, #tpu.memory_space<vmem>>
        %dma_wait3A_292 = arith.constant 0 : i32
        %dma_wait3A_293 = arith.constant 0 : i32
        %dma_wait3A_294 = tpu.memref_slice %arg9[%dma_wait3A_292, %dma_wait3A_293] : memref<10112x128xf32, #tpu.memory_space<vmem_shared>> -> memref<10112x128xf32, #tpu.memory_space<vmem_shared>>
        tpu.wait_indirect_dma semaphore(%run_scoped3A_266 : memref<!tpu.dma_semaphore, #tpu.memory_space<semaphore_mem>>) src(%dma_wait3A_284 : memref<128x128xf32, #tpu.memory_space<vmem>>) dst(%dma_wait3A_294 : memref<10112x128xf32, #tpu.memory_space<vmem_shared>>)
        tpu.yield
      }) : () -> ()
      %add3A_234 = arith.constant 4 : i32
      %add3A_235 = arith.addi %add3A_94, %add3A_234 : i32
      %lt3A_236 = arith.constant 80 : i32
      %lt3A_237 = arith.cmpi slt, %add3A_235, %lt3A_236 : i32
      %convert_element_type3A_238 = arith.extui %lt3A_237 : i1 to i32
      %cond3A_239 = arith.constant 0 : i32
      %cond3A_240 = arith.cmpi ne, %convert_element_type3A_238, %cond3A_239 : i32
      scf.if %cond3A_240 {
        %add3A_266 = arith.constant 4 : i32
        %add3A_267 = arith.addi %add3A_94, %add3A_266 : i32
        %dma_start3A_268 = arith.constant 0 : i32
        %dma_start3A_269 = arith.constant 0 : i32
        %dma_start3A_270 = arith.constant 0 : i32
        %dma_start3A_271 = tpu.memref_slice %arg8[%dma_start3A_268, %dma_start3A_269, %dma_start3A_270] : memref<2x128x128xf32, #tpu.memory_space<vmem>> -> memref<1x128x128xf32, #tpu.memory_space<vmem>>
        %dma_start3A_272 = tpu.memref_squeeze %dma_start3A_271 : memref<1x128x128xf32, #tpu.memory_space<vmem>> -> memref<128x128xf32, #tpu.memory_space<vmem>>
        %dma_start3A_273 = arith.constant 0 : i32
        %dma_start3A_274 = tpu.memref_slice %arg6[%add3A_267, %dma_start3A_273] : memref<80x128xi32, #tpu.memory_space<vmem>> -> memref<1x128xi32, #tpu.memory_space<vmem>>
        %dma_start3A_275 = tpu.memref_squeeze %dma_start3A_274 : memref<1x128xi32, #tpu.memory_space<vmem>> -> memref<128xi32, #tpu.memory_space<vmem>>
        %dma_start3A_276 = arith.constant 0 : i32
        %dma_start3A_277 = arith.constant 0 : i32
        %dma_start3A_278 = tpu.memref_slice %arg2[%dma_start3A_276, %dma_start3A_277] : memref<20000x128xf32, #tpu.memory_space<hbm>> -> memref<20000x128xf32, #tpu.memory_space<hbm>>
        tpu.enqueue_indirect_dma source(%dma_start3A_278 : memref<20000x128xf32, #tpu.memory_space<hbm>>) target(%dma_start3A_272 : memref<128x128xf32, #tpu.memory_space<vmem>>) offsets(%dma_start3A_275 : memref<128xi32, #tpu.memory_space<vmem>>) semaphore(%arg10 : memref<!tpu.dma_semaphore, #tpu.memory_space<semaphore_mem>>)
      } else {
      }
      %dma_wait3A_241 = arith.constant 1 : i32
      %dma_wait3A_242 = arith.constant 0 : i32
      %dma_wait3A_243 = arith.constant 0 : i32
      %dma_wait3A_244 = tpu.memref_slice %arg8[%dma_wait3A_241, %dma_wait3A_242, %dma_wait3A_243] : memref<2x128x128xf32, #tpu.memory_space<vmem>> -> memref<1x128x128xf32, #tpu.memory_space<vmem>>
      %dma_wait3A_245 = tpu.memref_squeeze %dma_wait3A_244 : memref<1x128x128xf32, #tpu.memory_space<vmem>> -> memref<128x128xf32, #tpu.memory_space<vmem>>
      %dma_wait3A_246 = arith.constant 0 : i32
      %dma_wait3A_247 = arith.constant 0 : i32
      %dma_wait3A_248 = tpu.memref_slice %arg2[%dma_wait3A_246, %dma_wait3A_247] : memref<20000x128xf32, #tpu.memory_space<hbm>> -> memref<128x128xf32, #tpu.memory_space<hbm>>
      %dma_wait3A_249 = arith.constant 0 : i32
      %dma_wait3A_250 = arith.constant 0 : i32
      %dma_wait3A_251 = tpu.memref_slice %arg8[%dma_wait3A_241, %dma_wait3A_249, %dma_wait3A_250] : memref<2x128x128xf32, #tpu.memory_space<vmem>> -> memref<1x128x128xf32, #tpu.memory_space<vmem>>
      %dma_wait3A_252 = tpu.memref_squeeze %dma_wait3A_251 : memref<1x128x128xf32, #tpu.memory_space<vmem>> -> memref<128x128xf32, #tpu.memory_space<vmem>>
      %dma_wait3A_253 = arith.constant 0 : i32
      %dma_wait3A_254 = arith.constant 0 : i32
      %dma_wait3A_255 = tpu.memref_slice %arg2[%dma_wait3A_253, %dma_wait3A_254] : memref<20000x128xf32, #tpu.memory_space<hbm>> -> memref<128x128xf32, #tpu.memory_space<hbm>>
      tpu.wait_dma2 semaphore(%arg11 : memref<!tpu.dma_semaphore, #tpu.memory_space<semaphore_mem>>) src(%dma_wait3A_255 : memref<128x128xf32, #tpu.memory_space<hbm>>) dst(%dma_wait3A_252 : memref<128x128xf32, #tpu.memory_space<vmem>>)
      %run_scoped3A_256 = arith.constant 1 : i32
      %run_scoped3A_257 = arith.constant 1 : i32
      %run_scoped3A_258 = arith.constant 1 : i32
      "tpu.region"() ({
        %run_scoped3A_266 = tpu.sem_alloc : memref<!tpu.dma_semaphore, #tpu.memory_space<semaphore_mem>>
        %dma_start3A_267 = arith.constant 0 : i32
        %dma_start3A_268 = arith.constant 0 : i32
        %dma_start3A_269 = tpu.memref_slice %arg8[%run_scoped3A_256, %dma_start3A_267, %dma_start3A_268] : memref<2x128x128xf32, #tpu.memory_space<vmem>> -> memref<1x128x128xf32, #tpu.memory_space<vmem>>
        %dma_start3A_270 = tpu.memref_squeeze %dma_start3A_269 : memref<1x128x128xf32, #tpu.memory_space<vmem>> -> memref<128x128xf32, #tpu.memory_space<vmem>>
        %dma_start3A_271 = arith.constant 0 : i32
        %dma_start3A_272 = arith.constant 0 : i32
        %dma_start3A_273 = tpu.memref_slice %arg7[%run_scoped3A_257, %dma_start3A_271, %dma_start3A_272] : memref<2x2x128xi32, #tpu.memory_space<vmem>> -> memref<1x2x128xi32, #tpu.memory_space<vmem>>
        %dma_start3A_274 = tpu.memref_squeeze %dma_start3A_273 : memref<1x2x128xi32, #tpu.memory_space<vmem>> -> memref<2x128xi32, #tpu.memory_space<vmem>>
        %dma_start3A_275 = arith.constant 0 : i32
        %dma_start3A_276 = tpu.memref_slice %dma_start3A_274[%run_scoped3A_258, %dma_start3A_275] : memref<2x128xi32, #tpu.memory_space<vmem>> -> memref<1x128xi32, #tpu.memory_space<vmem>>
        %dma_start3A_277 = tpu.memref_squeeze %dma_start3A_276 : memref<1x128xi32, #tpu.memory_space<vmem>> -> memref<128xi32, #tpu.memory_space<vmem>>
        %dma_start3A_278 = arith.constant 0 : i32
        %dma_start3A_279 = arith.constant 0 : i32
        %dma_start3A_280 = tpu.memref_slice %arg9[%dma_start3A_278, %dma_start3A_279] : memref<10112x128xf32, #tpu.memory_space<vmem_shared>> -> memref<10112x128xf32, #tpu.memory_space<vmem_shared>>
        tpu.enqueue_indirect_dma source(%dma_start3A_270 : memref<128x128xf32, #tpu.memory_space<vmem>>) target(%dma_start3A_280 : memref<10112x128xf32, #tpu.memory_space<vmem_shared>>) offsets(%dma_start3A_277 : memref<128xi32, #tpu.memory_space<vmem>>) semaphore(%run_scoped3A_266 : memref<!tpu.dma_semaphore, #tpu.memory_space<semaphore_mem>>) {add = true}
        %dma_wait3A_281 = arith.constant 0 : i32
        %dma_wait3A_282 = arith.constant 0 : i32
        %dma_wait3A_283 = tpu.memref_slice %arg8[%run_scoped3A_256, %dma_wait3A_281, %dma_wait3A_282] : memref<2x128x128xf32, #tpu.memory_space<vmem>> -> memref<1x128x128xf32, #tpu.memory_space<vmem>>
        %dma_wait3A_284 = tpu.memref_squeeze %dma_wait3A_283 : memref<1x128x128xf32, #tpu.memory_space<vmem>> -> memref<128x128xf32, #tpu.memory_space<vmem>>
        %dma_wait3A_285 = arith.constant 0 : i32
        %dma_wait3A_286 = arith.constant 0 : i32
        %dma_wait3A_287 = tpu.memref_slice %arg7[%run_scoped3A_257, %dma_wait3A_285, %dma_wait3A_286] : memref<2x2x128xi32, #tpu.memory_space<vmem>> -> memref<1x2x128xi32, #tpu.memory_space<vmem>>
        %dma_wait3A_288 = tpu.memref_squeeze %dma_wait3A_287 : memref<1x2x128xi32, #tpu.memory_space<vmem>> -> memref<2x128xi32, #tpu.memory_space<vmem>>
        %dma_wait3A_289 = arith.constant 0 : i32
        %dma_wait3A_290 = tpu.memref_slice %dma_wait3A_288[%run_scoped3A_258, %dma_wait3A_289] : memref<2x128xi32, #tpu.memory_space<vmem>> -> memref<1x128xi32, #tpu.memory_space<vmem>>
        %dma_wait3A_291 = tpu.memref_squeeze %dma_wait3A_290 : memref<1x128xi32, #tpu.memory_space<vmem>> -> memref<128xi32, #tpu.memory_space<vmem>>
        %dma_wait3A_292 = arith.constant 0 : i32
        %dma_wait3A_293 = arith.constant 0 : i32
        %dma_wait3A_294 = tpu.memref_slice %arg9[%dma_wait3A_292, %dma_wait3A_293] : memref<10112x128xf32, #tpu.memory_space<vmem_shared>> -> memref<10112x128xf32, #tpu.memory_space<vmem_shared>>
        tpu.wait_indirect_dma semaphore(%run_scoped3A_266 : memref<!tpu.dma_semaphore, #tpu.memory_space<semaphore_mem>>) src(%dma_wait3A_284 : memref<128x128xf32, #tpu.memory_space<vmem>>) dst(%dma_wait3A_294 : memref<10112x128xf32, #tpu.memory_space<vmem_shared>>)
        tpu.yield
      }) : () -> ()
      %add3A_259 = arith.constant 6 : i32
      %add3A_260 = arith.addi %add3A_94, %add3A_259 : i32
      %lt3A_261 = arith.constant 80 : i32
      %lt3A_262 = arith.cmpi slt, %add3A_260, %lt3A_261 : i32
      %convert_element_type3A_263 = arith.extui %lt3A_262 : i1 to i32
      %cond3A_264 = arith.constant 0 : i32
      %cond3A_265 = arith.cmpi ne, %convert_element_type3A_263, %cond3A_264 : i32
      scf.if %cond3A_265 {
        %jit3A = arith.constant 2 : i32
        %div3A = arith.divsi %add3A_94, %jit3A : i32
        %sign3A = arith.constant 0 : i32
        %sign3A_266 = arith.cmpi sgt, %add3A_94, %sign3A : i32
        %sign3A_267 = arith.extui %sign3A_266 : i1 to i32
        %sign3A_268 = arith.constant 0 : i32
        %sign3A_269 = arith.cmpi slt, %add3A_94, %sign3A_268 : i32
        %sign3A_270 = arith.extui %sign3A_269 : i1 to i32
        %sign3A_271 = arith.subi %sign3A_267, %sign3A_270 : i32
        %sign3A_272 = arith.constant 0 : i32
        %sign3A_273 = arith.cmpi sgt, %jit3A, %sign3A_272 : i32
        %sign3A_274 = arith.extui %sign3A_273 : i1 to i32
        %sign3A_275 = arith.constant 0 : i32
        %sign3A_276 = arith.cmpi slt, %jit3A, %sign3A_275 : i32
        %sign3A_277 = arith.extui %sign3A_276 : i1 to i32
        %sign3A_278 = arith.subi %sign3A_274, %sign3A_277 : i32
        %ne3A = arith.cmpi ne, %sign3A_271, %sign3A_278 : i32
        %rem3A = arith.remsi %add3A_94, %jit3A : i32
        %ne3A_279 = arith.constant 0 : i32
        %ne3A_280 = arith.cmpi ne, %rem3A, %ne3A_279 : i32
        %and3A = arith.andi %ne3A, %ne3A_280 : i1
        %sub3A = arith.constant 1 : i32
        %sub3A_281 = arith.subi %div3A, %sub3A : i32
        %select_n3A = arith.select %and3A, %sub3A_281, %div3A : i32
        %add3A_282 = arith.constant 3 : i32
        %add3A_283 = arith.addi %select_n3A, %add3A_282 : i32
        %dma_start3A_284 = arith.constant 1 : i32
        %dma_start3A_285 = arith.constant 0 : i32
        %dma_start3A_286 = arith.constant 0 : i32
        %dma_start3A_287 = tpu.memref_slice %arg7[%dma_start3A_284, %dma_start3A_285, %dma_start3A_286] : memref<2x2x128xi32, #tpu.memory_space<vmem>> -> memref<1x2x128xi32, #tpu.memory_space<vmem>>
        %dma_start3A_288 = tpu.memref_squeeze %dma_start3A_287 : memref<1x2x128xi32, #tpu.memory_space<vmem>> -> memref<2x128xi32, #tpu.memory_space<vmem>>
        %dma_start3A_289 = arith.constant 0 : i32
        %dma_start3A_290 = arith.constant 0 : i32
        %dma_start3A_291 = arith.constant 0 : i32
        %dma_start3A_292 = tpu.memref_slice %arg4[%arg1, %dma_start3A_289, %dma_start3A_290, %dma_start3A_291] : memref<16x40x2x128xi32, #tpu.memory_space<hbm>> -> memref<1x40x2x128xi32, #tpu.memory_space<hbm>>
        %dma_start3A_293 = tpu.memref_squeeze %dma_start3A_292 : memref<1x40x2x128xi32, #tpu.memory_space<hbm>> -> memref<40x2x128xi32, #tpu.memory_space<hbm>>
        %dma_start3A_294 = arith.constant 0 : i32
        %dma_start3A_295 = arith.constant 0 : i32
        %dma_start3A_296 = tpu.memref_slice %dma_start3A_293[%add3A_283, %dma_start3A_294, %dma_start3A_295] : memref<40x2x128xi32, #tpu.memory_space<hbm>> -> memref<1x2x128xi32, #tpu.memory_space<hbm>>
        %dma_start3A_297 = tpu.memref_squeeze %dma_start3A_296 : memref<1x2x128xi32, #tpu.memory_space<hbm>> -> memref<2x128xi32, #tpu.memory_space<hbm>>
        %dma_start3A_298 = arith.constant 0 : i32
        %dma_start3A_299 = arith.constant 0 : i32
        %dma_start3A_300 = tpu.memref_slice %arg7[%dma_start3A_284, %dma_start3A_298, %dma_start3A_299] : memref<2x2x128xi32, #tpu.memory_space<vmem>> -> memref<1x2x128xi32, #tpu.memory_space<vmem>>
        %dma_start3A_301 = tpu.memref_squeeze %dma_start3A_300 : memref<1x2x128xi32, #tpu.memory_space<vmem>> -> memref<2x128xi32, #tpu.memory_space<vmem>>
        %dma_start3A_302 = arith.constant 0 : i32
        %dma_start3A_303 = arith.constant 0 : i32
        %dma_start3A_304 = arith.constant 0 : i32
        %dma_start3A_305 = tpu.memref_slice %arg4[%arg1, %dma_start3A_302, %dma_start3A_303, %dma_start3A_304] : memref<16x40x2x128xi32, #tpu.memory_space<hbm>> -> memref<1x40x2x128xi32, #tpu.memory_space<hbm>>
        %dma_start3A_306 = tpu.memref_squeeze %dma_start3A_305 : memref<1x40x2x128xi32, #tpu.memory_space<hbm>> -> memref<40x2x128xi32, #tpu.memory_space<hbm>>
        %dma_start3A_307 = arith.constant 0 : i32
        %dma_start3A_308 = arith.constant 0 : i32
        %dma_start3A_309 = tpu.memref_slice %dma_start3A_306[%add3A_283, %dma_start3A_307, %dma_start3A_308] : memref<40x2x128xi32, #tpu.memory_space<hbm>> -> memref<1x2x128xi32, #tpu.memory_space<hbm>>
        %dma_start3A_310 = tpu.memref_squeeze %dma_start3A_309 : memref<1x2x128xi32, #tpu.memory_space<hbm>> -> memref<2x128xi32, #tpu.memory_space<hbm>>
        tpu.enqueue_dma source(%dma_start3A_310 : memref<2x128xi32, #tpu.memory_space<hbm>>) target(%dma_start3A_301 : memref<2x128xi32, #tpu.memory_space<vmem>>) target_semaphore(%arg13 : memref<!tpu.dma_semaphore, #tpu.memory_space<semaphore_mem>>)
      } else {
      }
    }
    %scan3A_84 = arith.constant 20 : i32
    %barrier3A_85 = arith.constant 0 : index
    tpu.barrier barrier_id(%barrier3A_85)
    %mul3A_86 = arith.constant 632 : i32
    %mul3A_87 = arith.muli %arg1, %mul3A_86 : i32
    %mul3A_88 = arith.constant 632 : i32
    %mul3A_89 = arith.muli %arg1, %mul3A_88 : i32
    "tpu.region"() ({
      %run_scoped3A_90 = tpu.sem_alloc : memref<!tpu.dma_semaphore, #tpu.memory_space<semaphore_mem>>
      %dma_start3A_91 = arith.constant 0 : i32
      %dma_start3A_92 = tpu.memref_slice %arg5[%arg0, %mul3A_89, %dma_start3A_91] : memref<2x10112x128xf32, #tpu.memory_space<hbm>> -> memref<1x632x128xf32, #tpu.memory_space<hbm>>
      %dma_start3A_93 = tpu.memref_squeeze %dma_start3A_92 : memref<1x632x128xf32, #tpu.memory_space<hbm>> -> memref<632x128xf32, #tpu.memory_space<hbm>>
      %dma_start3A_94 = arith.constant 0 : i32
      %dma_start3A_95 = tpu.memref_slice %arg9[%mul3A_87, %dma_start3A_94] : memref<10112x128xf32, #tpu.memory_space<vmem_shared>> -> memref<632x128xf32, #tpu.memory_space<vmem_shared>>
      tpu.enqueue_dma source(%dma_start3A_95 : memref<632x128xf32, #tpu.memory_space<vmem_shared>>) target(%dma_start3A_93 : memref<632x128xf32, #tpu.memory_space<hbm>>) target_semaphore(%run_scoped3A_90 : memref<!tpu.dma_semaphore, #tpu.memory_space<semaphore_mem>>)
      %dma_wait3A = arith.constant 0 : i32
      %dma_wait3A_96 = tpu.memref_slice %arg5[%arg0, %mul3A_89, %dma_wait3A] : memref<2x10112x128xf32, #tpu.memory_space<hbm>> -> memref<1x632x128xf32, #tpu.memory_space<hbm>>
      %dma_wait3A_97 = tpu.memref_squeeze %dma_wait3A_96 : memref<1x632x128xf32, #tpu.memory_space<hbm>> -> memref<632x128xf32, #tpu.memory_space<hbm>>
      %dma_wait3A_98 = arith.constant 0 : i32
      %dma_wait3A_99 = tpu.memref_slice %arg9[%mul3A_87, %dma_wait3A_98] : memref<10112x128xf32, #tpu.memory_space<vmem_shared>> -> memref<632x128xf32, #tpu.memory_space<vmem_shared>>
      tpu.wait_dma2 semaphore(%run_scoped3A_90 : memref<!tpu.dma_semaphore, #tpu.memory_space<semaphore_mem>>) src(%dma_wait3A_99 : memref<632x128xf32, #tpu.memory_space<vmem_shared>>) dst(%dma_wait3A_97 : memref<632x128xf32, #tpu.memory_space<hbm>>)
      tpu.yield
    }) : () -> ()
    return
  }
}

module attributes {stable_mosaic.version = 14 : i64} {
  func.func @_mm1_body(%arg0: i32, %arg1: memref<2000x512xf32, #tpu.memory_space<vmem>>, %arg2: memref<512x256xf32, #tpu.memory_space<vmem>>, %arg3: memref<1x2000x2xf32, #tpu.memory_space<vmem>>, %arg4: memref<2x2000x128xf32, #tpu.memory_space<vmem>>) attributes {dimension_semantics = [#tpu.dimension_semantics<arbitrary>], iteration_bounds = array<i64: 5>, scalar_prefetch = 0 : i64, scratch_operands = 0 : i64, tpu.core_type = #tpu.core_type<tc>, window_params = [{transform_indices = @transform_0, window_bounds = array<i64: 2000, 512>}, {pipeline_mode = #tpu.pipeline_mode<synchronous>, transform_indices = @transform_1, window_bounds = array<i64: 512, 256>}, {transform_indices = @transform_2, window_bounds = array<i64: 1, 2000, 2>}, {transform_indices = @transform_3, window_bounds = array<i64: 2, 2000, 128>}]} {
    %get3A = arith.constant 0 : index
    %get3A_0 = arith.constant 0 : index
    %get3A_1 = vector.load %arg1[%get3A, %get3A_0] : memref<2000x512xf32, #tpu.memory_space<vmem>>, vector<2000x512xf32>
    %get3A_2 = arith.constant 0 : index
    %get3A_3 = arith.constant 0 : index
    %get3A_4 = vector.load %arg2[%get3A_2, %get3A_3] : memref<512x256xf32, #tpu.memory_space<vmem>>, vector<512x256xf32>
    %dot_general3A = arith.constant dense<0.000000e+00> : vector<2000x256xf32>
    %dot_general3A_5 = tpu.matmul %get3A_1, %get3A_4, %dot_general3A {dimension_numbers = #tpu.dot_dimension_numbers<[1], [0], [0], [1], [0, 0, 1, 1], [], []>, transpose_lhs_hint = false} : vector<2000x512xf32>, vector<512x256xf32>, vector<2000x256xf32> -> vector<2000x256xf32>
    %get3A_6 = arith.constant 0 : index
    %get3A_7 = arith.constant 0 : index
    %get3A_8 = arith.constant 0 : index
    %get3A_9 = vector.load %arg3[%get3A_6, %get3A_7, %get3A_8] : memref<1x2000x2xf32, #tpu.memory_space<vmem>>, vector<1x2000x2xf32>
    %get3A_10 = vector.shape_cast %get3A_9 : vector<1x2000x2xf32> to vector<2000x2xf32>
    %slice3A = vector.extract_strided_slice %get3A_10 {offsets = [0, 0], sizes = [2000, 1], strides = [1, 1]} : vector<2000x2xf32> to vector<2000x1xf32>
    %gt3A = arith.constant 0.000000e+00 : f32
    %gt3A_11 = vector.broadcast %gt3A : f32 to vector<2000x1xf32>
    %gt3A_12 = arith.cmpf ogt, %slice3A, %gt3A_11 : vector<2000x1xf32>
    %jit3A = arith.constant 1.000000e+00 : f32
    %broadcast_in_dim3A = vector.broadcast %jit3A : f32 to vector<2000x1xf32>
    %select_n3A = arith.select %gt3A_12, %slice3A, %broadcast_in_dim3A : vector<2000x1xi1>, vector<2000x1xf32>
    %rsqrt3A = math.rsqrt %select_n3A : vector<2000x1xf32>
    %slice3A_13 = vector.extract_strided_slice %dot_general3A_5 {offsets = [0, 0], sizes = [2000, 128], strides = [1, 1]} : vector<2000x256xf32> to vector<2000x128xf32>
    %mul3A = vector.broadcast %rsqrt3A : vector<2000x1xf32> to vector<2000x128xf32>
    %mul3A_14 = arith.mulf %slice3A_13, %mul3A : vector<2000x128xf32>
    %swap3A = arith.constant 0 : index
    %swap3A_15 = arith.constant 0 : index
    %swap3A_16 = arith.constant 0 : index
    %swap3A_17 = vector.load %arg4[%swap3A, %swap3A_15, %swap3A_16] : memref<2x2000x128xf32, #tpu.memory_space<vmem>>, vector<1x2000x128xf32>
    %swap3A_18 = vector.shape_cast %swap3A_17 : vector<1x2000x128xf32> to vector<2000x128xf32>
    %swap3A_19 = vector.shape_cast %mul3A_14 : vector<2000x128xf32> to vector<1x2000x128xf32>
    tpu.vector_store %arg4[%swap3A, %swap3A_15, %swap3A_16], %swap3A_19 {strides = array<i32>} : memref<2x2000x128xf32, #tpu.memory_space<vmem>>, vector<1x2000x128xf32>,
    %slice3A_20 = vector.extract_strided_slice %dot_general3A_5 {offsets = [0, 128], sizes = [2000, 128], strides = [1, 1]} : vector<2000x256xf32> to vector<2000x128xf32>
    %mul3A_21 = vector.broadcast %rsqrt3A : vector<2000x1xf32> to vector<2000x128xf32>
    %mul3A_22 = arith.mulf %slice3A_20, %mul3A_21 : vector<2000x128xf32>
    %swap3A_23 = arith.constant 1 : index
    %swap3A_24 = arith.constant 0 : index
    %swap3A_25 = arith.constant 0 : index
    %swap3A_26 = vector.load %arg4[%swap3A_23, %swap3A_24, %swap3A_25] : memref<2x2000x128xf32, #tpu.memory_space<vmem>>, vector<1x2000x128xf32>
    %swap3A_27 = vector.shape_cast %swap3A_26 : vector<1x2000x128xf32> to vector<2000x128xf32>
    %swap3A_28 = vector.shape_cast %mul3A_22 : vector<2000x128xf32> to vector<1x2000x128xf32>
    tpu.vector_store %arg4[%swap3A_23, %swap3A_24, %swap3A_25], %swap3A_28 {strides = array<i32>} : memref<2x2000x128xf32, #tpu.memory_space<vmem>>, vector<1x2000x128xf32>,
    return
  }
  func.func @transform_0(%arg0: i32) -> (i32, i32) {
    %c0_i32 = arith.constant 0 : i32
    %c0_i32_0 = arith.constant 0 : i32
    return %arg0, %c0_i32 : i32, i32
  }
  func.func @transform_1(%arg0: i32) -> (i32, i32) {
    %c0_i32 = arith.constant 0 : i32
    %c0_i32_0 = arith.constant 0 : i32
    %c0_i32_1 = arith.constant 0 : i32
    return %c0_i32, %c0_i32_0 : i32, i32
  }
  func.func @transform_2(%arg0: i32) -> (i32, i32, i32) {
    %c0_i32 = arith.constant 0 : i32
    %c0_i32_0 = arith.constant 0 : i32
    %c0_i32_1 = arith.constant 0 : i32
    return %arg0, %c0_i32, %c0_i32_0 : i32, i32, i32
  }
  func.func @transform_3(%arg0: i32) -> (i32, i32, i32) {
    %c0_i32 = arith.constant 0 : i32
    %c0_i32_0 = arith.constant 0 : i32
    %c0_i32_1 = arith.constant 0 : i32
    return %c0_i32, %arg0, %c0_i32_0 : i32, i32, i32
  }
}

module attributes {stable_mosaic.version = 14 : i64} {
  func.func @_mid_body(%arg0: i32, %arg1: memref<2x2000x128xf32, #tpu.memory_space<vmem>>, %arg2: memref<1x2000x2xf32, #tpu.memory_space<vmem>>, %arg3: memref<1x256xf32, #tpu.memory_space<vmem>>, %arg4: memref<256x128xf32, #tpu.memory_space<vmem>>, %arg5: memref<2000x128xf32, #tpu.memory_space<vmem>>) attributes {dimension_semantics = [#tpu.dimension_semantics<arbitrary>], iteration_bounds = array<i64: 5>, scalar_prefetch = 0 : i64, scratch_operands = 0 : i64, tpu.core_type = #tpu.core_type<tc>, window_params = [{transform_indices = @transform_0, window_bounds = array<i64: 2, 2000, 128>}, {transform_indices = @transform_1, window_bounds = array<i64: 1, 2000, 2>}, {pipeline_mode = #tpu.pipeline_mode<synchronous>, transform_indices = @transform_2, window_bounds = array<i64: 1, 256>}, {pipeline_mode = #tpu.pipeline_mode<synchronous>, transform_indices = @transform_3, window_bounds = array<i64: 256, 128>}, {transform_indices = @transform_4, window_bounds = array<i64: 2000, 128>}]} {
    %get3A = arith.constant 0 : index
    %get3A_0 = arith.constant 0 : index
    %get3A_1 = arith.constant 0 : index
    %get3A_2 = vector.load %arg1[%get3A, %get3A_0, %get3A_1] : memref<2x2000x128xf32, #tpu.memory_space<vmem>>, vector<1x2000x128xf32>
    %get3A_3 = vector.shape_cast %get3A_2 : vector<1x2000x128xf32> to vector<2000x128xf32>
    %get3A_4 = arith.constant 1 : index
    %get3A_5 = arith.constant 0 : index
    %get3A_6 = arith.constant 0 : index
    %get3A_7 = vector.load %arg1[%get3A_4, %get3A_5, %get3A_6] : memref<2x2000x128xf32, #tpu.memory_space<vmem>>, vector<1x2000x128xf32>
    %get3A_8 = vector.shape_cast %get3A_7 : vector<1x2000x128xf32> to vector<2000x128xf32>
    %concatenate3A = tpu.concatenate %get3A_3, %get3A_8 in 1 : vector<2000x128xf32>, vector<2000x128xf32> -> vector<2000x256xf32>
    %get3A_9 = arith.constant 0 : index
    %get3A_10 = arith.constant 0 : index
    %get3A_11 = arith.constant 0 : index
    %get3A_12 = vector.load %arg2[%get3A_9, %get3A_10, %get3A_11] : memref<1x2000x2xf32, #tpu.memory_space<vmem>>, vector<1x2000x2xf32>
    %get3A_13 = vector.shape_cast %get3A_12 : vector<1x2000x2xf32> to vector<2000x2xf32>
    %slice3A = vector.extract_strided_slice %get3A_13 {offsets = [0, 0], sizes = [2000, 1], strides = [1, 1]} : vector<2000x2xf32> to vector<2000x1xf32>
    %gt3A = arith.constant 0.000000e+00 : f32
    %gt3A_14 = vector.broadcast %gt3A : f32 to vector<2000x1xf32>
    %gt3A_15 = arith.cmpf ogt, %slice3A, %gt3A_14 : vector<2000x1xf32>
    %jit3A = arith.constant 1.000000e+00 : f32
    %broadcast_in_dim3A = vector.broadcast %jit3A : f32 to vector<2000x1xf32>
    %select_n3A = arith.select %gt3A_15, %slice3A, %broadcast_in_dim3A : vector<2000x1xi1>, vector<2000x1xf32>
    %rsqrt3A = math.rsqrt %select_n3A : vector<2000x1xf32>
    %get3A_16 = arith.constant 0 : index
    %get3A_17 = arith.constant 0 : index
    %get3A_18 = arith.constant 0 : index
    %get3A_19 = vector.load %arg2[%get3A_16, %get3A_17, %get3A_18] : memref<1x2000x2xf32, #tpu.memory_space<vmem>>, vector<1x2000x2xf32>
    %get3A_20 = vector.shape_cast %get3A_19 : vector<1x2000x2xf32> to vector<2000x2xf32>
    %slice3A_21 = vector.extract_strided_slice %get3A_20 {offsets = [0, 1], sizes = [2000, 1], strides = [1, 1]} : vector<2000x2xf32> to vector<2000x1xf32>
    %gt3A_22 = arith.constant 0.000000e+00 : f32
    %gt3A_23 = vector.broadcast %gt3A_22 : f32 to vector<2000x1xf32>
    %gt3A_24 = arith.cmpf ogt, %slice3A_21, %gt3A_23 : vector<2000x1xf32>
    %jit3A_25 = arith.constant 1.000000e+00 : f32
    %broadcast_in_dim3A_26 = vector.broadcast %jit3A_25 : f32 to vector<2000x1xf32>
    %select_n3A_27 = arith.select %gt3A_24, %slice3A_21, %broadcast_in_dim3A_26 : vector<2000x1xi1>, vector<2000x1xf32>
    %rsqrt3A_28 = math.rsqrt %select_n3A_27 : vector<2000x1xf32>
    %mul3A = vector.broadcast %rsqrt3A_28 : vector<2000x1xf32> to vector<2000x256xf32>
    %mul3A_29 = arith.mulf %concatenate3A, %mul3A : vector<2000x256xf32>
    %get3A_30 = arith.constant 0 : index
    %get3A_31 = arith.constant 0 : index
    %get3A_32 = vector.load %arg3[%get3A_30, %get3A_31] : memref<1x256xf32, #tpu.memory_space<vmem>>, vector<1x256xf32>
    %add3A = vector.broadcast %get3A_32 : vector<1x256xf32> to vector<2000x256xf32>
    %add3A_33 = arith.addf %mul3A_29, %add3A : vector<2000x256xf32>
    %max3A = arith.constant 0.000000e+00 : f32
    %max3A_34 = vector.broadcast %max3A : f32 to vector<2000x256xf32>
    %max3A_35 = arith.maximumf %add3A_33, %max3A_34 : vector<2000x256xf32>
    %mul3A_36 = vector.broadcast %rsqrt3A : vector<2000x1xf32> to vector<2000x256xf32>
    %mul3A_37 = arith.mulf %max3A_35, %mul3A_36 : vector<2000x256xf32>
    %get3A_38 = arith.constant 0 : index
    %get3A_39 = arith.constant 0 : index
    %get3A_40 = vector.load %arg4[%get3A_38, %get3A_39] : memref<256x128xf32, #tpu.memory_space<vmem>>, vector<256x128xf32>
    %dot_general3A = arith.constant dense<0.000000e+00> : vector<2000x128xf32>
    %dot_general3A_41 = tpu.matmul %mul3A_37, %get3A_40, %dot_general3A {dimension_numbers = #tpu.dot_dimension_numbers<[1], [0], [0], [1], [0, 0, 1, 1], [], []>, transpose_lhs_hint = false} : vector<2000x256xf32>, vector<256x128xf32>, vector<2000x128xf32> -> vector<2000x128xf32>
    %swap3A = arith.constant 0 : index
    %swap3A_42 = arith.constant 0 : index
    %swap3A_43 = vector.load %arg5[%swap3A, %swap3A_42] : memref<2000x128xf32, #tpu.memory_space<vmem>>, vector<2000x128xf32>
    tpu.vector_store %arg5[%swap3A, %swap3A_42], %dot_general3A_41 {strides = array<i32>} : memref<2000x128xf32, #tpu.memory_space<vmem>>, vector<2000x128xf32>,
    return
  }
  func.func @transform_0(%arg0: i32) -> (i32, i32, i32) {
    %c0_i32 = arith.constant 0 : i32
    %c0_i32_0 = arith.constant 0 : i32
    %c0_i32_1 = arith.constant 0 : i32
    return %c0_i32, %arg0, %c0_i32_0 : i32, i32, i32
  }
  func.func @transform_1(%arg0: i32) -> (i32, i32, i32) {
    %c0_i32 = arith.constant 0 : i32
    %c0_i32_0 = arith.constant 0 : i32
    %c0_i32_1 = arith.constant 0 : i32
    return %arg0, %c0_i32, %c0_i32_0 : i32, i32, i32
  }
  func.func @transform_2(%arg0: i32) -> (i32, i32) {
    %c0_i32 = arith.constant 0 : i32
    %c0_i32_0 = arith.constant 0 : i32
    %c0_i32_1 = arith.constant 0 : i32
    return %c0_i32, %c0_i32_0 : i32, i32
  }
  func.func @transform_3(%arg0: i32) -> (i32, i32) {
    %c0_i32 = arith.constant 0 : i32
    %c0_i32_0 = arith.constant 0 : i32
    %c0_i32_1 = arith.constant 0 : i32
    return %c0_i32, %c0_i32_0 : i32, i32
  }
  func.func @transform_4(%arg0: i32) -> (i32, i32) {
    %c0_i32 = arith.constant 0 : i32
    %c0_i32_0 = arith.constant 0 : i32
    return %arg0, %c0_i32 : i32, i32
  }
}

module attributes {stable_mosaic.version = 14 : i64} {
  func.func @_fin_body(%arg0: i32, %arg1: memref<2x2000x128xf32, #tpu.memory_space<vmem>>, %arg2: memref<1x2000x2xf32, #tpu.memory_space<vmem>>, %arg3: memref<1x128xf32, #tpu.memory_space<vmem>>, %arg4: memref<2000x128xf32, #tpu.memory_space<vmem>>) attributes {dimension_semantics = [#tpu.dimension_semantics<arbitrary>], iteration_bounds = array<i64: 5>, scalar_prefetch = 0 : i64, scratch_operands = 0 : i64, tpu.core_type = #tpu.core_type<tc>, window_params = [{transform_indices = @transform_0, window_bounds = array<i64: 2, 2000, 128>}, {transform_indices = @transform_1, window_bounds = array<i64: 1, 2000, 2>}, {pipeline_mode = #tpu.pipeline_mode<synchronous>, transform_indices = @transform_2, window_bounds = array<i64: 1, 128>}, {transform_indices = @transform_3, window_bounds = array<i64: 2000, 128>}]} {
    %get3A = arith.constant 0 : index
    %get3A_0 = arith.constant 0 : index
    %get3A_1 = arith.constant 0 : index
    %get3A_2 = vector.load %arg1[%get3A, %get3A_0, %get3A_1] : memref<2x2000x128xf32, #tpu.memory_space<vmem>>, vector<1x2000x128xf32>
    %get3A_3 = vector.shape_cast %get3A_2 : vector<1x2000x128xf32> to vector<2000x128xf32>
    %get3A_4 = arith.constant 1 : index
    %get3A_5 = arith.constant 0 : index
    %get3A_6 = arith.constant 0 : index
    %get3A_7 = vector.load %arg1[%get3A_4, %get3A_5, %get3A_6] : memref<2x2000x128xf32, #tpu.memory_space<vmem>>, vector<1x2000x128xf32>
    %get3A_8 = vector.shape_cast %get3A_7 : vector<1x2000x128xf32> to vector<2000x128xf32>
    %add3A = arith.addf %get3A_3, %get3A_8 : vector<2000x128xf32>
    %get3A_9 = arith.constant 0 : index
    %get3A_10 = arith.constant 0 : index
    %get3A_11 = arith.constant 0 : index
    %get3A_12 = vector.load %arg2[%get3A_9, %get3A_10, %get3A_11] : memref<1x2000x2xf32, #tpu.memory_space<vmem>>, vector<1x2000x2xf32>
    %get3A_13 = vector.shape_cast %get3A_12 : vector<1x2000x2xf32> to vector<2000x2xf32>
    %slice3A = vector.extract_strided_slice %get3A_13 {offsets = [0, 1], sizes = [2000, 1], strides = [1, 1]} : vector<2000x2xf32> to vector<2000x1xf32>
    %gt3A = arith.constant 0.000000e+00 : f32
    %gt3A_14 = vector.broadcast %gt3A : f32 to vector<2000x1xf32>
    %gt3A_15 = arith.cmpf ogt, %slice3A, %gt3A_14 : vector<2000x1xf32>
    %jit3A = arith.constant 1.000000e+00 : f32
    %broadcast_in_dim3A = vector.broadcast %jit3A : f32 to vector<2000x1xf32>
    %select_n3A = arith.select %gt3A_15, %slice3A, %broadcast_in_dim3A : vector<2000x1xi1>, vector<2000x1xf32>
    %rsqrt3A = math.rsqrt %select_n3A : vector<2000x1xf32>
    %mul3A = vector.broadcast %rsqrt3A : vector<2000x1xf32> to vector<2000x128xf32>
    %mul3A_16 = arith.mulf %add3A, %mul3A : vector<2000x128xf32>
    %get3A_17 = arith.constant 0 : index
    %get3A_18 = arith.constant 0 : index
    %get3A_19 = vector.load %arg3[%get3A_17, %get3A_18] : memref<1x128xf32, #tpu.memory_space<vmem>>, vector<1x128xf32>
    %add3A_20 = vector.broadcast %get3A_19 : vector<1x128xf32> to vector<2000x128xf32>
    %add3A_21 = arith.addf %mul3A_16, %add3A_20 : vector<2000x128xf32>
    %swap3A = arith.constant 0 : index
    %swap3A_22 = arith.constant 0 : index
    %swap3A_23 = vector.load %arg4[%swap3A, %swap3A_22] : memref<2000x128xf32, #tpu.memory_space<vmem>>, vector<2000x128xf32>
    tpu.vector_store %arg4[%swap3A, %swap3A_22], %add3A_21 {strides = array<i32>} : memref<2000x128xf32, #tpu.memory_space<vmem>>, vector<2000x128xf32>,
    return
  }
  func.func @transform_0(%arg0: i32) -> (i32, i32, i32) {
    %c0_i32 = arith.constant 0 : i32
    %c0_i32_0 = arith.constant 0 : i32
    %c0_i32_1 = arith.constant 0 : i32
    return %c0_i32, %arg0, %c0_i32_0 : i32, i32, i32
  }
  func.func @transform_1(%arg0: i32) -> (i32, i32, i32) {
    %c0_i32 = arith.constant 0 : i32
    %c0_i32_0 = arith.constant 0 : i32
    %c0_i32_1 = arith.constant 0 : i32
    return %arg0, %c0_i32, %c0_i32_0 : i32, i32, i32
  }
  func.func @transform_2(%arg0: i32) -> (i32, i32) {
    %c0_i32 = arith.constant 0 : i32
    %c0_i32_0 = arith.constant 0 : i32
    %c0_i32_1 = arith.constant 0 : i32
    return %c0_i32, %c0_i32_0 : i32, i32
  }
  func.func @transform_3(%arg0: i32) -> (i32, i32) {
    %c0_i32 = arith.constant 0 : i32
    %c0_i32_0 = arith.constant 0 : i32
    return %arg0, %c0_i32 : i32, i32
  }
}

</mosaic_0001>

<sc_bundles>
// kernel: kernel.11.cloned.1.call-start
scs
__scs_entry_jumppad:
0x0: {  	(pc) =	sbr.rel $0x88, $3  }
0x1: {  	(tag) =	ssettag $0x0;
	lr =	simm.s32 $0x1  }
0x2: {  	[smem:$0x3F9B] =	sst lr;
	_ =	strace $0xD0000000  }
0x3: {  	_ = 	snop  }
0x4: {  	_ = 	snop  }
0x5: {  	_ = 	snop  }
0x6: {  	_ = 	snop  }
0x7: {  	_ = 	snop  }
__scs_overlays_trampoline_lowered:
0x8: {  	[smem:$0x3FAA] =	sst s0  }
0x9: {  	[smem:$0x3FAB] =	sst s1  }
0xa: {  	[smem:$0x3FAC] =	sst s2  }
0xb: {  	[smem:$0x3FAD] =	sst s3  }
0xc: {  	[smem:$0x3FAE] =	sst s4  }
0xd: {  	[smem:$0x3FAF] =	sst s5  }
0xe: {  	[smem:$0x3FB0] =	sst s6  }
0xf: {  	[smem:$0x3FB1] =	sst s7  }
0x10: {  	[smem:$0x3FB2] =	sst s8  }
0x11: {  	[smem:$0x3FB3] =	sst s9;
	s0 =	simm.s32 @!p0 $0x0  }
0x12: {  	s1 =	sld [smem:$0x3F99];
	s0 =	simm.s32 @p0 $0x1  }
0x13: {  	[smem:$0x3FB4] =	sst s0;
	s0 =	simm.s32 @!p1 $0x0  }
0x14: {  	s2 =	sld [smem:$0x3F98];
	s0 =	simm.s32 @p1 $0x1  }
0x15: {  	[smem:$0x3FB5] =	sst s0;
	s0 =	simm.s32 @!p2 $0x0  }
0x16: {  	s3 =	sld [smem:$0x3FDB];
	s0 =	simm.s32 @p2 $0x1  }
0x17: {  	s4 =	simm.s32 $0x1BF5;
	[smem:$0x3FB7] =	sst s0  }
0x18: {  	s0 =	sld [smem:$0x3F9A];
	_ =	swait.ge [sflag:s4], $0x0  }
0x19: {  	s7 =	sld [smem:$0x3F9B]  }
0x1a: {  	s8 =	sadd.s32 $0xFFFFE003, lr  }
0x1b: {  	s9 =	sadd.s32 $0xFFFFFEF7, lr;
	s5 =	simm.s32 $0xFFFFFFFF;
	p2 =	slt.u32 s8, $0xFFFFF086  }
0x1c: {  	p1 =	slt.u32 s9, $0xF7A;
	s5 =	simm.s32 @!p2 $0x0  }
0x1d: {  	s5 =	simm.s32 @p1 $0x1;
	p0 =	seq.s32 s7, s2  }
0x1e: {  	s7 =	smul.u32 @!p0 $0xF7A, s2;
	p2 =	seq.s32 @!p0 s5, $0x0  }
0x1f: {  	s9 =	smul.u32 $0xF7A, s1;
	s8 =	simm.s32 @!p0 $0x1BF5;
	p2 =	por !p2, p0  }
0x20: {  	[sflag:s8] =	ssyncset.s32 @!p0 $0xFFFFF086;
	s6 =	sadd.s32 @!p0 s3, s7;
	s7 =	simm.s32 @!p0 $0x108  }
0x21: {  	s3 =	sadd.s32 s3, s9;
	s6 =	sadd.s32 @!p0 $0x88, s6;
	s7 =	simm.s32 @p2 $0x1082  }
0x22: {  	[simem:s7], [sflag:s8] =	dma.local @!p0 [hbm:s6], $0xF7A  }
0x23: {  	s9 =	sor.u32 $0xD0000000, s2;
	s6 =	simm.s32 $0x108;
	_ =	swait.ge @!p0 [sflag:s8], $0x0  }
0x24: {  	s3 =	sadd.s32 $0x88, s3;
	s6 =	simm.s32 @!p1 $0x1082;
	[sflag:s4] =	ssyncset.s32 $0xFFFFF086  }
0x25: {  	[simem:s6], [sflag:s4] =	dma.local [hbm:s3], $0xF7A  }
0x26: {  	[smem:$0x3F9B] =	sst s1;
	(tag) =	ssettag s2;
	_ =	strace s9  }
0x27: {  	s1 =	sld [smem:$0x3FAB]  }
0x28: {  	s2 =	sld [smem:$0x3FAC]  }
0x29: {  	s4 =	sld [smem:$0x3FAE]  }
0x2a: {  	p0 =	seq.s32 s5, $0x0;
	s5 =	sld [smem:$0x3FAF]  }
0x2b: {  	s6 =	sld [smem:$0x3FB0]  }
0x2c: {  	s7 =	sld [smem:$0x3FB1]  }
0x2d: {  	s3 =	simm.s32 $0x108;
	s8 =	sld [smem:$0x3FB2]  }
0x2e: {  	s3 =	simm.s32 @!p0 $0x1082;
	s9 =	sld [smem:$0x3FB3]  }
0x2f: {  	lr =	sadd.s32 s0, s3;
	s0 =	sld [smem:$0x3FAA]  }
0x30: {  	s3 =	sld [smem:$0x3FAD]  }
0x31: {  	[smem:$0x3FB6] =	sst s10  }
0x32: {  	s10 =	sld [smem:$0x3FB4];
	_ =	sdelay $0x3  }
0x33: {  	p0 =	seq.s32 s10, $0x1;
	s10 =	sld [smem:$0x3FB6];
	_ =	sdelay $0x3  }
0x34: {  	[smem:$0x3FB6] =	sst s10  }
0x35: {  	s10 =	sld [smem:$0x3FB5];
	_ =	sdelay $0x3  }
0x36: {  	p1 =	seq.s32 s10, $0x1;
	s10 =	sld [smem:$0x3FB6];
	_ =	sdelay $0x3  }
0x37: {  	[smem:$0x3FB6] =	sst s10  }
0x38: {  	s10 =	sld [smem:$0x3FB7]  }
0x39: {  	_ = 	snop;
	(pc) =	sbr.ind lr, $3  }
0x3a: {  	_ = 	snop  }
0x3b: {  	_ = 	snop  }
0x3c: {  	p2 =	seq.s32 s10, $0x1;
	s10 =	sld [smem:$0x3FB6]  }
0x3d: {  	_ =	shalt  }
0x3e: {  	_ =	shalt  }
0x3f: {  	_ =	shalt  }
0x40: {  	_ =	shalt  }
0x41: {  	_ =	shalt  }
0x42: {  	_ =	shalt  }
0x43: {  	_ =	shalt  }
0x44: {  	_ =	shalt  }
0x45: {  	_ =	shalt  }
0x46: {  	_ =	shalt  }
0x47: {  	_ =	shalt  }
0x48: {  	_ =	shalt  }
0x49: {  	_ =	shalt  }
0x4a: {  	_ =	shalt  }
0x4b: {  	_ =	shalt  }
0x4c: {  	_ =	shalt  }
0x4d: {  	_ =	shalt  }
0x4e: {  	_ =	shalt  }
0x4f: {  	_ =	shalt  }
0x50: {  	_ =	shalt  }
0x51: {  	_ =	shalt  }
0x52: {  	_ =	shalt  }
0x53: {  	_ =	shalt  }
0x54: {  	_ =	shalt  }
0x55: {  	_ =	shalt  }
0x56: {  	_ =	shalt  }
0x57: {  	_ =	shalt  }
0x58: {  	_ =	shalt  }
0x59: {  	_ =	shalt  }
0x5a: {  	_ =	shalt  }
0x5b: {  	_ =	shalt  }
0x5c: {  	_ =	shalt  }
0x5d: {  	_ =	shalt  }
0x5e: {  	_ =	shalt  }
0x5f: {  	_ =	shalt  }
0x60: {  	_ =	shalt  }
0x61: {  	_ =	shalt  }
0x62: {  	_ =	shalt  }
0x63: {  	_ =	shalt  }
0x64: {  	_ =	shalt  }
0x65: {  	_ =	shalt  }
0x66: {  	_ =	shalt  }
0x67: {  	_ =	shalt  }
0x68: {  	_ =	shalt  }
0x69: {  	_ =	shalt  }
0x6a: {  	_ =	shalt  }
0x6b: {  	_ =	shalt  }
0x6c: {  	_ =	shalt  }
0x6d: {  	_ =	shalt  }
0x6e: {  	_ =	shalt  }
0x6f: {  	_ =	shalt  }
0x70: {  	_ =	shalt  }
0x71: {  	_ =	shalt  }
0x72: {  	_ =	shalt  }
0x73: {  	_ =	shalt  }
0x74: {  	_ =	shalt  }
0x75: {  	_ =	shalt  }
0x76: {  	_ =	shalt  }
0x77: {  	_ =	shalt  }
0x78: {  	_ =	shalt  }
0x79: {  	_ =	shalt  }
0x7a: {  	_ =	shalt  }
0x7b: {  	_ =	shalt  }
0x7c: {  	_ =	shalt  }
0x7d: {  	_ =	shalt  }
0x7e: {  	_ =	shalt  }
0x7f: {  	_ =	shalt  }
0x80: {  	_ =	shalt  }
0x81: {  	_ =	shalt  }
0x82: {  	_ =	shalt  }
0x83: {  	_ =	shalt  }
0x84: {  	_ =	shalt  }
0x85: {  	_ =	shalt  }
0x86: {  	_ =	shalt  }
0x87: {  	_ =	shalt  }
.Lfunc_end0:
.L_simem_size_0:
called_computation.1_lowered:
.L_overlay_start_0:
0x88: {  	s2 =	sld [smem:$0x3FD9]  }
0x89: {  	s3 =	sld [smem:$0x3FFE];
	_ =	sdelay $0x1  }
0x8a: {  	s1 =	srdreg.scid  }
0x8b: {  	s0 =	sand.u32 $0x1, s1  }
0x8c: {  	s16 =	sshll.u32 s0, $0xA;
	s2 =	sadd.s32 s3, s2  }
0x8d: {  	s2 =	sadd.s32 s2, s16  }
0x8e: {  	[smem:$0x3FC2] =	sst s2  }
0x8f: {  	_ = 	snop  }
0x90: {  	(tm) =	ssettm $0x1  }
0x91: {  	s17 =	sld [smem:$0x3FFB];
	_ =	sdelay $0x3  }
0x92: {  	_ =	strace s17  }
0x93: {  	s2 =	sld [smem:$0x3FFC];
	_ =	sdelay $0x3  }
0x94: {  	_ =	strace s2  }
0x95: {  	s2 =	sld [smem:$0x3FFD];
	_ =	sdelay $0x3  }
0x96: {  	_ =	strace s2  }
0x97: {  	_ =	strace $0x8FFFFFFF  }
0x98: {  	s18 =	sld [smem:$0x3FDB];
	_ =	sdelay $0x1  }
0x99: {  	s19 =	simm.s32 $_scs_section_size  }
0x9a: {  	s4 =	simm.s32 $_size__tile_overlayer_lowered;
	s5 =	simm.s32 $_tile_overlayer_lowered  }
0x9b: {  	s22 =	simm.s32 $0x1BFF;
	s21 =	sshll.u32 s5, $0x1;
	s2 =	sadd.s32 s19, s18  }
0x9c: {  	s6 =	simm.s32 $0x0;
	s20 =	sshll.u32 s4, $0x1;
	s4 =	sadd.s32 s21, s2  }
0x9d: {  	[timem:s6], [sflag:s22] =	dma.local [hbm:s4], s20  }
0x9e: {  	_ =	swait.ge [sflag:s22], s20  }
0x9f: {  	s3 =	ssub.s32 $0x0, s20;
	[sflag:s22] =	ssyncset.done $0x0  }
0xa0: {  	[sflag:s22] =	ssyncadd.s32 s3;
	_ =	sdelay $0x1  }
0xa1: {  	s23 =	simm.s32 $0x1B8B  }
0xa2: {  	_ =	swait.ge [sflag:s23], $0x1  }
0xa3: {  	[sflag:s23] =	ssyncset.done $0x0  }
0xa4: {  	s25 =	simm.s32 $0x1B8E;
	s24 =	sld [smem:$0x3FFE];
	[sflag:s23] =	ssyncadd.s32 $0xFFFFFFFF  }
0xa5: {  	s26 =	simm.s32 $execute0_lowered;
	[smem:$0x3FD2] =	sst s25  }
0xa6: {  	s4 =	sshll.u32 s26, $0x1;
	_ =	strace $0x80000049;
	[dreg:$0x1] =	wrdreg $0xFFFFFFFF  }
0xa7: {  	s28 =	simm.s32 $_size_execute0_lowered;
	s2 =	sadd.s32 s2, s4;
	[dreg:$0x0] =	wrdreg $0x0  }
0xa8: {  	s4 =	sshll.u32 s28, $0x1;
	[dreg:$0x2] =	wrdreg s2  }
0xa9: {  	[dreg:$0x3] =	wrdreg s4  }
0xaa: {  	[dreg:$0x4] =	wrdreg $0xC0  }
0xab: {  	_ =	task [dreg:s6], $0x5FFFF  }
0xac: {  	[dreg:$0x1] =	wrdreg $0xFFFFFFFF  }
0xad: {  	[dreg:$0x0] =	wrdreg $0x60  }
0xae: {  	[dreg:$0x2] =	wrdreg s24  }
0xaf: {  	[dreg:$0x3] =	wrdreg $0xAA000  }
0xb0: {  	[dreg:$0x4] =	wrdreg $0x9  }
0xb1: {  	_ =	task.clear_ibuf [dreg:s6], $0x5FFFF;
	_ =	strace $0x90000049  }
0xb2: {  	s29 =	simm.s32 $0x9;
	_ =	strace $0x8000004B  }
0xb3: {  	_ =	swait.ge [sflag:s29], $0x1  }
0xb4: {  	[sflag:s29] =	ssyncadd.s32 $0xFFFFFFFF  }
0xb5: {  	_ =	strace $0x9000004B  }
0xb6: {  	_ =	sfence  }
0xb7: {  	s30 =	sld [smem:$0x0];
	_ =	sdelay $0x2  }
0xb8: {  	s31 =	sshll.u32 s1, $0xD;
	s1 =	sshrl.u32 s1, $0x2  }
0xb9: {  	s3 =	sand.u32 $0x4000, s31;
	s1 =	sadd.s32 s1, s30  }
0xba: {  	s0 =	sor.u32 s3, s0;
	s1 =	sshll.u32 s1, $0x11  }
0xbb: {  	s0 =	sor.u32 s1, s0  }
0xbc: {  	s0 =	sadd.s32 $0x8F2B, s0  }
0xbd: {  	[sflag:s0] =	ssyncadd.remote.s32 $0x1  }
0xbe: {  	_ =	sfence.sel $0xFFFF  }
0xbf: {  	[dreg:$0x0] =	wrdreg $0xFFFFFFFF;
	(pc) =	sbr.abs _section_cstart, $3  }
0xc0: {  	[dreg:$0x1] =	wrdreg $0xFFFFFFFF  }
0xc1: {  	_ =	task.clear_ibuf [dreg:s6], $0x2FFFF;
	_ =	strace $0x9FFFFFFF  }
0xc2: {  	(tm) =	ssettm $0x7FFFFFFF  }
0xc3: {  	_ =	shalt  }
tec
execute0_lowered:
.L_overlay_start_1:
0x0: {  	(tag) =	ssettag $0x1  }
0x1: {  	s0 =	rddreg [dreg:$0x0]  }
0x2: {  	s2 =	rddreg [dreg:$0x1]  }
0x3: {  	s1 =	srdreg.scid;
	s9 =	stileid.u32;
	s3 =	simm.s32 $0x0  }
0x4: {  	s14 =	simm.s32 $0x5;
	s15 =	simm.s32 $0x2A00;
	s16 =	simm.s32 $0x2800  }
0x5: {  	s18 =	simm.s32 $0x2900;
	s19 =	simm.s32 $0x80;
	s21 =	simm.s32 $0x6A00  }
0x6: {  	s22 =	simm.s32 $0x3;
	s23 =	simm.s32 $0x1;
	s5 =	smul.u32 $0x2800, s9  }
0x7: {  	s24 =	simm.s32 $0x2;
	s28 =	simm.s32 $0x2980;
	s8 =	smul.u32 $0x13C00, s9  }
0x8: {  	s1 =	sand.u32 $0x1, s1;
	[smem:$0x7FF] =	sst s3;
	s9 =	smul.u32 $0x4F000, s9  }
0x9: {  	s4 =	sadd.s32 $0x11200, s0;
	s6 =	smul.u32 $0x28000, s1;
	_ =	strace $0x8000004A  }
0xa: {  	s7 =	smul.u32 $0x13C000, s1;
	s1 =	ssub.s32 $0x2, s1;
	s26 =	sshrl.u32 s9, $0x2  }
0xb: {  	s29 =	sshrl.u32 s1, $0x1;
	s6 =	sadd.s32 s5, s6;
	s5 =	sshrl.u32 s5, $0x3  }
0xc: {  	s25 =	sadd.s32 s8, s7;
	s1 =	ssub.s32 s1, s29;
	s6 =	sshrl.u32 s6, $0x3  }
0xd: {  	s10 =	sadd.s32 s5, s0;
	s5 =	sshrl.u32 s25, $0x3;
	s25 =	simm.s32 $0x2880  }
0xe: {  	s6 =	sadd.s32 s6, s0;
	s0 =	sadd.s32 s5, s0;
	s5 =	sadd.s32 s26, s2  }
0xf: {  	s8 =	sadd.s32 $0x2200, s10;
	s10 =	smax.u32 s1, $0x1;
	s26 =	simm.s32 $0x4  }
0x10: {  	s6 =	sadd.s32 $0x7200, s6;
	s31 =	sadd.s32 $0x10000, s5;
	s0 =	sadd.s32 $0x5F400, s0  }
0x11: {  	s11 =	sadd.s32 $0x4000, s5;
	s12 =	sadd.s32 $0x8000, s5;
	[dreg:$0x3] =	wrdreg s6  }
0x12: {  	s13 =	sadd.s32 $0xC000, s5;
	s17 =	sadd.s32 $0x20, s8;
	[dreg:$0x4] =	wrdreg s31  }
0x13: {  	v0 =	vimm.f32 $0.0e+00;
	s30 =	sadd.s32 $0x60, s8;
	[dreg:$0x5] =	wrdreg s0;
	s0 =	simm.s32 $0x0  }
.LBB2_1:
0x14: {  	s1 =	rddreg [dreg:$0x3]  }
0x15: {  	[tilespmem:s3], [sflag:$0x5] =	stream.linear.gather [hbm4b:s1+s3], $0x2800, $0x38;
	[tilespmem:$0x1E600] =	vst v63  }
0x16: {  	_ =	swait.ge [sflag:s14], $0x2800  }
0x17: {  	[sflag:s14] =	ssyncset.done $0x0  }
0x18: {  	s6 =	simm.s32 $0x200;
	s1 =	simm.s32 $0x0;
	[sflag:s14] =	ssyncadd.s32 $0xFFFFD800  }
.LBB2_2:
0x19: {  	p0 =	sne.s32 s6, $0xFE00;
	[tilespmem:s1+$0x2A70] =	vst v0  }
0x1a: {  	[tilespmem:s1+$0x2A00] =	vst v0  }
0x1b: {  	[tilespmem:s1+$0x2A10] =	vst v0  }
.Ltmp0:
0x1c: {  	[tilespmem:s1+$0x2A20] =	vst v0;
	(pc) =	sbr.rel @p0 .LBB2_2-.Ltmp0, $4  }
0x1d: {  	[tilespmem:s1+$0x2A30] =	vst v0  }
0x1e: {  	[tilespmem:s1+$0x2A40] =	vst v0  }
0x1f: {  	[tilespmem:s1+$0x2A50] =	vst v0  }
0x20: {  	[tilespmem:s1+$0x2A60] =	vst v0;
	s1 =	sshra.s32 s6, $0x2;
	s6 =	sadd.s32 $0x200, s6  }
0x21: {  	[tilespmem:s1+$0x2A70] =	vst v0  }
0x22: {  	[tilespmem:s1+$0x2A00] =	vst v0  }
0x23: {  	[tilespmem:s1+$0x2A10] =	vst v0  }
0x24: {  	[tilespmem:s1+$0x2A20] =	vst v0  }
0x25: {  	[tilespmem:s1+$0x2A30] =	vst v0  }
0x26: {  	[tilespmem:s1+$0x2A40] =	vst v0  }
0x27: {  	[tilespmem:s1+$0x2A50] =	vst v0  }
0x28: {  	[tilespmem:s1+$0x2A60] =	vst v0  }
0x29: {  	[spmem:s5] =	stream.linear.scatter [tilespmem:s15], [sflag:$0x5], $0x4000, $0x38;
	[tilespmem:$0x1E600] =	vst v63  }
0x2a: {  	_ =	swait.ge [sflag:s14], $0x4000  }
0x2b: {  	[sflag:s14] =	ssyncset.done $0x0  }
0x2c: {  	[sflag:s14] =	ssyncadd.s32 $0xFFFFC000  }
0x2d: {  	[spmem:s11] =	stream.linear.scatter [tilespmem:s15], [sflag:$0x5], $0x4000, $0x38;
	[tilespmem:$0x1E600] =	vst v63  }
0x2e: {  	_ =	swait.ge [sflag:s14], $0x4000  }
0x2f: {  	[sflag:s14] =	ssyncset.done $0x0  }
0x30: {  	[sflag:s14] =	ssyncadd.s32 $0xFFFFC000  }
0x31: {  	[spmem:s12] =	stream.linear.scatter [tilespmem:s15], [sflag:$0x5], $0x4000, $0x38;
	[tilespmem:$0x1E600] =	vst v63  }
0x32: {  	_ =	swait.ge [sflag:s14], $0x4000  }
0x33: {  	[sflag:s14] =	ssyncset.done $0x0  }
0x34: {  	[sflag:s14] =	ssyncadd.s32 $0xFFFFC000  }
0x35: {  	[spmem:s13] =	stream.linear.scatter [tilespmem:s15], [sflag:$0x5], $0x4000, $0x38;
	[tilespmem:$0x1E600] =	vst v63  }
0x36: {  	_ =	swait.ge [sflag:s14], $0x4000  }
0x37: {  	[sflag:s14] =	ssyncset.done $0x0  }
0x38: {  	s7 =	rddreg [dreg:$0x4];
	[sflag:s14] =	ssyncadd.s32 $0xFFFFC000  }
0x39: {  	[spmem:s7] =	stream.linear.scatter [tilespmem:s15], [sflag:$0x5], $0x3C00, $0x38;
	[tilespmem:$0x1E600] =	vst v63  }
0x3a: {  	_ =	swait.ge [sflag:s14], $0x3C00  }
0x3b: {  	[sflag:s14] =	ssyncset.done $0x0  }
0x3c: {  	[sflag:s14] =	ssyncadd.s32 $0xFFFFC400  }
0x3d: {  	s9 =	simm.s32 $0x0;
	[bflag:$0x0] =	sbarrier.arrive $0xFFFF  }
0x3e: {  	[tilespmem:s16], [sflag:$0x3] =	stream.linear.gather [hbm4b:s8+s9], $0x100, $0x38;
	[tilespmem:$0x1E600] =	vst v63  }
0x3f: {  	_ = 	snop  }
0x40: {  	[tilespmem:s18], [sflag:$0x4] =	stream.linear.gather [hbm4b:s17+s9], $0x100, $0x38;
	[tilespmem:$0x1E600] =	vst v63  }
0x41: {  	_ = 	snop  }
0x42: {  	[tilespmem:s15], [sflag:$0x1] =	stream.indirect.gather [hbm4b:s4+s19], $0x80, s9, s19, $0xb8;
	[tilespmem:$0x1E600] =	vst v63  }
0x43: {  	s20 =	simm.s32 $0x80  }
0x44: {  	[tilespmem:s21], [sflag:$0x2] =	stream.indirect.gather [hbm4b:s4+s19], $0x80, s20, s19, $0xb8;
	[tilespmem:$0x1E600] =	vst v63  }
0x45: {  	_ =	swait.ge [sflag:s22], $0x100  }
0x46: {  	[sflag:s22] =	ssyncset.done $0x0  }
0x47: {  	[sflag:s22] =	ssyncadd.s32 $0xFFFFFF00  }
0x48: {  	_ =	swait.ge [sflag:s23], $0x4000  }
0x49: {  	[sflag:s23] =	ssyncset.done $0x0  }
0x4a: {  	[sflag:s23] =	ssyncadd.s32 $0xFFFFC000  }
0x4b: {  	[spmem:s2] =	stream.indirect.scatter.add.f32 [tilespmem:s15], [sflag:$0x5], $0x80, s16, s19, $0xb8;
	[tilespmem:$0x1E600] =	vst v63  }
0x4c: {  	_ =	swait.ge [sflag:s14], $0x4000  }
0x4d: {  	[sflag:s14] =	ssyncset.done $0x0  }
0x4e: {  	s6 =	simm.s32 $0x100;
	[sflag:s14] =	ssyncadd.s32 $0xFFFFC000  }
0x4f: {  	[tilespmem:s15], [sflag:$0x1] =	stream.indirect.gather [hbm4b:s4+s19], $0x80, s6, s19, $0xb8;
	[tilespmem:$0x1E600] =	vst v63  }
0x50: {  	_ =	swait.ge [sflag:s24], $0x4000  }
0x51: {  	[sflag:s24] =	ssyncset.done $0x0  }
0x52: {  	[sflag:s24] =	ssyncadd.s32 $0xFFFFC000  }
0x53: {  	[spmem:s2] =	stream.indirect.scatter.add.f32 [tilespmem:s21], [sflag:$0x5], $0x80, s25, s19, $0xb8;
	[tilespmem:$0x1E600] =	vst v63  }
0x54: {  	_ =	swait.ge [sflag:s14], $0x4000  }
0x55: {  	[sflag:s14] =	ssyncset.done $0x0  }
0x56: {  	s7 =	sadd.s32 $0xFFFFFFE0, s30;
	[sflag:s14] =	ssyncadd.s32 $0xFFFFC000  }
0x57: {  	[tilespmem:s16], [sflag:$0x3] =	stream.linear.gather [hbm4b:s7+s3], $0x100, $0x38;
	[tilespmem:$0x1E600] =	vst v63  }
0x58: {  	s9 =	simm.s32 $0x180  }
0x59: {  	[tilespmem:s21], [sflag:$0x2] =	stream.indirect.gather [hbm4b:s4+s19], $0x80, s9, s19, $0xb8;
	[tilespmem:$0x1E600] =	vst v63  }
0x5a: {  	_ =	swait.ge [sflag:s26], $0x100  }
0x5b: {  	[sflag:s26] =	ssyncset.done $0x0  }
0x5c: {  	[sflag:s26] =	ssyncadd.s32 $0xFFFFFF00  }
0x5d: {  	_ =	swait.ge [sflag:s23], $0x4000  }
0x5e: {  	[sflag:s23] =	ssyncset.done $0x0  }
0x5f: {  	[sflag:s23] =	ssyncadd.s32 $0xFFFFC000  }
0x60: {  	[spmem:s2] =	stream.indirect.scatter.add.f32 [tilespmem:s15], [sflag:$0x5], $0x80, s18, s19, $0xb8;
	[tilespmem:$0x1E600] =	vst v63  }
0x61: {  	_ =	swait.ge [sflag:s14], $0x4000  }
0x62: {  	[sflag:s14] =	ssyncset.done $0x0  }
0x63: {  	s20 =	simm.s32 $0x200;
	[sflag:s14] =	ssyncadd.s32 $0xFFFFC000  }
0x64: {  	[tilespmem:s15], [sflag:$0x1] =	stream.indirect.gather [hbm4b:s4+s19], $0x80, s20, s19, $0xb8;
	[tilespmem:$0x1E600] =	vst v63  }
0x65: {  	_ =	swait.ge [sflag:s24], $0x4000  }
0x66: {  	[sflag:s24] =	ssyncset.done $0x0  }
0x67: {  	[sflag:s24] =	ssyncadd.s32 $0xFFFFC000  }
0x68: {  	[spmem:s2] =	stream.indirect.scatter.add.f32 [tilespmem:s21], [sflag:$0x5], $0x80, s28, s19, $0xb8;
	[tilespmem:$0x1E600] =	vst v63  }
0x69: {  	_ =	swait.ge [sflag:s14], $0x4000  }
0x6a: {  	s29 =	simm.s32 $0x200;
	s31 =	simm.s32 $0x1000;
	[sflag:s14] =	ssyncset.done $0x0  }
0x6b: {  	s1 =	sadd.s32 $0x40, s30;
	s20 =	smov.u32 s30;
	[sflag:s14] =	ssyncadd.s32 $0xFFFFC000  }
.LBB2_4:
0x6c: {  	[tilespmem:s18], [sflag:$0x4] =	stream.linear.gather [hbm4b:s20+s3], $0x100, $0x38;
	[tilespmem:$0x1E600] =	vst v63  }
0x6d: {  	s6 =	smov.u32 s31;
	s20 =	smov.u32 s1  }
0x6e: {  	s7 =	sadd.s32 $0x800, s31;
	s9 =	sadd.s32 $0x80, s29;
	s6 =	sshra.s32 s6, $0x2  }
0x6f: {  	[tilespmem:s21], [sflag:$0x2] =	stream.indirect.gather [hbm4b:s4+s19], $0x80, s9, s19, $0xb8;
	[tilespmem:$0x1E600] =	vst v63  }
0x70: {  	p0 =	sne.s32 s31, $0x9000;
	_ =	swait.ge [sflag:s22], $0x100  }
0x71: {  	[sflag:s22] =	ssyncset.done $0x0  }
0x72: {  	[sflag:s22] =	ssyncadd.s32 $0xFFFFFF00  }
0x73: {  	_ =	swait.ge [sflag:s23], $0x4000  }
0x74: {  	[sflag:s23] =	ssyncset.done $0x0  }
0x75: {  	[sflag:s23] =	ssyncadd.s32 $0xFFFFC000  }
0x76: {  	[spmem:s2] =	stream.indirect.scatter.add.f32 [tilespmem:s15], [sflag:$0x5], $0x80, s16, s19, $0xb8;
	[tilespmem:$0x1E600] =	vst v63  }
0x77: {  	_ =	swait.ge [sflag:s14], $0x4000  }
0x78: {  	[sflag:s14] =	ssyncset.done $0x0  }
0x79: {  	s9 =	sadd.s32 $0x100, s29;
	[sflag:s14] =	ssyncadd.s32 $0xFFFFC000  }
0x7a: {  	[tilespmem:s15], [sflag:$0x1] =	stream.indirect.gather [hbm4b:s4+s19], $0x80, s9, s19, $0xb8;
	[tilespmem:$0x1E600] =	vst v63  }
0x7b: {  	_ =	swait.ge [sflag:s24], $0x4000  }
0x7c: {  	[sflag:s24] =	ssyncset.done $0x0  }
0x7d: {  	[sflag:s24] =	ssyncadd.s32 $0xFFFFC000  }
0x7e: {  	[spmem:s2] =	stream.indirect.scatter.add.f32 [tilespmem:s21], [sflag:$0x5], $0x80, s25, s19, $0xb8;
	[tilespmem:$0x1E600] =	vst v63  }
0x7f: {  	_ =	swait.ge [sflag:s14], $0x4000  }
0x80: {  	[sflag:s14] =	ssyncset.done $0x0  }
0x81: {  	s9 =	sadd.s32 $0xFFFFFFE0, s1;
	[sflag:s14] =	ssyncadd.s32 $0xFFFFC000  }
0x82: {  	[tilespmem:s16], [sflag:$0x3] =	stream.linear.gather [hbm4b:s9+s3], $0x100, $0x38;
	[tilespmem:$0x1E600] =	vst v63  }
0x83: {  	s9 =	sadd.s32 $0x180, s29  }
0x84: {  	[tilespmem:s21], [sflag:$0x2] =	stream.indirect.gather [hbm4b:s4+s19], $0x80, s9, s19, $0xb8;
	[tilespmem:$0x1E600] =	vst v63  }
0x85: {  	_ =	swait.ge [sflag:s26], $0x100  }
0x86: {  	[sflag:s26] =	ssyncset.done $0x0  }
0x87: {  	[sflag:s26] =	ssyncadd.s32 $0xFFFFFF00  }
0x88: {  	_ =	swait.ge [sflag:s23], $0x4000  }
0x89: {  	[sflag:s23] =	ssyncset.done $0x0  }
0x8a: {  	[sflag:s23] =	ssyncadd.s32 $0xFFFFC000  }
0x8b: {  	[spmem:s2] =	stream.indirect.scatter.add.f32 [tilespmem:s15], [sflag:$0x5], $0x80, s18, s19, $0xb8;
	[tilespmem:$0x1E600] =	vst v63  }
0x8c: {  	_ =	swait.ge [sflag:s14], $0x4000  }
0x8d: {  	[sflag:s14] =	ssyncset.done $0x0  }
0x8e: {  	s9 =	sadd.s32 $0x200, s29;
	s29 =	smov.u32 s6;
	[sflag:s14] =	ssyncadd.s32 $0xFFFFC000  }
0x8f: {  	[tilespmem:s15], [sflag:$0x1] =	stream.indirect.gather [hbm4b:s4+s19], $0x80, s9, s19, $0xb8;
	[tilespmem:$0x1E600] =	vst v63  }
0x90: {  	_ =	swait.ge [sflag:s24], $0x4000  }
0x91: {  	[sflag:s24] =	ssyncset.done $0x0  }
.Ltmp1:
0x92: {  	[sflag:s24] =	ssyncadd.s32 $0xFFFFC000;
	(pc) =	sbr.rel @p0 .LBB2_4-.Ltmp1, $4  }
0x93: {  	[spmem:s2] =	stream.indirect.scatter.add.f32 [tilespmem:s21], [sflag:$0x5], $0x80, s28, s19, $0xb8;
	[tilespmem:$0x1E600] =	vst v63  }
0x94: {  	_ =	swait.ge [sflag:s14], $0x4000  }
0x95: {  	[sflag:s14] =	ssyncset.done $0x0  }
0x96: {  	s31 =	smov.u32 s7;
	s1 =	sadd.s32 $0x40, s1;
	[sflag:s14] =	ssyncadd.s32 $0xFFFFC000  }
0x97: {  	[tilespmem:s18], [sflag:$0x4] =	stream.linear.gather [hbm4b:s20+s3], $0x100, $0x38;
	[tilespmem:$0x1E600] =	vst v63  }
0x98: {  	s6 =	sadd.s32 $0x80, s29  }
0x99: {  	[tilespmem:s21], [sflag:$0x2] =	stream.indirect.gather [hbm4b:s4+s19], $0x80, s6, s19, $0xb8;
	[tilespmem:$0x1E600] =	vst v63  }
0x9a: {  	_ =	swait.ge [sflag:s22], $0x100  }
0x9b: {  	[sflag:s22] =	ssyncset.done $0x0  }
0x9c: {  	[sflag:s22] =	ssyncadd.s32 $0xFFFFFF00  }
0x9d: {  	_ =	swait.ge [sflag:s23], $0x4000  }
0x9e: {  	[sflag:s23] =	ssyncset.done $0x0  }
0x9f: {  	[sflag:s23] =	ssyncadd.s32 $0xFFFFC000  }
0xa0: {  	[spmem:s2] =	stream.indirect.scatter.add.f32 [tilespmem:s15], [sflag:$0x5], $0x80, s16, s19, $0xb8;
	[tilespmem:$0x1E600] =	vst v63  }
0xa1: {  	_ =	swait.ge [sflag:s14], $0x4000  }
0xa2: {  	[sflag:s14] =	ssyncset.done $0x0  }
0xa3: {  	s7 =	sadd.s32 $0x100, s29;
	[sflag:s14] =	ssyncadd.s32 $0xFFFFC000  }
0xa4: {  	[tilespmem:s15], [sflag:$0x1] =	stream.indirect.gather [hbm4b:s4+s19], $0x80, s7, s19, $0xb8;
	[tilespmem:$0x1E600] =	vst v63  }
0xa5: {  	_ =	swait.ge [sflag:s24], $0x4000  }
0xa6: {  	[sflag:s24] =	ssyncset.done $0x0  }
0xa7: {  	[sflag:s24] =	ssyncadd.s32 $0xFFFFC000  }
0xa8: {  	[spmem:s2] =	stream.indirect.scatter.add.f32 [tilespmem:s21], [sflag:$0x5], $0x80, s25, s19, $0xb8;
	[tilespmem:$0x1E600] =	vst v63  }
0xa9: {  	_ =	swait.ge [sflag:s14], $0x4000  }
0xaa: {  	[sflag:s14] =	ssyncset.done $0x0  }
0xab: {  	s9 =	sadd.s32 $0xFFFFFFE0, s1;
	[sflag:s14] =	ssyncadd.s32 $0xFFFFC000  }
0xac: {  	[tilespmem:s16], [sflag:$0x3] =	stream.linear.gather [hbm4b:s9+s3], $0x100, $0x38;
	[tilespmem:$0x1E600] =	vst v63  }
0xad: {  	s20 =	sadd.s32 $0x180, s29  }
0xae: {  	[tilespmem:s21], [sflag:$0x2] =	stream.indirect.gather [hbm4b:s4+s19], $0x80, s20, s19, $0xb8;
	[tilespmem:$0x1E600] =	vst v63  }
0xaf: {  	_ =	swait.ge [sflag:s26], $0x100  }
0xb0: {  	[sflag:s26] =	ssyncset.done $0x0  }
0xb1: {  	[sflag:s26] =	ssyncadd.s32 $0xFFFFFF00  }
0xb2: {  	_ =	swait.ge [sflag:s23], $0x4000  }
0xb3: {  	[sflag:s23] =	ssyncset.done $0x0  }
0xb4: {  	[sflag:s23] =	ssyncadd.s32 $0xFFFFC000  }
0xb5: {  	[spmem:s2] =	stream.indirect.scatter.add.f32 [tilespmem:s15], [sflag:$0x5], $0x80, s18, s19, $0xb8;
	[tilespmem:$0x1E600] =	vst v63  }
0xb6: {  	_ =	swait.ge [sflag:s14], $0x4000  }
0xb7: {  	[sflag:s14] =	ssyncset.done $0x0  }
0xb8: {  	s31 =	sadd.s32 $0x200, s29;
	[sflag:s14] =	ssyncadd.s32 $0xFFFFC000  }
0xb9: {  	[tilespmem:s15], [sflag:$0x1] =	stream.indirect.gather [hbm4b:s4+s19], $0x80, s31, s19, $0xb8;
	[tilespmem:$0x1E600] =	vst v63  }
0xba: {  	_ =	swait.ge [sflag:s24], $0x4000  }
0xbb: {  	[sflag:s24] =	ssyncset.done $0x0  }
0xbc: {  	[sflag:s24] =	ssyncadd.s32 $0xFFFFC000  }
0xbd: {  	[spmem:s2] =	stream.indirect.scatter.add.f32 [tilespmem:s21], [sflag:$0x5], $0x80, s28, s19, $0xb8;
	[tilespmem:$0x1E600] =	vst v63  }
0xbe: {  	_ =	swait.ge [sflag:s14], $0x4000  }
0xbf: {  	[sflag:s14] =	ssyncset.done $0x0  }
0xc0: {  	[sflag:s14] =	ssyncadd.s32 $0xFFFFC000  }
0xc1: {  	[tilespmem:s18], [sflag:$0x4] =	stream.linear.gather [hbm4b:s1+s3], $0x100, $0x38;
	[tilespmem:$0x1E600] =	vst v63  }
0xc2: {  	s7 =	simm.s32 $0x2680  }
0xc3: {  	[tilespmem:s21], [sflag:$0x2] =	stream.indirect.gather [hbm4b:s4+s19], $0x80, s7, s19, $0xb8;
	[tilespmem:$0x1E600] =	vst v63  }
0xc4: {  	_ =	swait.ge [sflag:s22], $0x100  }
0xc5: {  	[sflag:s22] =	ssyncset.done $0x0  }
0xc6: {  	[sflag:s22] =	ssyncadd.s32 $0xFFFFFF00  }
0xc7: {  	_ =	swait.ge [sflag:s23], $0x4000  }
0xc8: {  	[sflag:s23] =	ssyncset.done $0x0  }
0xc9: {  	[sflag:s23] =	ssyncadd.s32 $0xFFFFC000  }
0xca: {  	[spmem:s2] =	stream.indirect.scatter.add.f32 [tilespmem:s15], [sflag:$0x5], $0x80, s16, s19, $0xb8;
	[tilespmem:$0x1E600] =	vst v63  }
0xcb: {  	_ =	swait.ge [sflag:s14], $0x4000  }
0xcc: {  	[sflag:s14] =	ssyncset.done $0x0  }
0xcd: {  	s9 =	simm.s32 $0x2700;
	[sflag:s14] =	ssyncadd.s32 $0xFFFFC000  }
0xce: {  	[tilespmem:s15], [sflag:$0x1] =	stream.indirect.gather [hbm4b:s4+s19], $0x80, s9, s19, $0xb8;
	[tilespmem:$0x1E600] =	vst v63  }
0xcf: {  	_ =	swait.ge [sflag:s24], $0x4000  }
0xd0: {  	[sflag:s24] =	ssyncset.done $0x0  }
0xd1: {  	[sflag:s24] =	ssyncadd.s32 $0xFFFFC000  }
0xd2: {  	[spmem:s2] =	stream.indirect.scatter.add.f32 [tilespmem:s21], [sflag:$0x5], $0x80, s25, s19, $0xb8;
	[tilespmem:$0x1E600] =	vst v63  }
0xd3: {  	_ =	swait.ge [sflag:s14], $0x4000  }
0xd4: {  	[sflag:s14] =	ssyncset.done $0x0  }
0xd5: {  	s20 =	simm.s32 $0x2780;
	[sflag:s14] =	ssyncadd.s32 $0xFFFFC000  }
0xd6: {  	[tilespmem:s21], [sflag:$0x2] =	stream.indirect.gather [hbm4b:s4+s19], $0x80, s20, s19, $0xb8;
	[tilespmem:$0x1E600] =	vst v63  }
0xd7: {  	_ =	swait.ge [sflag:s26], $0x100  }
0xd8: {  	[sflag:s26] =	ssyncset.done $0x0  }
0xd9: {  	[sflag:s26] =	ssyncadd.s32 $0xFFFFFF00  }
0xda: {  	_ =	swait.ge [sflag:s23], $0x4000  }
0xdb: {  	[sflag:s23] =	ssyncset.done $0x0  }
0xdc: {  	[sflag:s23] =	ssyncadd.s32 $0xFFFFC000  }
0xdd: {  	[spmem:s2] =	stream.indirect.scatter.add.f32 [tilespmem:s15], [sflag:$0x5], $0x80, s18, s19, $0xb8;
	[tilespmem:$0x1E600] =	vst v63  }
0xde: {  	_ =	swait.ge [sflag:s14], $0x4000  }
0xdf: {  	[sflag:s14] =	ssyncset.done $0x0  }
0xe0: {  	[sflag:s14] =	ssyncadd.s32 $0xFFFFC000  }
0xe1: {  	_ =	swait.ge [sflag:s24], $0x4000  }
0xe2: {  	[sflag:s24] =	ssyncset.done $0x0  }
0xe3: {  	[sflag:s24] =	ssyncadd.s32 $0xFFFFC000  }
0xe4: {  	[spmem:s2] =	stream.indirect.scatter.add.f32 [tilespmem:s21], [sflag:$0x5], $0x80, s28, s19, $0xb8;
	[tilespmem:$0x1E600] =	vst v63  }
0xe5: {  	_ =	swait.ge [sflag:s14], $0x4000  }
0xe6: {  	s0 =	sadd.s32 $0x1, s0;
	[sflag:s14] =	ssyncset.done $0x0  }
0xe7: {  	s29 =	stileid.u32;
	p0 =	sne.s32 s0, s10;
	[sflag:s14] =	ssyncadd.s32 $0xFFFFC000  }
0xe8: {  	s31 =	sshrl.u32 s5, $0x3;
	s1 =	sshll.u32 s29, $0x6;
	[bflag:$0x0] =	sbarrier.arrive $0xFFFF  }
.Ltmp2:
0xe9: {  	s1 =	sor.u32 $0x1C05, s1;
	s7 =	rddreg [dreg:$0x5];
	(pc) =	sbr.rel @p0 .LBB2_1-.Ltmp2, $4  }
0xea: {  	[hbm:s7], [sflag:s1] =	dma.local [spmem:s31], $0x2780  }
0xeb: {  	_ =	swait.ge [sflag:s14], $0x2780  }
0xec: {  	[sflag:s14] =	ssyncset.done $0x0  }
0xed: {  	[sflag:s14] =	ssyncadd.s32 $0xFFFFD880  }
0xee: {  	_ =	sfence.sel $0x180000  }
0xef: {  	[bflag:$0x0] =	sbarrier.arrive $0xFFFF  }
0xf0: {  	_ =	strace $0x9000004A  }
0xf1: {  	s0 =	stileid.u32;
	[bflag:$0x2] =	sbarrier.arrive $0xFFFF  }
0xf2: {  	p0 =	sne.s32 s0, $0x0;
	s0 =	rddreg [dreg:$0x2]  }
0xf3: {  	s0 =	sadd.s32 @!p0 $0x100000, s0  }
0xf4: {  	[sflag:s0] =	ssyncadd.tile.s32 @!p0 $0x1;
	_ =	shalt  }
.Lfunc_end2:
_tile_overlayer_lowered:
.L_overlay_start_2:
0xf5: {  	(tag) =	ssettag $0x2  }
0xf6: {  	s0 =	rddreg [dreg:$0x0];
	s2 =	stileid.u32  }
0xf7: {  	s1 =	rddreg [dreg:$0x1];
	p0 =	sne.s32 s2, $0x0  }
0xf8: {  	s3 =	rddreg [dreg:$0x2];
	[bflag:$0x3] =	sbarrier.arrive $0xFFFF;
	s2 =	simm.s32 @!p0 $0x1C05  }
0xf9: {  	[timem:s3], [sflag:s2] =	dma.local @!p0 [hbm:s0], s1  }
0xfa: {  	s0 =	simm.s32 @!p0 $0x5  }
0xfb: {  	_ =	swait.ge @!p0 [sflag:s0], s1  }
0xfc: {  	s1 =	ssub.s32 @!p0 $0x0, s1;
	[sflag:s0] =	ssyncset.done @!p0 $0x0  }
0xfd: {  	[sflag:s0] =	ssyncadd.s32 @!p0 s1  }
0xfe: {  	[bflag:$0x3] =	sbarrier.arrive $0xFFFF  }
0xff: {  	_ =	shalt  }

// kernel: kernel.14.cloned.1.call-start
scs
__scs_entry_jumppad:
0x0: {  	(pc) =	sbr.rel $0x88, $3  }
0x1: {  	(tag) =	ssettag $0x0;
	lr =	simm.s32 $0x1  }
0x2: {  	[smem:$0x3F9B] =	sst lr;
	_ =	strace $0xD0000000  }
0x3: {  	_ = 	snop  }
0x4: {  	_ = 	snop  }
0x5: {  	_ = 	snop  }
0x6: {  	_ = 	snop  }
0x7: {  	_ = 	snop  }
__scs_overlays_trampoline_lowered:
0x8: {  	[smem:$0x3FAA] =	sst s0  }
0x9: {  	[smem:$0x3FAB] =	sst s1  }
0xa: {  	[smem:$0x3FAC] =	sst s2  }
0xb: {  	[smem:$0x3FAD] =	sst s3  }
0xc: {  	[smem:$0x3FAE] =	sst s4  }
0xd: {  	[smem:$0x3FAF] =	sst s5  }
0xe: {  	[smem:$0x3FB0] =	sst s6  }
0xf: {  	[smem:$0x3FB1] =	sst s7  }
0x10: {  	[smem:$0x3FB2] =	sst s8  }
0x11: {  	[smem:$0x3FB3] =	sst s9;
	s0 =	simm.s32 @!p0 $0x0  }
0x12: {  	s1 =	sld [smem:$0x3F99];
	s0 =	simm.s32 @p0 $0x1  }
0x13: {  	[smem:$0x3FB4] =	sst s0;
	s0 =	simm.s32 @!p1 $0x0  }
0x14: {  	s2 =	sld [smem:$0x3F98];
	s0 =	simm.s32 @p1 $0x1  }
0x15: {  	[smem:$0x3FB5] =	sst s0;
	s0 =	simm.s32 @!p2 $0x0  }
0x16: {  	s3 =	sld [smem:$0x3FDB];
	s0 =	simm.s32 @p2 $0x1  }
0x17: {  	s4 =	simm.s32 $0x1BF5;
	[smem:$0x3FB7] =	sst s0  }
0x18: {  	s0 =	sld [smem:$0x3F9A];
	_ =	swait.ge [sflag:s4], $0x0  }
0x19: {  	s7 =	sld [smem:$0x3F9B]  }
0x1a: {  	s8 =	sadd.s32 $0xFFFFE003, lr  }
0x1b: {  	s9 =	sadd.s32 $0xFFFFFEF7, lr;
	s5 =	simm.s32 $0xFFFFFFFF;
	p2 =	slt.u32 s8, $0xFFFFF086  }
0x1c: {  	p1 =	slt.u32 s9, $0xF7A;
	s5 =	simm.s32 @!p2 $0x0  }
0x1d: {  	s5 =	simm.s32 @p1 $0x1;
	p0 =	seq.s32 s7, s2  }
0x1e: {  	s7 =	smul.u32 @!p0 $0xF7A, s2;
	p2 =	seq.s32 @!p0 s5, $0x0  }
0x1f: {  	s9 =	smul.u32 $0xF7A, s1;
	s8 =	simm.s32 @!p0 $0x1BF5;
	p2 =	por !p2, p0  }
0x20: {  	[sflag:s8] =	ssyncset.s32 @!p0 $0xFFFFF086;
	s6 =	sadd.s32 @!p0 s3, s7;
	s7 =	simm.s32 @!p0 $0x108  }
0x21: {  	s3 =	sadd.s32 s3, s9;
	s6 =	sadd.s32 @!p0 $0x88, s6;
	s7 =	simm.s32 @p2 $0x1082  }
0x22: {  	[simem:s7], [sflag:s8] =	dma.local @!p0 [hbm:s6], $0xF7A  }
0x23: {  	s9 =	sor.u32 $0xD0000000, s2;
	s6 =	simm.s32 $0x108;
	_ =	swait.ge @!p0 [sflag:s8], $0x0  }
0x24: {  	s3 =	sadd.s32 $0x88, s3;
	s6 =	simm.s32 @!p1 $0x1082;
	[sflag:s4] =	ssyncset.s32 $0xFFFFF086  }
0x25: {  	[simem:s6], [sflag:s4] =	dma.local [hbm:s3], $0xF7A  }
0x26: {  	[smem:$0x3F9B] =	sst s1;
	(tag) =	ssettag s2;
	_ =	strace s9  }
0x27: {  	s1 =	sld [smem:$0x3FAB]  }
0x28: {  	s2 =	sld [smem:$0x3FAC]  }
0x29: {  	s4 =	sld [smem:$0x3FAE]  }
0x2a: {  	p0 =	seq.s32 s5, $0x0;
	s5 =	sld [smem:$0x3FAF]  }
0x2b: {  	s6 =	sld [smem:$0x3FB0]  }
0x2c: {  	s7 =	sld [smem:$0x3FB1]  }
0x2d: {  	s3 =	simm.s32 $0x108;
	s8 =	sld [smem:$0x3FB2]  }
0x2e: {  	s3 =	simm.s32 @!p0 $0x1082;
	s9 =	sld [smem:$0x3FB3]  }
0x2f: {  	lr =	sadd.s32 s0, s3;
	s0 =	sld [smem:$0x3FAA]  }
0x30: {  	s3 =	sld [smem:$0x3FAD]  }
0x31: {  	[smem:$0x3FB6] =	sst s10  }
0x32: {  	s10 =	sld [smem:$0x3FB4];
	_ =	sdelay $0x3  }
0x33: {  	p0 =	seq.s32 s10, $0x1;
	s10 =	sld [smem:$0x3FB6];
	_ =	sdelay $0x3  }
0x34: {  	[smem:$0x3FB6] =	sst s10  }
0x35: {  	s10 =	sld [smem:$0x3FB5];
	_ =	sdelay $0x3  }
0x36: {  	p1 =	seq.s32 s10, $0x1;
	s10 =	sld [smem:$0x3FB6];
	_ =	sdelay $0x3  }
0x37: {  	[smem:$0x3FB6] =	sst s10  }
0x38: {  	s10 =	sld [smem:$0x3FB7]  }
0x39: {  	_ = 	snop;
	(pc) =	sbr.ind lr, $3  }
0x3a: {  	_ = 	snop  }
0x3b: {  	_ = 	snop  }
0x3c: {  	p2 =	seq.s32 s10, $0x1;
	s10 =	sld [smem:$0x3FB6]  }
0x3d: {  	_ =	shalt  }
0x3e: {  	_ =	shalt  }
0x3f: {  	_ =	shalt  }
0x40: {  	_ =	shalt  }
0x41: {  	_ =	shalt  }
0x42: {  	_ =	shalt  }
0x43: {  	_ =	shalt  }
0x44: {  	_ =	shalt  }
0x45: {  	_ =	shalt  }
0x46: {  	_ =	shalt  }
0x47: {  	_ =	shalt  }
0x48: {  	_ =	shalt  }
0x49: {  	_ =	shalt  }
0x4a: {  	_ =	shalt  }
0x4b: {  	_ =	shalt  }
0x4c: {  	_ =	shalt  }
0x4d: {  	_ =	shalt  }
0x4e: {  	_ =	shalt  }
0x4f: {  	_ =	shalt  }
0x50: {  	_ =	shalt  }
0x51: {  	_ =	shalt  }
0x52: {  	_ =	shalt  }
0x53: {  	_ =	shalt  }
0x54: {  	_ =	shalt  }
0x55: {  	_ =	shalt  }
0x56: {  	_ =	shalt  }
0x57: {  	_ =	shalt  }
0x58: {  	_ =	shalt  }
0x59: {  	_ =	shalt  }
0x5a: {  	_ =	shalt  }
0x5b: {  	_ =	shalt  }
0x5c: {  	_ =	shalt  }
0x5d: {  	_ =	shalt  }
0x5e: {  	_ =	shalt  }
0x5f: {  	_ =	shalt  }
0x60: {  	_ =	shalt  }
0x61: {  	_ =	shalt  }
0x62: {  	_ =	shalt  }
0x63: {  	_ =	shalt  }
0x64: {  	_ =	shalt  }
0x65: {  	_ =	shalt  }
0x66: {  	_ =	shalt  }
0x67: {  	_ =	shalt  }
0x68: {  	_ =	shalt  }
0x69: {  	_ =	shalt  }
0x6a: {  	_ =	shalt  }
0x6b: {  	_ =	shalt  }
0x6c: {  	_ =	shalt  }
0x6d: {  	_ =	shalt  }
0x6e: {  	_ =	shalt  }
0x6f: {  	_ =	shalt  }
0x70: {  	_ =	shalt  }
0x71: {  	_ =	shalt  }
0x72: {  	_ =	shalt  }
0x73: {  	_ =	shalt  }
0x74: {  	_ =	shalt  }
0x75: {  	_ =	shalt  }
0x76: {  	_ =	shalt  }
0x77: {  	_ =	shalt  }
0x78: {  	_ =	shalt  }
0x79: {  	_ =	shalt  }
0x7a: {  	_ =	shalt  }
0x7b: {  	_ =	shalt  }
0x7c: {  	_ =	shalt  }
0x7d: {  	_ =	shalt  }
0x7e: {  	_ =	shalt  }
0x7f: {  	_ =	shalt  }
0x80: {  	_ =	shalt  }
0x81: {  	_ =	shalt  }
0x82: {  	_ =	shalt  }
0x83: {  	_ =	shalt  }
0x84: {  	_ =	shalt  }
0x85: {  	_ =	shalt  }
0x86: {  	_ =	shalt  }
0x87: {  	_ =	shalt  }
.Lfunc_end0:
.L_simem_size_0:
called_computation.2_lowered:
.L_overlay_start_0:
0x88: {  	s2 =	sld [smem:$0x3FD9]  }
0x89: {  	s3 =	sld [smem:$0x3FFE];
	_ =	sdelay $0x1  }
0x8a: {  	s1 =	srdreg.scid  }
0x8b: {  	s0 =	sand.u32 $0x1, s1  }
0x8c: {  	s17 =	sshll.u32 s0, $0xA;
	s2 =	sadd.s32 s3, s2  }
0x8d: {  	s2 =	sadd.s32 s2, s17  }
0x8e: {  	[smem:$0x3FC2] =	sst s2  }
0x8f: {  	_ = 	snop  }
0x90: {  	s2 =	sld [smem:$0x3FD0];
	(tm) =	ssettm $0x1  }
0x91: {  	s18 =	sld [smem:$0x3FFB];
	_ =	sdelay $0x3  }
0x92: {  	_ =	strace s18  }
0x93: {  	s3 =	sld [smem:$0x3FFC];
	_ =	sdelay $0x3  }
0x94: {  	_ =	strace s3  }
0x95: {  	s3 =	sld [smem:$0x3FFD];
	_ =	sdelay $0x3  }
0x96: {  	_ =	strace s3  }
0x97: {  	_ =	strace $0x8FFFFFFF  }
0x98: {  	s19 =	sld [smem:$0x3FDB];
	_ =	sdelay $0x1  }
0x99: {  	s4 =	simm.s32 $_scs_section_size  }
0x9a: {  	s5 =	simm.s32 $_size__tile_overlayer_lowered;
	s6 =	simm.s32 $_tile_overlayer_lowered  }
0x9b: {  	s22 =	simm.s32 $0x1BFF;
	s21 =	sshll.u32 s6, $0x1;
	s3 =	sadd.s32 s4, s19  }
0x9c: {  	s7 =	simm.s32 $0x0;
	s20 =	sshll.u32 s5, $0x1;
	s5 =	sadd.s32 s21, s3  }
0x9d: {  	[timem:s7], [sflag:s22] =	dma.local [hbm:s5], s20  }
0x9e: {  	_ =	swait.ge [sflag:s22], s20  }
0x9f: {  	s4 =	ssub.s32 $0x0, s20;
	[sflag:s22] =	ssyncset.done $0x0  }
0xa0: {  	[sflag:s22] =	ssyncadd.s32 s4;
	_ =	sdelay $0x1  }
0xa1: {  	s23 =	simm.s32 $0x1B8B  }
0xa2: {  	_ =	swait.ge [sflag:s23], $0x1  }
0xa3: {  	[sflag:s23] =	ssyncset.done $0x0  }
0xa4: {  	s25 =	simm.s32 $0x1B8E;
	s24 =	sld [smem:$0x3FFE];
	[sflag:s23] =	ssyncadd.s32 $0xFFFFFFFF  }
0xa5: {  	s26 =	simm.s32 $execute0_lowered;
	[smem:$0x3FD2] =	sst s25  }
0xa6: {  	s5 =	sshll.u32 s26, $0x1;
	_ =	strace $0x8000004C;
	[dreg:$0x1] =	wrdreg $0xFFFFFFFF  }
0xa7: {  	s28 =	simm.s32 $_size_execute0_lowered;
	s3 =	sadd.s32 s3, s5;
	[dreg:$0x0] =	wrdreg $0x0  }
0xa8: {  	s5 =	sshll.u32 s28, $0x1;
	[dreg:$0x2] =	wrdreg s3  }
0xa9: {  	[dreg:$0x3] =	wrdreg s5  }
0xaa: {  	[dreg:$0x4] =	wrdreg $0xC0  }
0xab: {  	_ =	task [dreg:s7], $0x5FFFF  }
0xac: {  	[dreg:$0x1] =	wrdreg $0xFFFFFFFF  }
0xad: {  	[dreg:$0x0] =	wrdreg $0x60  }
0xae: {  	[dreg:$0x2] =	wrdreg s2  }
0xaf: {  	[dreg:$0x3] =	wrdreg s24  }
0xb0: {  	[dreg:$0x4] =	wrdreg $0x96000  }
0xb1: {  	[dreg:$0x5] =	wrdreg $0x9  }
0xb2: {  	_ =	task.clear_ibuf [dreg:s7], $0x6FFFF;
	_ =	strace $0x9000004C  }
0xb3: {  	s29 =	simm.s32 $0x9;
	_ =	strace $0x8000004E  }
0xb4: {  	_ =	swait.ge [sflag:s29], $0x1  }
0xb5: {  	[sflag:s29] =	ssyncadd.s32 $0xFFFFFFFF  }
0xb6: {  	_ =	strace $0x9000004E  }
0xb7: {  	_ =	sfence  }
0xb8: {  	s30 =	sld [smem:$0x0];
	_ =	sdelay $0x2  }
0xb9: {  	s31 =	sshll.u32 s1, $0xD;
	s1 =	sshrl.u32 s1, $0x2  }
0xba: {  	s3 =	sand.u32 $0x4000, s31;
	s1 =	sadd.s32 s1, s30  }
0xbb: {  	s0 =	sor.u32 s3, s0;
	s1 =	sshll.u32 s1, $0x11  }
0xbc: {  	s0 =	sor.u32 s1, s0  }
0xbd: {  	s0 =	sadd.s32 $0x8F2B, s0  }
0xbe: {  	[sflag:s0] =	ssyncadd.remote.s32 $0x1  }
0xbf: {  	_ =	sfence.sel $0xFFFF  }
0xc0: {  	[dreg:$0x0] =	wrdreg $0xFFFFFFFF;
	(pc) =	sbr.abs _section_cstart, $3  }
0xc1: {  	[dreg:$0x1] =	wrdreg $0xFFFFFFFF  }
0xc2: {  	_ =	task.clear_ibuf [dreg:s7], $0x2FFFF;
	_ =	strace $0x9FFFFFFF  }
0xc3: {  	(tm) =	ssettm $0x7FFFFFFF  }
tec
execute0_lowered:
.L_overlay_start_1:
0x0: {  	(tag) =	ssettag $0x1  }
0x1: {  	s1 =	rddreg [dreg:$0x0]  }
0x2: {  	s0 =	srdreg.scid;
	s2 =	rddreg [dreg:$0x1]  }
0x3: {  	s8 =	stileid.u32;
	s3 =	rddreg [dreg:$0x2];
	s4 =	simm.s32 $0x0  }
0x4: {  	s14 =	simm.s32 $0x5;
	s15 =	simm.s32 $0x1600;
	s6 =	smul.u32 $0x1400, s8  }
0x5: {  	s16 =	simm.s32 $0x1400;
	s18 =	simm.s32 $0x1500;
	s23 =	smul.u32 $0x13C00, s8  }
0x6: {  	s19 =	simm.s32 $0x80;
	s0 =	sand.u32 $0x1, s0;
	s8 =	smul.u32 $0x4F000, s8  }
0x7: {  	s21 =	simm.s32 $0x5600;
	s22 =	simm.s32 $0x3;
	s5 =	smul.u32 $0x14000, s0  }
0x8: {  	s28 =	simm.s32 $0x1580;
	[smem:$0x7FF] =	sst s4;
	s7 =	smul.u32 $0x13C000, s0  }
0x9: {  	_ =	strace $0x8000004D;
	s0 =	ssub.s32 $0x2, s0;
	s25 =	sshrl.u32 s8, $0x2  }
0xa: {  	s26 =	sshrl.u32 s0, $0x1;
	s5 =	sadd.s32 s6, s5;
	s24 =	sadd.s32 s23, s7  }
0xb: {  	s0 =	ssub.s32 s0, s26;
	s23 =	simm.s32 $0x1;
	s5 =	sshrl.u32 s5, $0x3  }
0xc: {  	s26 =	simm.s32 $0x4;
	s9 =	sadd.s32 s5, s2;
	s5 =	sshrl.u32 s24, $0x3  }
0xd: {  	s10 =	smax.u32 s0, $0x1;
	s24 =	simm.s32 $0x2;
	s2 =	sadd.s32 s5, s2  }
0xe: {  	s5 =	sadd.s32 s25, s3;
	s29 =	sadd.s32 $0xAE400, s9;
	s8 =	sadd.s32 $0xB3400, s9  }
0xf: {  	s25 =	simm.s32 $0x1480;
	[dreg:$0x4] =	wrdreg s29;
	s31 =	sadd.s32 $0x10000, s5  }
0x10: {  	s2 =	sadd.s32 $0x1800, s2;
	s11 =	sadd.s32 $0x4000, s5;
	s12 =	sadd.s32 $0x8000, s5  }
0x11: {  	s13 =	sadd.s32 $0xC000, s5;
	s17 =	sadd.s32 $0x20, s8;
	[dreg:$0x5] =	wrdreg s31  }
0x12: {  	v0 =	vimm.f32 $0.0e+00;
	s30 =	sadd.s32 $0x60, s8;
	[dreg:$0x6] =	wrdreg s2;
	s2 =	simm.s32 $0x0  }
.LBB2_1:
0x13: {  	s0 =	rddreg [dreg:$0x4]  }
0x14: {  	[tilespmem:s4], [sflag:$0x5] =	stream.linear.gather [hbm4b:s0+s4], $0x1400, $0x38;
	[tilespmem:$0x1D200] =	vst v63  }
0x15: {  	_ =	swait.ge [sflag:s14], $0x1400  }
0x16: {  	[sflag:s14] =	ssyncset.done $0x0  }
0x17: {  	s6 =	simm.s32 $0x200;
	s0 =	simm.s32 $0x0;
	[sflag:s14] =	ssyncadd.s32 $0xFFFFEC00  }
.LBB2_2:
0x18: {  	p0 =	sne.s32 s6, $0xFE00;
	[tilespmem:s0+$0x1670] =	vst v0  }
0x19: {  	[tilespmem:s0+$0x1600] =	vst v0  }
0x1a: {  	[tilespmem:s0+$0x1610] =	vst v0  }
.Ltmp0:
0x1b: {  	[tilespmem:s0+$0x1620] =	vst v0;
	(pc) =	sbr.rel @p0 .LBB2_2-.Ltmp0, $4  }
0x1c: {  	[tilespmem:s0+$0x1630] =	vst v0  }
0x1d: {  	[tilespmem:s0+$0x1640] =	vst v0  }
0x1e: {  	[tilespmem:s0+$0x1650] =	vst v0  }
0x1f: {  	[tilespmem:s0+$0x1660] =	vst v0;
	s0 =	sshra.s32 s6, $0x2;
	s6 =	sadd.s32 $0x200, s6  }
0x20: {  	[tilespmem:s0+$0x1670] =	vst v0  }
0x21: {  	[tilespmem:s0+$0x1600] =	vst v0  }
0x22: {  	[tilespmem:s0+$0x1610] =	vst v0  }
0x23: {  	[tilespmem:s0+$0x1620] =	vst v0  }
0x24: {  	[tilespmem:s0+$0x1630] =	vst v0  }
0x25: {  	[tilespmem:s0+$0x1640] =	vst v0  }
0x26: {  	[tilespmem:s0+$0x1650] =	vst v0  }
0x27: {  	[tilespmem:s0+$0x1660] =	vst v0  }
0x28: {  	[spmem:s5] =	stream.linear.scatter [tilespmem:s15], [sflag:$0x5], $0x4000, $0x38;
	[tilespmem:$0x1D200] =	vst v63  }
0x29: {  	_ =	swait.ge [sflag:s14], $0x4000  }
0x2a: {  	[sflag:s14] =	ssyncset.done $0x0  }
0x2b: {  	[sflag:s14] =	ssyncadd.s32 $0xFFFFC000  }
0x2c: {  	[spmem:s11] =	stream.linear.scatter [tilespmem:s15], [sflag:$0x5], $0x4000, $0x38;
	[tilespmem:$0x1D200] =	vst v63  }
0x2d: {  	_ =	swait.ge [sflag:s14], $0x4000  }
0x2e: {  	[sflag:s14] =	ssyncset.done $0x0  }
0x2f: {  	[sflag:s14] =	ssyncadd.s32 $0xFFFFC000  }
0x30: {  	[spmem:s12] =	stream.linear.scatter [tilespmem:s15], [sflag:$0x5], $0x4000, $0x38;
	[tilespmem:$0x1D200] =	vst v63  }
0x31: {  	_ =	swait.ge [sflag:s14], $0x4000  }
0x32: {  	[sflag:s14] =	ssyncset.done $0x0  }
0x33: {  	[sflag:s14] =	ssyncadd.s32 $0xFFFFC000  }
0x34: {  	[spmem:s13] =	stream.linear.scatter [tilespmem:s15], [sflag:$0x5], $0x4000, $0x38;
	[tilespmem:$0x1D200] =	vst v63  }
0x35: {  	_ =	swait.ge [sflag:s14], $0x4000  }
0x36: {  	[sflag:s14] =	ssyncset.done $0x0  }
0x37: {  	s7 =	rddreg [dreg:$0x5];
	[sflag:s14] =	ssyncadd.s32 $0xFFFFC000  }
0x38: {  	[spmem:s7] =	stream.linear.scatter [tilespmem:s15], [sflag:$0x5], $0x3C00, $0x38;
	[tilespmem:$0x1D200] =	vst v63  }
0x39: {  	_ =	swait.ge [sflag:s14], $0x3C00  }
0x3a: {  	[sflag:s14] =	ssyncset.done $0x0  }
0x3b: {  	[sflag:s14] =	ssyncadd.s32 $0xFFFFC400  }
0x3c: {  	s9 =	simm.s32 $0x0;
	[bflag:$0x0] =	sbarrier.arrive $0xFFFF  }
0x3d: {  	[tilespmem:s16], [sflag:$0x3] =	stream.linear.gather [hbm4b:s8+s9], $0x100, $0x38;
	[tilespmem:$0x1D200] =	vst v63  }
0x3e: {  	_ = 	snop  }
0x3f: {  	[tilespmem:s18], [sflag:$0x4] =	stream.linear.gather [hbm4b:s17+s9], $0x100, $0x38;
	[tilespmem:$0x1D200] =	vst v63  }
0x40: {  	_ = 	snop  }
0x41: {  	[tilespmem:s15], [sflag:$0x1] =	stream.indirect.gather [hbm4b:s1+s19], $0x80, s9, s19, $0xb8;
	[tilespmem:$0x1D200] =	vst v63  }
0x42: {  	s20 =	simm.s32 $0x80  }
0x43: {  	[tilespmem:s21], [sflag:$0x2] =	stream.indirect.gather [hbm4b:s1+s19], $0x80, s20, s19, $0xb8;
	[tilespmem:$0x1D200] =	vst v63  }
0x44: {  	_ =	swait.ge [sflag:s22], $0x100  }
0x45: {  	[sflag:s22] =	ssyncset.done $0x0  }
0x46: {  	[sflag:s22] =	ssyncadd.s32 $0xFFFFFF00  }
0x47: {  	_ =	swait.ge [sflag:s23], $0x4000  }
0x48: {  	[sflag:s23] =	ssyncset.done $0x0  }
0x49: {  	[sflag:s23] =	ssyncadd.s32 $0xFFFFC000  }
0x4a: {  	[spmem:s3] =	stream.indirect.scatter.add.f32 [tilespmem:s15], [sflag:$0x5], $0x80, s16, s19, $0xb8;
	[tilespmem:$0x1D200] =	vst v63  }
0x4b: {  	_ =	swait.ge [sflag:s14], $0x4000  }
0x4c: {  	[sflag:s14] =	ssyncset.done $0x0  }
0x4d: {  	s6 =	simm.s32 $0x100;
	[sflag:s14] =	ssyncadd.s32 $0xFFFFC000  }
0x4e: {  	[tilespmem:s15], [sflag:$0x1] =	stream.indirect.gather [hbm4b:s1+s19], $0x80, s6, s19, $0xb8;
	[tilespmem:$0x1D200] =	vst v63  }
0x4f: {  	_ =	swait.ge [sflag:s24], $0x4000  }
0x50: {  	[sflag:s24] =	ssyncset.done $0x0  }
0x51: {  	[sflag:s24] =	ssyncadd.s32 $0xFFFFC000  }
0x52: {  	[spmem:s3] =	stream.indirect.scatter.add.f32 [tilespmem:s21], [sflag:$0x5], $0x80, s25, s19, $0xb8;
	[tilespmem:$0x1D200] =	vst v63  }
0x53: {  	_ =	swait.ge [sflag:s14], $0x4000  }
0x54: {  	[sflag:s14] =	ssyncset.done $0x0  }
0x55: {  	s7 =	sadd.s32 $0xFFFFFFE0, s30;
	[sflag:s14] =	ssyncadd.s32 $0xFFFFC000  }
0x56: {  	[tilespmem:s16], [sflag:$0x3] =	stream.linear.gather [hbm4b:s7+s4], $0x100, $0x38;
	[tilespmem:$0x1D200] =	vst v63  }
0x57: {  	s9 =	simm.s32 $0x180  }
0x58: {  	[tilespmem:s21], [sflag:$0x2] =	stream.indirect.gather [hbm4b:s1+s19], $0x80, s9, s19, $0xb8;
	[tilespmem:$0x1D200] =	vst v63  }
0x59: {  	_ =	swait.ge [sflag:s26], $0x100  }
0x5a: {  	[sflag:s26] =	ssyncset.done $0x0  }
0x5b: {  	[sflag:s26] =	ssyncadd.s32 $0xFFFFFF00  }
0x5c: {  	_ =	swait.ge [sflag:s23], $0x4000  }
0x5d: {  	[sflag:s23] =	ssyncset.done $0x0  }
0x5e: {  	[sflag:s23] =	ssyncadd.s32 $0xFFFFC000  }
0x5f: {  	[spmem:s3] =	stream.indirect.scatter.add.f32 [tilespmem:s15], [sflag:$0x5], $0x80, s18, s19, $0xb8;
	[tilespmem:$0x1D200] =	vst v63  }
0x60: {  	_ =	swait.ge [sflag:s14], $0x4000  }
0x61: {  	[sflag:s14] =	ssyncset.done $0x0  }
0x62: {  	s20 =	simm.s32 $0x200;
	[sflag:s14] =	ssyncadd.s32 $0xFFFFC000  }
0x63: {  	[tilespmem:s15], [sflag:$0x1] =	stream.indirect.gather [hbm4b:s1+s19], $0x80, s20, s19, $0xb8;
	[tilespmem:$0x1D200] =	vst v63  }
0x64: {  	_ =	swait.ge [sflag:s24], $0x4000  }
0x65: {  	[sflag:s24] =	ssyncset.done $0x0  }
0x66: {  	[sflag:s24] =	ssyncadd.s32 $0xFFFFC000  }
0x67: {  	[spmem:s3] =	stream.indirect.scatter.add.f32 [tilespmem:s21], [sflag:$0x5], $0x80, s28, s19, $0xb8;
	[tilespmem:$0x1D200] =	vst v63  }
0x68: {  	_ =	swait.ge [sflag:s14], $0x4000  }
0x69: {  	s29 =	simm.s32 $0x200;
	s31 =	simm.s32 $0x1000;
	[sflag:s14] =	ssyncset.done $0x0  }
0x6a: {  	s0 =	sadd.s32 $0x40, s30;
	s20 =	smov.u32 s30;
	[sflag:s14] =	ssyncadd.s32 $0xFFFFC000  }
.LBB2_4:
0x6b: {  	[tilespmem:s18], [sflag:$0x4] =	stream.linear.gather [hbm4b:s20+s4], $0x100, $0x38;
	[tilespmem:$0x1D200] =	vst v63  }
0x6c: {  	s6 =	smov.u32 s31;
	s20 =	smov.u32 s0  }
0x6d: {  	s7 =	sadd.s32 $0x800, s31;
	s9 =	sadd.s32 $0x80, s29;
	s6 =	sshra.s32 s6, $0x2  }
0x6e: {  	[tilespmem:s21], [sflag:$0x2] =	stream.indirect.gather [hbm4b:s1+s19], $0x80, s9, s19, $0xb8;
	[tilespmem:$0x1D200] =	vst v63  }
0x6f: {  	p0 =	sne.s32 s31, $0x4000;
	_ =	swait.ge [sflag:s22], $0x100  }
0x70: {  	[sflag:s22] =	ssyncset.done $0x0  }
0x71: {  	[sflag:s22] =	ssyncadd.s32 $0xFFFFFF00  }
0x72: {  	_ =	swait.ge [sflag:s23], $0x4000  }
0x73: {  	[sflag:s23] =	ssyncset.done $0x0  }
0x74: {  	[sflag:s23] =	ssyncadd.s32 $0xFFFFC000  }
0x75: {  	[spmem:s3] =	stream.indirect.scatter.add.f32 [tilespmem:s15], [sflag:$0x5], $0x80, s16, s19, $0xb8;
	[tilespmem:$0x1D200] =	vst v63  }
0x76: {  	_ =	swait.ge [sflag:s14], $0x4000  }
0x77: {  	[sflag:s14] =	ssyncset.done $0x0  }
0x78: {  	s9 =	sadd.s32 $0x100, s29;
	[sflag:s14] =	ssyncadd.s32 $0xFFFFC000  }
0x79: {  	[tilespmem:s15], [sflag:$0x1] =	stream.indirect.gather [hbm4b:s1+s19], $0x80, s9, s19, $0xb8;
	[tilespmem:$0x1D200] =	vst v63  }
0x7a: {  	_ =	swait.ge [sflag:s24], $0x4000  }
0x7b: {  	[sflag:s24] =	ssyncset.done $0x0  }
0x7c: {  	[sflag:s24] =	ssyncadd.s32 $0xFFFFC000  }
0x7d: {  	[spmem:s3] =	stream.indirect.scatter.add.f32 [tilespmem:s21], [sflag:$0x5], $0x80, s25, s19, $0xb8;
	[tilespmem:$0x1D200] =	vst v63  }
0x7e: {  	_ =	swait.ge [sflag:s14], $0x4000  }
0x7f: {  	[sflag:s14] =	ssyncset.done $0x0  }
0x80: {  	s9 =	sadd.s32 $0xFFFFFFE0, s0;
	[sflag:s14] =	ssyncadd.s32 $0xFFFFC000  }
0x81: {  	[tilespmem:s16], [sflag:$0x3] =	stream.linear.gather [hbm4b:s9+s4], $0x100, $0x38;
	[tilespmem:$0x1D200] =	vst v63  }
0x82: {  	s9 =	sadd.s32 $0x180, s29  }
0x83: {  	[tilespmem:s21], [sflag:$0x2] =	stream.indirect.gather [hbm4b:s1+s19], $0x80, s9, s19, $0xb8;
	[tilespmem:$0x1D200] =	vst v63  }
0x84: {  	_ =	swait.ge [sflag:s26], $0x100  }
0x85: {  	[sflag:s26] =	ssyncset.done $0x0  }
0x86: {  	[sflag:s26] =	ssyncadd.s32 $0xFFFFFF00  }
0x87: {  	_ =	swait.ge [sflag:s23], $0x4000  }
0x88: {  	[sflag:s23] =	ssyncset.done $0x0  }
0x89: {  	[sflag:s23] =	ssyncadd.s32 $0xFFFFC000  }
0x8a: {  	[spmem:s3] =	stream.indirect.scatter.add.f32 [tilespmem:s15], [sflag:$0x5], $0x80, s18, s19, $0xb8;
	[tilespmem:$0x1D200] =	vst v63  }
0x8b: {  	_ =	swait.ge [sflag:s14], $0x4000  }
0x8c: {  	[sflag:s14] =	ssyncset.done $0x0  }
0x8d: {  	s9 =	sadd.s32 $0x200, s29;
	s29 =	smov.u32 s6;
	[sflag:s14] =	ssyncadd.s32 $0xFFFFC000  }
0x8e: {  	[tilespmem:s15], [sflag:$0x1] =	stream.indirect.gather [hbm4b:s1+s19], $0x80, s9, s19, $0xb8;
	[tilespmem:$0x1D200] =	vst v63  }
0x8f: {  	_ =	swait.ge [sflag:s24], $0x4000  }
0x90: {  	[sflag:s24] =	ssyncset.done $0x0  }
.Ltmp1:
0x91: {  	[sflag:s24] =	ssyncadd.s32 $0xFFFFC000;
	(pc) =	sbr.rel @p0 .LBB2_4-.Ltmp1, $4  }
0x92: {  	[spmem:s3] =	stream.indirect.scatter.add.f32 [tilespmem:s21], [sflag:$0x5], $0x80, s28, s19, $0xb8;
	[tilespmem:$0x1D200] =	vst v63  }
0x93: {  	_ =	swait.ge [sflag:s14], $0x4000  }
0x94: {  	[sflag:s14] =	ssyncset.done $0x0  }
0x95: {  	s31 =	smov.u32 s7;
	s0 =	sadd.s32 $0x40, s0;
	[sflag:s14] =	ssyncadd.s32 $0xFFFFC000  }
0x96: {  	[tilespmem:s18], [sflag:$0x4] =	stream.linear.gather [hbm4b:s20+s4], $0x100, $0x38;
	[tilespmem:$0x1D200] =	vst v63  }
0x97: {  	s6 =	sadd.s32 $0x80, s29  }
0x98: {  	[tilespmem:s21], [sflag:$0x2] =	stream.indirect.gather [hbm4b:s1+s19], $0x80, s6, s19, $0xb8;
	[tilespmem:$0x1D200] =	vst v63  }
0x99: {  	_ =	swait.ge [sflag:s22], $0x100  }
0x9a: {  	[sflag:s22] =	ssyncset.done $0x0  }
0x9b: {  	[sflag:s22] =	ssyncadd.s32 $0xFFFFFF00  }
0x9c: {  	_ =	swait.ge [sflag:s23], $0x4000  }
0x9d: {  	[sflag:s23] =	ssyncset.done $0x0  }
0x9e: {  	[sflag:s23] =	ssyncadd.s32 $0xFFFFC000  }
0x9f: {  	[spmem:s3] =	stream.indirect.scatter.add.f32 [tilespmem:s15], [sflag:$0x5], $0x80, s16, s19, $0xb8;
	[tilespmem:$0x1D200] =	vst v63  }
0xa0: {  	_ =	swait.ge [sflag:s14], $0x4000  }
0xa1: {  	[sflag:s14] =	ssyncset.done $0x0  }
0xa2: {  	s7 =	sadd.s32 $0x100, s29;
	[sflag:s14] =	ssyncadd.s32 $0xFFFFC000  }
0xa3: {  	[tilespmem:s15], [sflag:$0x1] =	stream.indirect.gather [hbm4b:s1+s19], $0x80, s7, s19, $0xb8;
	[tilespmem:$0x1D200] =	vst v63  }
0xa4: {  	_ =	swait.ge [sflag:s24], $0x4000  }
0xa5: {  	[sflag:s24] =	ssyncset.done $0x0  }
0xa6: {  	[sflag:s24] =	ssyncadd.s32 $0xFFFFC000  }
0xa7: {  	[spmem:s3] =	stream.indirect.scatter.add.f32 [tilespmem:s21], [sflag:$0x5], $0x80, s25, s19, $0xb8;
	[tilespmem:$0x1D200] =	vst v63  }
0xa8: {  	_ =	swait.ge [sflag:s14], $0x4000  }
0xa9: {  	[sflag:s14] =	ssyncset.done $0x0  }
0xaa: {  	s9 =	sadd.s32 $0xFFFFFFE0, s0;
	[sflag:s14] =	ssyncadd.s32 $0xFFFFC000  }
0xab: {  	[tilespmem:s16], [sflag:$0x3] =	stream.linear.gather [hbm4b:s9+s4], $0x100, $0x38;
	[tilespmem:$0x1D200] =	vst v63  }
0xac: {  	s20 =	sadd.s32 $0x180, s29  }
0xad: {  	[tilespmem:s21], [sflag:$0x2] =	stream.indirect.gather [hbm4b:s1+s19], $0x80, s20, s19, $0xb8;
	[tilespmem:$0x1D200] =	vst v63  }
0xae: {  	_ =	swait.ge [sflag:s26], $0x100  }
0xaf: {  	[sflag:s26] =	ssyncset.done $0x0  }
0xb0: {  	[sflag:s26] =	ssyncadd.s32 $0xFFFFFF00  }
0xb1: {  	_ =	swait.ge [sflag:s23], $0x4000  }
0xb2: {  	[sflag:s23] =	ssyncset.done $0x0  }
0xb3: {  	[sflag:s23] =	ssyncadd.s32 $0xFFFFC000  }
0xb4: {  	[spmem:s3] =	stream.indirect.scatter.add.f32 [tilespmem:s15], [sflag:$0x5], $0x80, s18, s19, $0xb8;
	[tilespmem:$0x1D200] =	vst v63  }
0xb5: {  	_ =	swait.ge [sflag:s14], $0x4000  }
0xb6: {  	[sflag:s14] =	ssyncset.done $0x0  }
0xb7: {  	s31 =	sadd.s32 $0x200, s29;
	[sflag:s14] =	ssyncadd.s32 $0xFFFFC000  }
0xb8: {  	[tilespmem:s15], [sflag:$0x1] =	stream.indirect.gather [hbm4b:s1+s19], $0x80, s31, s19, $0xb8;
	[tilespmem:$0x1D200] =	vst v63  }
0xb9: {  	_ =	swait.ge [sflag:s24], $0x4000  }
0xba: {  	[sflag:s24] =	ssyncset.done $0x0  }
0xbb: {  	[sflag:s24] =	ssyncadd.s32 $0xFFFFC000  }
0xbc: {  	[spmem:s3] =	stream.indirect.scatter.add.f32 [tilespmem:s21], [sflag:$0x5], $0x80, s28, s19, $0xb8;
	[tilespmem:$0x1D200] =	vst v63  }
0xbd: {  	_ =	swait.ge [sflag:s14], $0x4000  }
0xbe: {  	[sflag:s14] =	ssyncset.done $0x0  }
0xbf: {  	[sflag:s14] =	ssyncadd.s32 $0xFFFFC000  }
0xc0: {  	[tilespmem:s18], [sflag:$0x4] =	stream.linear.gather [hbm4b:s0+s4], $0x100, $0x38;
	[tilespmem:$0x1D200] =	vst v63  }
0xc1: {  	s7 =	simm.s32 $0x1280  }
0xc2: {  	[tilespmem:s21], [sflag:$0x2] =	stream.indirect.gather [hbm4b:s1+s19], $0x80, s7, s19, $0xb8;
	[tilespmem:$0x1D200] =	vst v63  }
0xc3: {  	_ =	swait.ge [sflag:s22], $0x100  }
0xc4: {  	[sflag:s22] =	ssyncset.done $0x0  }
0xc5: {  	[sflag:s22] =	ssyncadd.s32 $0xFFFFFF00  }
0xc6: {  	_ =	swait.ge [sflag:s23], $0x4000  }
0xc7: {  	[sflag:s23] =	ssyncset.done $0x0  }
0xc8: {  	[sflag:s23] =	ssyncadd.s32 $0xFFFFC000  }
0xc9: {  	[spmem:s3] =	stream.indirect.scatter.add.f32 [tilespmem:s15], [sflag:$0x5], $0x80, s16, s19, $0xb8;
	[tilespmem:$0x1D200] =	vst v63  }
0xca: {  	_ =	swait.ge [sflag:s14], $0x4000  }
0xcb: {  	[sflag:s14] =	ssyncset.done $0x0  }
0xcc: {  	s9 =	simm.s32 $0x1300;
	[sflag:s14] =	ssyncadd.s32 $0xFFFFC000  }
0xcd: {  	[tilespmem:s15], [sflag:$0x1] =	stream.indirect.gather [hbm4b:s1+s19], $0x80, s9, s19, $0xb8;
	[tilespmem:$0x1D200] =	vst v63  }
0xce: {  	_ =	swait.ge [sflag:s24], $0x4000  }
0xcf: {  	[sflag:s24] =	ssyncset.done $0x0  }
0xd0: {  	[sflag:s24] =	ssyncadd.s32 $0xFFFFC000  }
0xd1: {  	[spmem:s3] =	stream.indirect.scatter.add.f32 [tilespmem:s21], [sflag:$0x5], $0x80, s25, s19, $0xb8;
	[tilespmem:$0x1D200] =	vst v63  }
0xd2: {  	_ =	swait.ge [sflag:s14], $0x4000  }
0xd3: {  	[sflag:s14] =	ssyncset.done $0x0  }
0xd4: {  	s20 =	simm.s32 $0x1380;
	[sflag:s14] =	ssyncadd.s32 $0xFFFFC000  }
0xd5: {  	[tilespmem:s21], [sflag:$0x2] =	stream.indirect.gather [hbm4b:s1+s19], $0x80, s20, s19, $0xb8;
	[tilespmem:$0x1D200] =	vst v63  }
0xd6: {  	_ =	swait.ge [sflag:s26], $0x100  }
0xd7: {  	[sflag:s26] =	ssyncset.done $0x0  }
0xd8: {  	[sflag:s26] =	ssyncadd.s32 $0xFFFFFF00  }
0xd9: {  	_ =	swait.ge [sflag:s23], $0x4000  }
0xda: {  	[sflag:s23] =	ssyncset.done $0x0  }
0xdb: {  	[sflag:s23] =	ssyncadd.s32 $0xFFFFC000  }
0xdc: {  	[spmem:s3] =	stream.indirect.scatter.add.f32 [tilespmem:s15], [sflag:$0x5], $0x80, s18, s19, $0xb8;
	[tilespmem:$0x1D200] =	vst v63  }
0xdd: {  	_ =	swait.ge [sflag:s14], $0x4000  }
0xde: {  	[sflag:s14] =	ssyncset.done $0x0  }
0xdf: {  	[sflag:s14] =	ssyncadd.s32 $0xFFFFC000  }
0xe0: {  	_ =	swait.ge [sflag:s24], $0x4000  }
0xe1: {  	[sflag:s24] =	ssyncset.done $0x0  }
0xe2: {  	[sflag:s24] =	ssyncadd.s32 $0xFFFFC000  }
0xe3: {  	[spmem:s3] =	stream.indirect.scatter.add.f32 [tilespmem:s21], [sflag:$0x5], $0x80, s28, s19, $0xb8;
	[tilespmem:$0x1D200] =	vst v63  }
0xe4: {  	_ =	swait.ge [sflag:s14], $0x4000  }
0xe5: {  	s2 =	sadd.s32 $0x1, s2;
	[sflag:s14] =	ssyncset.done $0x0  }
0xe6: {  	s29 =	stileid.u32;
	p0 =	sne.s32 s2, s10;
	[sflag:s14] =	ssyncadd.s32 $0xFFFFC000  }
0xe7: {  	s31 =	sshrl.u32 s5, $0x3;
	s0 =	sshll.u32 s29, $0x6;
	[bflag:$0x0] =	sbarrier.arrive $0xFFFF  }
.Ltmp2:
0xe8: {  	s0 =	sor.u32 $0x1C05, s0;
	s7 =	rddreg [dreg:$0x6];
	(pc) =	sbr.rel @p0 .LBB2_1-.Ltmp2, $4  }
0xe9: {  	[hbm:s7], [sflag:s0] =	dma.local [spmem:s31], $0x2780  }
0xea: {  	_ =	swait.ge [sflag:s14], $0x2780  }
0xeb: {  	[sflag:s14] =	ssyncset.done $0x0  }
0xec: {  	[sflag:s14] =	ssyncadd.s32 $0xFFFFD880  }
0xed: {  	_ =	sfence.sel $0x180000  }
0xee: {  	[bflag:$0x0] =	sbarrier.arrive $0xFFFF  }
0xef: {  	_ =	strace $0x9000004D  }
0xf0: {  	s0 =	stileid.u32;
	[bflag:$0x2] =	sbarrier.arrive $0xFFFF  }
0xf1: {  	p0 =	sne.s32 s0, $0x0;
	s0 =	rddreg [dreg:$0x3]  }
0xf2: {  	s0 =	sadd.s32 @!p0 $0x100000, s0  }
0xf3: {  	[sflag:s0] =	ssyncadd.tile.s32 @!p0 $0x1;
	_ =	shalt  }
.Lfunc_end2:
_tile_overlayer_lowered:
.L_overlay_start_2:
0xf4: {  	(tag) =	ssettag $0x2  }
0xf5: {  	s0 =	rddreg [dreg:$0x0];
	s2 =	stileid.u32  }
0xf6: {  	s1 =	rddreg [dreg:$0x1];
	p0 =	sne.s32 s2, $0x0  }
0xf7: {  	s3 =	rddreg [dreg:$0x2];
	[bflag:$0x3] =	sbarrier.arrive $0xFFFF;
	s2 =	simm.s32 @!p0 $0x1C05  }
0xf8: {  	[timem:s3], [sflag:s2] =	dma.local @!p0 [hbm:s0], s1  }
0xf9: {  	s0 =	simm.s32 @!p0 $0x5  }
0xfa: {  	_ =	swait.ge @!p0 [sflag:s0], s1  }
0xfb: {  	s1 =	ssub.s32 @!p0 $0x0, s1;
	[sflag:s0] =	ssyncset.done @!p0 $0x0  }
0xfc: {  	[sflag:s0] =	ssyncadd.s32 @!p0 s1  }
0xfd: {  	[bflag:$0x3] =	sbarrier.arrive $0xFFFF  }
0xfe: {  	_ =	shalt  }

// kernel: kernel.8.cloned.1.call-start
scs
__scs_entry_jumppad:
0x0: {  	(pc) =	sbr.rel $0x88, $3  }
0x1: {  	(tag) =	ssettag $0x0;
	lr =	simm.s32 $0x1  }
0x2: {  	[smem:$0x3F9B] =	sst lr;
	_ =	strace $0xD0000000  }
0x3: {  	_ = 	snop  }
0x4: {  	_ = 	snop  }
0x5: {  	_ = 	snop  }
0x6: {  	_ = 	snop  }
0x7: {  	_ = 	snop  }
__scs_overlays_trampoline_lowered:
0x8: {  	[smem:$0x3FAA] =	sst s0  }
0x9: {  	[smem:$0x3FAB] =	sst s1  }
0xa: {  	[smem:$0x3FAC] =	sst s2  }
0xb: {  	[smem:$0x3FAD] =	sst s3  }
0xc: {  	[smem:$0x3FAE] =	sst s4  }
0xd: {  	[smem:$0x3FAF] =	sst s5  }
0xe: {  	[smem:$0x3FB0] =	sst s6  }
0xf: {  	[smem:$0x3FB1] =	sst s7  }
0x10: {  	[smem:$0x3FB2] =	sst s8  }
0x11: {  	[smem:$0x3FB3] =	sst s9;
	s0 =	simm.s32 @!p0 $0x0  }
0x12: {  	s1 =	sld [smem:$0x3F99];
	s0 =	simm.s32 @p0 $0x1  }
0x13: {  	[smem:$0x3FB4] =	sst s0;
	s0 =	simm.s32 @!p1 $0x0  }
0x14: {  	s2 =	sld [smem:$0x3F98];
	s0 =	simm.s32 @p1 $0x1  }
0x15: {  	[smem:$0x3FB5] =	sst s0;
	s0 =	simm.s32 @!p2 $0x0  }
0x16: {  	s3 =	sld [smem:$0x3FDB];
	s0 =	simm.s32 @p2 $0x1  }
0x17: {  	s4 =	simm.s32 $0x1BF5;
	[smem:$0x3FB7] =	sst s0  }
0x18: {  	s0 =	sld [smem:$0x3F9A];
	_ =	swait.ge [sflag:s4], $0x0  }
0x19: {  	s7 =	sld [smem:$0x3F9B]  }
0x1a: {  	s8 =	sadd.s32 $0xFFFFE003, lr  }
0x1b: {  	s9 =	sadd.s32 $0xFFFFFEF7, lr;
	s5 =	simm.s32 $0xFFFFFFFF;
	p2 =	slt.u32 s8, $0xFFFFF086  }
0x1c: {  	p1 =	slt.u32 s9, $0xF7A;
	s5 =	simm.s32 @!p2 $0x0  }
0x1d: {  	s5 =	simm.s32 @p1 $0x1;
	p0 =	seq.s32 s7, s2  }
0x1e: {  	s7 =	smul.u32 @!p0 $0xF7A, s2;
	p2 =	seq.s32 @!p0 s5, $0x0  }
0x1f: {  	s9 =	smul.u32 $0xF7A, s1;
	s8 =	simm.s32 @!p0 $0x1BF5;
	p2 =	por !p2, p0  }
0x20: {  	[sflag:s8] =	ssyncset.s32 @!p0 $0xFFFFF086;
	s6 =	sadd.s32 @!p0 s3, s7;
	s7 =	simm.s32 @!p0 $0x108  }
0x21: {  	s3 =	sadd.s32 s3, s9;
	s6 =	sadd.s32 @!p0 $0x88, s6;
	s7 =	simm.s32 @p2 $0x1082  }
0x22: {  	[simem:s7], [sflag:s8] =	dma.local @!p0 [hbm:s6], $0xF7A  }
0x23: {  	s9 =	sor.u32 $0xD0000000, s2;
	s6 =	simm.s32 $0x108;
	_ =	swait.ge @!p0 [sflag:s8], $0x0  }
0x24: {  	s3 =	sadd.s32 $0x88, s3;
	s6 =	simm.s32 @!p1 $0x1082;
	[sflag:s4] =	ssyncset.s32 $0xFFFFF086  }
0x25: {  	[simem:s6], [sflag:s4] =	dma.local [hbm:s3], $0xF7A  }
0x26: {  	[smem:$0x3F9B] =	sst s1;
	(tag) =	ssettag s2;
	_ =	strace s9  }
0x27: {  	s1 =	sld [smem:$0x3FAB]  }
0x28: {  	s2 =	sld [smem:$0x3FAC]  }
0x29: {  	s4 =	sld [smem:$0x3FAE]  }
0x2a: {  	p0 =	seq.s32 s5, $0x0;
	s5 =	sld [smem:$0x3FAF]  }
0x2b: {  	s6 =	sld [smem:$0x3FB0]  }
0x2c: {  	s7 =	sld [smem:$0x3FB1]  }
0x2d: {  	s3 =	simm.s32 $0x108;
	s8 =	sld [smem:$0x3FB2]  }
0x2e: {  	s3 =	simm.s32 @!p0 $0x1082;
	s9 =	sld [smem:$0x3FB3]  }
0x2f: {  	lr =	sadd.s32 s0, s3;
	s0 =	sld [smem:$0x3FAA]  }
0x30: {  	s3 =	sld [smem:$0x3FAD]  }
0x31: {  	[smem:$0x3FB6] =	sst s10  }
0x32: {  	s10 =	sld [smem:$0x3FB4];
	_ =	sdelay $0x3  }
0x33: {  	p0 =	seq.s32 s10, $0x1;
	s10 =	sld [smem:$0x3FB6];
	_ =	sdelay $0x3  }
0x34: {  	[smem:$0x3FB6] =	sst s10  }
0x35: {  	s10 =	sld [smem:$0x3FB5];
	_ =	sdelay $0x3  }
0x36: {  	p1 =	seq.s32 s10, $0x1;
	s10 =	sld [smem:$0x3FB6];
	_ =	sdelay $0x3  }
0x37: {  	[smem:$0x3FB6] =	sst s10  }
0x38: {  	s10 =	sld [smem:$0x3FB7]  }
0x39: {  	_ = 	snop;
	(pc) =	sbr.ind lr, $3  }
0x3a: {  	_ = 	snop  }
0x3b: {  	_ = 	snop  }
0x3c: {  	p2 =	seq.s32 s10, $0x1;
	s10 =	sld [smem:$0x3FB6]  }
0x3d: {  	_ =	shalt  }
0x3e: {  	_ =	shalt  }
0x3f: {  	_ =	shalt  }
0x40: {  	_ =	shalt  }
0x41: {  	_ =	shalt  }
0x42: {  	_ =	shalt  }
0x43: {  	_ =	shalt  }
0x44: {  	_ =	shalt  }
0x45: {  	_ =	shalt  }
0x46: {  	_ =	shalt  }
0x47: {  	_ =	shalt  }
0x48: {  	_ =	shalt  }
0x49: {  	_ =	shalt  }
0x4a: {  	_ =	shalt  }
0x4b: {  	_ =	shalt  }
0x4c: {  	_ =	shalt  }
0x4d: {  	_ =	shalt  }
0x4e: {  	_ =	shalt  }
0x4f: {  	_ =	shalt  }
0x50: {  	_ =	shalt  }
0x51: {  	_ =	shalt  }
0x52: {  	_ =	shalt  }
0x53: {  	_ =	shalt  }
0x54: {  	_ =	shalt  }
0x55: {  	_ =	shalt  }
0x56: {  	_ =	shalt  }
0x57: {  	_ =	shalt  }
0x58: {  	_ =	shalt  }
0x59: {  	_ =	shalt  }
0x5a: {  	_ =	shalt  }
0x5b: {  	_ =	shalt  }
0x5c: {  	_ =	shalt  }
0x5d: {  	_ =	shalt  }
0x5e: {  	_ =	shalt  }
0x5f: {  	_ =	shalt  }
0x60: {  	_ =	shalt  }
0x61: {  	_ =	shalt  }
0x62: {  	_ =	shalt  }
0x63: {  	_ =	shalt  }
0x64: {  	_ =	shalt  }
0x65: {  	_ =	shalt  }
0x66: {  	_ =	shalt  }
0x67: {  	_ =	shalt  }
0x68: {  	_ =	shalt  }
0x69: {  	_ =	shalt  }
0x6a: {  	_ =	shalt  }
0x6b: {  	_ =	shalt  }
0x6c: {  	_ =	shalt  }
0x6d: {  	_ =	shalt  }
0x6e: {  	_ =	shalt  }
0x6f: {  	_ =	shalt  }
0x70: {  	_ =	shalt  }
0x71: {  	_ =	shalt  }
0x72: {  	_ =	shalt  }
0x73: {  	_ =	shalt  }
0x74: {  	_ =	shalt  }
0x75: {  	_ =	shalt  }
0x76: {  	_ =	shalt  }
0x77: {  	_ =	shalt  }
0x78: {  	_ =	shalt  }
0x79: {  	_ =	shalt  }
0x7a: {  	_ =	shalt  }
0x7b: {  	_ =	shalt  }
0x7c: {  	_ =	shalt  }
0x7d: {  	_ =	shalt  }
0x7e: {  	_ =	shalt  }
0x7f: {  	_ =	shalt  }
0x80: {  	_ =	shalt  }
0x81: {  	_ =	shalt  }
0x82: {  	_ =	shalt  }
0x83: {  	_ =	shalt  }
0x84: {  	_ =	shalt  }
0x85: {  	_ =	shalt  }
0x86: {  	_ =	shalt  }
0x87: {  	_ =	shalt  }
.Lfunc_end0:
.L_simem_size_0:
called_computation_lowered:
.L_overlay_start_0:
0x88: {  	s2 =	sld [smem:$0x3FD9]  }
0x89: {  	s3 =	sld [smem:$0x3FFE];
	_ =	sdelay $0x1  }
0x8a: {  	s1 =	srdreg.scid  }
0x8b: {  	s0 =	sand.u32 $0x1, s1  }
0x8c: {  	s17 =	sshll.u32 s0, $0xA;
	s2 =	sadd.s32 s3, s2  }
0x8d: {  	s2 =	sadd.s32 s2, s17  }
0x8e: {  	[smem:$0x3FC2] =	sst s2  }
0x8f: {  	_ = 	snop  }
0x90: {  	s2 =	sld [smem:$0x3FD0];
	(tm) =	ssettm $0x1  }
0x91: {  	s18 =	sld [smem:$0x3FFB];
	_ =	sdelay $0x3  }
0x92: {  	_ =	strace s18  }
0x93: {  	s3 =	sld [smem:$0x3FFC];
	_ =	sdelay $0x3  }
0x94: {  	_ =	strace s3  }
0x95: {  	s3 =	sld [smem:$0x3FFD];
	_ =	sdelay $0x3  }
0x96: {  	_ =	strace s3  }
0x97: {  	_ =	strace $0x8FFFFFFF  }
0x98: {  	s19 =	sld [smem:$0x3FDB];
	_ =	sdelay $0x1  }
0x99: {  	s4 =	simm.s32 $_scs_section_size  }
0x9a: {  	s5 =	simm.s32 $_size__tile_overlayer_lowered;
	s6 =	simm.s32 $_tile_overlayer_lowered  }
0x9b: {  	s22 =	simm.s32 $0x1BFF;
	s21 =	sshll.u32 s6, $0x1;
	s3 =	sadd.s32 s4, s19  }
0x9c: {  	s7 =	simm.s32 $0x0;
	s20 =	sshll.u32 s5, $0x1;
	s5 =	sadd.s32 s21, s3  }
0x9d: {  	[timem:s7], [sflag:s22] =	dma.local [hbm:s5], s20  }
0x9e: {  	_ =	swait.ge [sflag:s22], s20  }
0x9f: {  	s4 =	ssub.s32 $0x0, s20;
	[sflag:s22] =	ssyncset.done $0x0  }
0xa0: {  	[sflag:s22] =	ssyncadd.s32 s4;
	_ =	sdelay $0x1  }
0xa1: {  	s23 =	simm.s32 $0x1B8B  }
0xa2: {  	_ =	swait.ge [sflag:s23], $0x1  }
0xa3: {  	[sflag:s23] =	ssyncset.done $0x0  }
0xa4: {  	s25 =	simm.s32 $0x1B8E;
	s24 =	sld [smem:$0x3FFE];
	[sflag:s23] =	ssyncadd.s32 $0xFFFFFFFF  }
0xa5: {  	s26 =	simm.s32 $execute0_lowered;
	[smem:$0x3FD2] =	sst s25  }
0xa6: {  	s5 =	sshll.u32 s26, $0x1;
	_ =	strace $0x80000046;
	[dreg:$0x1] =	wrdreg $0xFFFFFFFF  }
0xa7: {  	s28 =	simm.s32 $_size_execute0_lowered;
	s3 =	sadd.s32 s3, s5;
	[dreg:$0x0] =	wrdreg $0x0  }
0xa8: {  	s5 =	sshll.u32 s28, $0x1;
	[dreg:$0x2] =	wrdreg s3  }
0xa9: {  	[dreg:$0x3] =	wrdreg s5  }
0xaa: {  	[dreg:$0x4] =	wrdreg $0xC0  }
0xab: {  	_ =	task [dreg:s7], $0x5FFFF  }
0xac: {  	[dreg:$0x1] =	wrdreg $0xFFFFFFFF  }
0xad: {  	[dreg:$0x0] =	wrdreg $0x60  }
0xae: {  	[dreg:$0x2] =	wrdreg s2  }
0xaf: {  	[dreg:$0x3] =	wrdreg s24  }
0xb0: {  	[dreg:$0x4] =	wrdreg $0x2B000  }
0xb1: {  	[dreg:$0x5] =	wrdreg $0x9  }
0xb2: {  	_ =	task.clear_ibuf [dreg:s7], $0x6FFFF;
	_ =	strace $0x90000046  }
0xb3: {  	s29 =	simm.s32 $0x9;
	_ =	strace $0x80000048  }
0xb4: {  	_ =	swait.ge [sflag:s29], $0x1  }
0xb5: {  	[sflag:s29] =	ssyncadd.s32 $0xFFFFFFFF  }
0xb6: {  	_ =	strace $0x90000048  }
0xb7: {  	_ =	sfence  }
0xb8: {  	s30 =	sld [smem:$0x0];
	_ =	sdelay $0x2  }
0xb9: {  	s31 =	sshll.u32 s1, $0xD;
	s1 =	sshrl.u32 s1, $0x2  }
0xba: {  	s3 =	sand.u32 $0x4000, s31;
	s1 =	sadd.s32 s1, s30  }
0xbb: {  	s0 =	sor.u32 s3, s0;
	s1 =	sshll.u32 s1, $0x11  }
0xbc: {  	s0 =	sor.u32 s1, s0  }
0xbd: {  	s0 =	sadd.s32 $0x8F2B, s0  }
0xbe: {  	[sflag:s0] =	ssyncadd.remote.s32 $0x1  }
0xbf: {  	_ =	sfence.sel $0xFFFF  }
0xc0: {  	[dreg:$0x0] =	wrdreg $0xFFFFFFFF;
	(pc) =	sbr.abs _section_cstart, $3  }
0xc1: {  	[dreg:$0x1] =	wrdreg $0xFFFFFFFF  }
0xc2: {  	_ =	task.clear_ibuf [dreg:s7], $0x2FFFF;
	_ =	strace $0x9FFFFFFF  }
0xc3: {  	(tm) =	ssettm $0x7FFFFFFF  }
tec
execute0_lowered:
.L_overlay_start_1:
0x0: {  	(tag) =	ssettag $0x1  }
0x1: {  	s4 =	rddreg [dreg:$0x0]  }
0x2: {  	s5 =	rddreg [dreg:$0x1]  }
0x3: {  	s2 =	rddreg [dreg:$0x2]  }
0x4: {  	s3 =	srdreg.scid;
	s1 =	stileid.u32  }
0x5: {  	s0 =	rddreg [dreg:$0x3];
	s11 =	simm.s32 $0x2800;
	s14 =	simm.s32 $0x20  }
0x6: {  	s15 =	simm.s32 $0x10;
	s16 =	simm.s32 $0x0;
	s7 =	smul.u32 $0x500, s1  }
0x7: {  	s6 =	sand.u32 $0x1, s3;
	s3 =	simm.s32 $0x0;
	s26 =	smul.u32 $0x2800, s1  }
0x8: {  	s10 =	smul.u32 $0xA00, s1;
	s12 =	sshll.u32 s1, $0x6;
	s8 =	sshll.u32 s6, $0x7  }
0x9: {  	s9 =	smul.u32 $0x28000, s6;
	[smem:$0x7FF] =	sst s3;
	s28 =	ssub.s32 $0x2, s6  }
0xa: {  	s12 =	sor.u32 $0x1C01, s12;
	s7 =	sor.u32 s8, s7;
	_ =	strace $0x80000047  }
0xb: {  	s30 =	sshrl.u32 s28, $0x1;
	s31 =	sshrl.u32 s10, $0x2;
	s10 =	simm.s32 $0x80  }
0xc: {  	s7 =	sshrl.u32 s7, $0x3;
	s29 =	sadd.s32 s26, s9;
	s8 =	ssub.s32 s28, s30  }
0xd: {  	s9 =	simm.s32 $0x2880;
	s7 =	sadd.s32 s7, s5;
	s6 =	sshrl.u32 s29, $0x3  }
0xe: {  	s5 =	sadd.s32 s31, s2;
	s4 =	sadd.s32 s4, s6;
	s6 =	sadd.s32 $0x1800, s7  }
0xf: {  	v0 =	vimm.f32 $1.000000000e+00;
	v1 =	vimm.f32 $0.0e+00;
	s7 =	smax.u32 s8, $0x1;
	s8 =	simm.s32 $0x1;
	s13 =	sshrl.u32 s5, $0x3  }
.LBB2_1:
0x10: {  	[tilespmem:s3], [sflag:$0x1] =	stream.linear.gather [hbm4b:s4+s3], $0x2800, $0x38;
	[tilespmem:$0x2D80] =	vst v63  }
0x11: {  	_ =	swait.ge [sflag:s8], $0x2800  }
0x12: {  	[sflag:s8] =	ssyncset.done $0x0  }
0x13: {  	[sflag:s8] =	ssyncadd.s32 $0xFFFFD800  }
0x14: {  	[tilespmem:$0x2800] =	vst v0  }
0x15: {  	[tilespmem:$0x2810] =	vst v0  }
0x16: {  	[tilespmem:$0x2820] =	vst v0  }
0x17: {  	[tilespmem:$0x2830] =	vst v0  }
0x18: {  	[tilespmem:$0x2840] =	vst v0  }
0x19: {  	[tilespmem:$0x2850] =	vst v0  }
0x1a: {  	[tilespmem:$0x2860] =	vst v0  }
0x1b: {  	[tilespmem:$0x2870] =	vst v0  }
0x1c: {  	[tilespmem:$0x2880] =	vst v1  }
0x1d: {  	[tilespmem:$0x2890] =	vst v1  }
0x1e: {  	[tilespmem:$0x28A0] =	vst v1  }
0x1f: {  	[tilespmem:$0x28B0] =	vst v1  }
0x20: {  	[tilespmem:$0x28C0] =	vst v1  }
0x21: {  	[tilespmem:$0x28D0] =	vst v1  }
0x22: {  	[tilespmem:$0x28E0] =	vst v1  }
0x23: {  	[tilespmem:$0x28F0] =	vst v1  }
0x24: {  	[tilespmem:$0x2900] =	vst v1  }
0x25: {  	[tilespmem:$0x2910] =	vst v1  }
0x26: {  	[tilespmem:$0x2920] =	vst v1  }
0x27: {  	[tilespmem:$0x2930] =	vst v1  }
0x28: {  	[tilespmem:$0x2940] =	vst v1  }
0x29: {  	[tilespmem:$0x2950] =	vst v1  }
0x2a: {  	[tilespmem:$0x2960] =	vst v1  }
0x2b: {  	[tilespmem:$0x2970] =	vst v1  }
0x2c: {  	[tilespmem:$0x2980] =	vst v1  }
0x2d: {  	[tilespmem:$0x2990] =	vst v1  }
0x2e: {  	[tilespmem:$0x29A0] =	vst v1  }
0x2f: {  	[tilespmem:$0x29B0] =	vst v1  }
0x30: {  	[tilespmem:$0x29C0] =	vst v1  }
0x31: {  	[tilespmem:$0x29D0] =	vst v1  }
0x32: {  	[tilespmem:$0x29E0] =	vst v1  }
0x33: {  	[tilespmem:$0x29F0] =	vst v1  }
0x34: {  	[tilespmem:$0x2A00] =	vst v1  }
0x35: {  	[tilespmem:$0x2A10] =	vst v1  }
0x36: {  	[tilespmem:$0x2A20] =	vst v1  }
0x37: {  	[tilespmem:$0x2A30] =	vst v1  }
0x38: {  	[tilespmem:$0x2A40] =	vst v1  }
0x39: {  	[tilespmem:$0x2A50] =	vst v1  }
0x3a: {  	[tilespmem:$0x2A60] =	vst v1  }
0x3b: {  	[tilespmem:$0x2A70] =	vst v1  }
0x3c: {  	[tilespmem:$0x2A80] =	vst v1  }
0x3d: {  	[tilespmem:$0x2A90] =	vst v1  }
0x3e: {  	[tilespmem:$0x2AA0] =	vst v1  }
0x3f: {  	[tilespmem:$0x2AB0] =	vst v1  }
0x40: {  	[tilespmem:$0x2AC0] =	vst v1  }
0x41: {  	[tilespmem:$0x2AD0] =	vst v1  }
0x42: {  	[tilespmem:$0x2AE0] =	vst v1  }
0x43: {  	[tilespmem:$0x2AF0] =	vst v1  }
0x44: {  	[spmem:s5] =	stream.linear.scatter [tilespmem:s9], [sflag:$0x1], $0x280, $0x38;
	[tilespmem:$0x2D80] =	vst v63  }
0x45: {  	_ =	swait.ge [sflag:s8], $0x280  }
0x46: {  	[sflag:s8] =	ssyncset.done $0x0  }
0x47: {  	[sflag:s8] =	ssyncadd.s32 $0xFFFFFD80  }
0x48: {  	s17 =	simm.s32 $0x0;
	[bflag:$0x0] =	sbarrier.arrive $0xFFFF  }
0x49: {  	[spmem:s2] =	stream.indirect.scatter.add.f32 [tilespmem:s11], [sflag:$0x1], $0x1, s17, s10, $0xb8;
	[tilespmem:$0x2D80] =	vst v63  }
0x4a: {  	_ =	swait.ge [sflag:s8], $0x80  }
0x4b: {  	s17 =	simm.s32 $0x200;
	[sflag:s8] =	ssyncset.done $0x0  }
.LBB2_2:
0x4c: {  	s18 =	sshra.s32 s17, $0x2;
	[sflag:s8] =	ssyncadd.s32 $0xFFFFFF80;
	p0 =	sne.s32 s17, $0x9E00  }
0x4d: {  	[spmem:s2] =	stream.indirect.scatter.add.f32 [tilespmem:s11], [sflag:$0x1], $0x1, s18, s10, $0xb8;
	[tilespmem:$0x2D80] =	vst v63  }
.Ltmp0:
0x4e: {  	_ = 	snop;
	(pc) =	sbr.rel @p0 .LBB2_2-.Ltmp0, $4  }
0x4f: {  	_ = 	snop  }
0x50: {  	s17 =	sadd.s32 $0x200, s17  }
0x51: {  	_ =	swait.ge [sflag:s8], $0x80  }
0x52: {  	[sflag:s8] =	ssyncset.done $0x0  }
0x53: {  	s16 =	sadd.s32 $0x1, s16  }
0x54: {  	[sflag:s8] =	ssyncadd.s32 $0xFFFFFF80;
	p0 =	sne.s32 s16, s7  }
.Ltmp1:
0x55: {  	[bflag:$0x0] =	sbarrier.arrive $0xFFFF;
	(pc) =	sbr.rel @p0 .LBB2_1-.Ltmp1, $4  }
0x56: {  	[hbm:s6@s14], [sflag:s12] =	dma.strided [spmem:s13@s15], $0x50, s8, $0x10   }
0x57: {  	_ =	swait.ge [sflag:s8], $0x50  }
0x58: {  	[sflag:s8] =	ssyncset.done $0x0  }
0x59: {  	[sflag:s8] =	ssyncadd.s32 $0xFFFFFFB0  }
0x5a: {  	_ =	sfence.sel $0x180000  }
0x5b: {  	[bflag:$0x0] =	sbarrier.arrive $0xFFFF  }
0x5c: {  	p0 =	sne.s32 s1, $0x0;
	_ =	strace $0x90000047  }
0x5d: {  	s0 =	sadd.s32 @!p0 $0x100000, s0;
	[bflag:$0x2] =	sbarrier.arrive $0xFFFF  }
0x5e: {  	[sflag:s0] =	ssyncadd.tile.s32 @!p0 $0x1;
	_ =	shalt  }
.Lfunc_end2:
_tile_overlayer_lowered:
.L_overlay_start_2:
0x5f: {  	(tag) =	ssettag $0x2  }
0x60: {  	s0 =	rddreg [dreg:$0x0];
	s2 =	stileid.u32  }
0x61: {  	s1 =	rddreg [dreg:$0x1];
	p0 =	sne.s32 s2, $0x0  }
0x62: {  	s3 =	rddreg [dreg:$0x2];
	[bflag:$0x3] =	sbarrier.arrive $0xFFFF;
	s2 =	simm.s32 @!p0 $0x1C01  }
0x63: {  	[timem:s3], [sflag:s2] =	dma.local @!p0 [hbm:s0], s1  }
0x64: {  	s0 =	simm.s32 @!p0 $0x1  }
0x65: {  	_ =	swait.ge @!p0 [sflag:s0], s1  }
0x66: {  	s1 =	ssub.s32 @!p0 $0x0, s1;
	[sflag:s0] =	ssyncset.done @!p0 $0x0  }
0x67: {  	[sflag:s0] =	ssyncadd.s32 @!p0 s1  }
0x68: {  	[bflag:$0x3] =	sbarrier.arrive $0xFFFF  }
0x69: {  	_ =	shalt  }

</sc_bundles>
